<compile_context>
chip_gen: v7x
topology: tpu7x:2x2x1
jax: 0.10.2.dev20260603
libtpu: 0.0.44.dev20260713+nightly
codegen_flags: <defaults>
</compile_context>

<pallas_src>
import functools

import jax
import jax.numpy as jnp
from jax import lax
from jax.experimental import pallas as pl
from jax.experimental.pallas import tpu as pltpu
from jax.experimental.pallas import tpu_sc as plsc

N = 10000
E = 320000
D = 128
DE = 16

NC = 2
NS = 16
NW = NC * NS
CHW = 80
CPW_FULL = 125
SPLIT = 63
NSLOT = 4
NSLOT_S = 2
NPAD = 10112
ROWS_PER_SUB = NPAD // NS
HALF_CPW = (63, 62)
HALF_BLK = (8064, 7936)


@functools.cache
def _mesh():
    return plsc.VectorSubcoreMesh(
        core_axis_name="c", subcore_axis_name="s", num_cores=NC, num_subcores=NS
    )


def _gather_diff_body(cpw, src_hbm, dst_hbm, table_hbm, ntable_hbm, diff_hbm,
                      idx_s, idx_d, buf, sga, sgb, sout):
    cid = lax.axis_index("c")
    sid = lax.axis_index("s")
    wid = sid * NC + cid
    ebase = wid * (cpw * CHW)

    pltpu.sync_copy(src_hbm.at[wid], idx_s)
    pltpu.sync_copy(dst_hbm.at[wid], idx_d)

    def fire1(j, b):
        pltpu.async_copy(table_hbm.at[idx_s.at[j]], buf.at[b], sga.at[b])

    def fire2(j, b):
        pltpu.async_copy(ntable_hbm.at[idx_d.at[j]], buf.at[b], sgb.at[b],
                         add=True)

    fire1(0, 0)
    fire1(1, 1)
    pltpu.make_async_copy(table_hbm.at[idx_s.at[0]], buf.at[0], sga.at[0]).wait()
    fire2(0, 0)

    def visit(k, carry):
        b = lax.rem(k, NSLOT)
        b1 = lax.rem(k + 1, NSLOT)
        b2 = lax.rem(k + NSLOT // 2, NSLOT)

        @pl.when(k >= NSLOT // 2)
        def _drain_out():
            pltpu.make_async_copy(
                buf.at[b2], diff_hbm.at[pl.ds(0, CHW), :], sout.at[b2]).wait()

        @pl.when(k + NSLOT // 2 < cpw)
        def _fire_g1():
            fire1(k + NSLOT // 2, b2)

        @pl.when(k + 1 < cpw)
        def _fire_g2():
            pltpu.make_async_copy(
                table_hbm.at[idx_s.at[k]], buf.at[b1], sga.at[b1]).wait()
            fire2(k + 1, b1)

        pltpu.make_async_copy(
            ntable_hbm.at[idx_d.at[k]], buf.at[b], sgb.at[b]).wait()
        pltpu.async_copy(
            buf.at[b], diff_hbm.at[pl.ds(ebase + k * CHW, CHW), :], sout.at[b])
        return carry

    lax.fori_loop(0, cpw, visit, 0)
    for kk in range(cpw - NSLOT // 2, cpw):
        pltpu.make_async_copy(
            buf.at[kk % NSLOT], diff_hbm.at[pl.ds(0, CHW), :],
            sout.at[kk % NSLOT]).wait()


def _gather_diff(src3, dst3, node_feat, neg_node_feat, cpw):
    return pl.kernel(
        functools.partial(_gather_diff_body, cpw),
        out_type=jax.ShapeDtypeStruct((NW * cpw * CHW, D), jnp.float32),
        mesh=_mesh(),
        scratch_types=[
            pltpu.VMEM((cpw, CHW), jnp.int32),
            pltpu.VMEM((cpw, CHW), jnp.int32),
            pltpu.VMEM((NSLOT, CHW, D), jnp.float32),
            pltpu.SemaphoreType.DMA((NSLOT,)),
            pltpu.SemaphoreType.DMA((NSLOT,)),
            pltpu.SemaphoreType.DMA((NSLOT,)),
        ],
    )(src3, dst3, node_feat, neg_node_feat)


def _edge_mlp_body(x_ref, f_ref, w1m, b1m, w2, b2r, a2m, a2r, out_ref):
    x = x_ref[...]
    f = f_ref[...]
    dot = functools.partial(jnp.dot, preferred_element_type=jnp.float32)
    pre = dot(x, w1m[:D]) + dot(f, w1m[D:]) + b1m[...]
    h1 = jnp.maximum(pre[:, :D], 0.0)
    ah = jnp.maximum(pre[:, D:], 0.0)
    msg = dot(h1, w2[...]) + b2r[...]
    att = jax.nn.sigmoid(dot(ah, a2m[...]) + a2r[...])
    out_ref[...] = msg * att


def _edge_mlp(diff, edge_feat, w1m, b1m, w2, b2r, a2m, a2r, blk):
    ne = diff.shape[0]
    full = lambda shape: pl.BlockSpec(shape, lambda i: (0, 0))
    return pl.pallas_call(
        _edge_mlp_body,
        grid=(ne // blk,),
        in_specs=[
            pl.BlockSpec((blk, D), lambda i: (i, 0)),
            pl.BlockSpec((blk, DE), lambda i: (i, 0)),
            full((D + DE, 2 * D)), full((1, 2 * D)),
            full((D, D)), full((1, D)),
            full((D, D)), full((1, D)),
        ],
        out_specs=pl.BlockSpec((blk, D), lambda i: (i, 0)),
        out_shape=jax.ShapeDtypeStruct((ne, D), jnp.float32),
    )(diff, edge_feat, w1m, b1m, w2, b2r, a2m, a2r)


def _scatter_body(cpw, msg_hbm, dsti_hbm, zeros_hbm, out_hbm,
                  idx, mbuf, accum, srd, ssc):
    cid = lax.axis_index("c")
    sid = lax.axis_index("s")
    wid = sid * NC + cid
    ebase = wid * (cpw * CHW)
    rbase = sid * ROWS_PER_SUB
    rows = pl.ds(rbase, ROWS_PER_SUB)
    pltpu.sync_copy(zeros_hbm.at[rows, :], accum.at[rows, :])
    pltpu.sync_copy(dsti_hbm.at[wid], idx)
    plsc.subcore_barrier()

    def fire(j, b):
        pltpu.async_copy(
            msg_hbm.at[pl.ds(ebase + j * CHW, CHW), :], mbuf.at[b], srd.at[b])

    for j in range(NSLOT_S // 2):
        fire(j, j)

    def visit(k, carry):
        b = lax.rem(k, NSLOT_S)
        b2 = lax.rem(k + NSLOT_S // 2, NSLOT_S)

        @pl.when(k >= NSLOT_S // 2)
        def _drain_sc():
            pltpu.make_async_copy(
                mbuf.at[b2], accum.at[idx.at[k]], ssc.at[b2]).wait()

        @pl.when(k + NSLOT_S // 2 < cpw)
        def _refill():
            fire(k + NSLOT_S // 2, b2)

        pltpu.make_async_copy(
            msg_hbm.at[pl.ds(0, CHW), :], mbuf.at[b], srd.at[b]).wait()
        pltpu.async_copy(mbuf.at[b], accum.at[idx.at[k]], ssc.at[b], add=True)
        return carry

    lax.fori_loop(0, cpw, visit, 0)
    for kk in range(cpw - NSLOT_S // 2, cpw):
        pltpu.make_async_copy(
            mbuf.at[kk % NSLOT_S], accum.at[idx.at[kk]],
            ssc.at[kk % NSLOT_S]).wait()
    plsc.subcore_barrier()
    pltpu.sync_copy(accum.at[rows, :], out_hbm.at[cid, rows, :])


def _scatter_add(msg, dst3, zeros, cpw):
    return pl.kernel(
        functools.partial(_scatter_body, cpw),
        out_type=jax.ShapeDtypeStruct((NC, NPAD, D), jnp.float32),
        mesh=_mesh(),
        scratch_types=[
            pltpu.VMEM((cpw, CHW), jnp.int32),
            pltpu.VMEM((NSLOT_S, CHW, D), jnp.float32),
            pltpu.VMEM_SHARED((NPAD, D), jnp.float32),
            pltpu.SemaphoreType.DMA((NSLOT_S,)),
            pltpu.SemaphoreType.DMA((NSLOT_S,)),
        ],
    )(msg, dst3, zeros)


BLK_N = 2000


def _gru_body(p1_ref, p2_ref, h_ref, wih, bih, whh, bhh, out_ref):
    sm = p1_ref[0] + p1_ref[1] + p2_ref[0] + p2_ref[1]
    h = h_ref[...]
    dot = functools.partial(jnp.dot, preferred_element_type=jnp.float32)
    gi = dot(sm, wih[...]) + bih[...]
    gh = dot(h, whh[...]) + bhh[...]
    r = jax.nn.sigmoid(gi[:, :D] + gh[:, :D])
    z = jax.nn.sigmoid(gi[:, D:2 * D] + gh[:, D:2 * D])
    n = jnp.tanh(gi[:, 2 * D:] + r * gh[:, 2 * D:])
    out_ref[...] = (1.0 - z) * n + z * h


def _gru(parts, h, wih, bih, whh, bhh):
    full = lambda shape: pl.BlockSpec(shape, lambda i: (0, 0))
    return pl.pallas_call(
        _gru_body,
        grid=(N // BLK_N,),
        in_specs=[
            pl.BlockSpec((NC, BLK_N, D), lambda i: (0, i, 0)),
            pl.BlockSpec((NC, BLK_N, D), lambda i: (0, i, 0)),
            pl.BlockSpec((BLK_N, D), lambda i: (i, 0)),
            full((D, 3 * D)), full((1, 3 * D)),
            full((D, 3 * D)), full((1, 3 * D)),
        ],
        out_specs=pl.BlockSpec((BLK_N, D), lambda i: (i, 0)),
        out_shape=jax.ShapeDtypeStruct((N, D), jnp.float32),
    )(*parts, h, wih, bih, whh, bhh)


def kernel(node_feat, edge, edge_feat, W1, b1, W2, b2, A1, a1, A2, a2,
           W_ih, b_ih, W_hh, b_hh):
    nneg = jnp.negative(node_feat)
    zeros = jnp.zeros((NPAD, D), jnp.float32)
    w1m = jnp.concatenate(
        [jnp.concatenate([W1[:, :D].T, A1[:, :D].T], axis=1),
         jnp.concatenate([W1[:, D:].T, A1[:, D:].T], axis=1)], axis=0)
    b1m = jnp.concatenate([b1, a1])[None]
    parts = []
    e0 = 0
    for h in range(len(HALF_CPW)):
        cpw = HALF_CPW[h]
        ne = NW * cpw * CHW
        srch = lax.slice(edge, (e0, 0), (e0 + ne, 1)).reshape(NW, cpw, CHW)
        dsth = lax.slice(edge, (e0, 1), (e0 + ne, 2)).reshape(NW, cpw, CHW)
        diff = _gather_diff(srch, dsth, node_feat, nneg, cpw)
        msg = _edge_mlp(diff, edge_feat[e0:e0 + ne], w1m, b1m,
                        W2.T, b2[None], A2.T, a2[None], HALF_BLK[h])
        parts.append(_scatter_add(msg, dsth, zeros, cpw))
        e0 += ne
    return _gru(parts, node_feat,
                W_ih.T, b_ih[None], W_hh.T, b_hh[None])

# --- scband reference (transcript-rebuilt; emitter-appended) ---
"""Pipeline reference for scband-granmixture-bernoulli-10015863734699 (READ-ONLY COPY).

The authoritative reference and input builder live on the scoring server;
editing this copy changes nothing except your own understanding.
"""

import jax, jax.numpy as jnp
import numpy as np

N = 10000
E = 320000
D = 128      # node_state_dim
DE = 16      # edge_feat_dim
MSG = 128    # msg_dim
ATT = 128    # att_hidden_dim


def setup_inputs(seed: int = 0) -> dict:
    key = jax.random.key(seed)
    ks = jax.random.split(key, 16)
    s = 0.05
    inp = {}
    inp['node_feat'] = jax.random.normal(ks[0], (N, D), dtype=jnp.float32)
    inp['edge'] = jax.random.randint(ks[1], (E, 2), 0, N, dtype=jnp.int32)
    inp['edge_feat'] = jax.random.normal(ks[2], (E, DE), dtype=jnp.float32)
    # msg_func: Linear(D+DE -> MSG), ReLU, Linear(MSG -> MSG)
    inp['W1'] = jax.random.normal(ks[3], (MSG, D + DE), dtype=jnp.float32) * s
    inp['b1'] = jnp.zeros((MSG,), dtype=jnp.float32)
    inp['W2'] = jax.random.normal(ks[4], (MSG, MSG), dtype=jnp.float32) * s
    inp['b2'] = jnp.zeros((MSG,), dtype=jnp.float32)
    # att_head: Linear(D+DE -> ATT), ReLU, Linear(ATT -> MSG), Sigmoid
    inp['A1'] = jax.random.normal(ks[5], (ATT, D + DE), dtype=jnp.float32) * s
    inp['a1'] = jnp.zeros((ATT,), dtype=jnp.float32)
    inp['A2'] = jax.random.normal(ks[6], (MSG, ATT), dtype=jnp.float32) * s
    inp['a2'] = jnp.zeros((MSG,), dtype=jnp.float32)
    # GRUCell(input=MSG, hidden=D)
    inp['W_ih'] = jax.random.normal(ks[7], (3 * D, MSG), dtype=jnp.float32) * s
    inp['b_ih'] = jnp.zeros((3 * D,), dtype=jnp.float32)
    inp['W_hh'] = jax.random.normal(ks[8], (3 * D, D), dtype=jnp.float32) * s
    inp['b_hh'] = jnp.zeros((3 * D,), dtype=jnp.float32)
    return inp


def _gru_cell(x, h, W_ih, b_ih, W_hh, b_hh):
    gi = x @ W_ih.T + b_ih
    gh = h @ W_hh.T + b_hh
    i_r, i_z, i_n = jnp.split(gi, 3, axis=1)
    h_r, h_z, h_n = jnp.split(gh, 3, axis=1)
    r = jax.nn.sigmoid(i_r + h_r)
    z = jax.nn.sigmoid(i_z + h_z)
    n = jnp.tanh(i_n + r * h_n)
    return (1.0 - z) * n + z * h


def reference(node_feat, edge, edge_feat, W1, b1, W2, b2, A1, a1, A2, a2, W_ih, b_ih, W_hh, b_hh):
    state = node_feat
    # _prop (num_layer=1, num_prop=1)
    state_diff = state[edge[:, 0], :] - state[edge[:, 1], :]
    edge_input = jnp.concatenate([state_diff, edge_feat], axis=1)
    h1 = jax.nn.relu(edge_input @ W1.T + b1)
    msg = h1 @ W2.T + b2
    att_h = jax.nn.relu(edge_input @ A1.T + a1)
    att_weight = jax.nn.sigmoid(att_h @ A2.T + a2)
    msg = msg * att_weight
    state_msg = jnp.zeros((state.shape[0], msg.shape[1]), dtype=state.dtype).at[edge[:, 1]].add(msg)
    state = _gru_cell(state_msg, state, W_ih, b_ih, W_hh, b_hh)
    return state


if False:  # reference __main__ guard neutralized (emitter)
    out = reference(**setup_inputs())
    print(out.shape, out.dtype)

if __name__ == "__main__":
    import jax
    _d = setup_inputs()
    print(jax.jit(kernel)(*tuple(_d.values())))

</pallas_src>

<mosaic_0001>
#map = affine_map<(d0, d1) -> (0, 0, 0)>
#map1 = affine_map<(d0, d1) -> (0, 0)>
module attributes {stable_mosaic.version = 14 : i64} {
  func.func @_gather_diff_body(%arg0: i32, %arg1: i32, %arg2: memref<32x62x80xi32, #tpu.memory_space<hbm>>, %arg3: memref<32x62x80xi32, #tpu.memory_space<hbm>>, %arg4: memref<10000x128xf32, #tpu.memory_space<hbm>>, %arg5: memref<10000x128xf32, #tpu.memory_space<hbm>>, %arg6: memref<158720x128xf32, #tpu.memory_space<hbm>>, %arg7: memref<62x80xi32, #tpu.memory_space<vmem>>, %arg8: memref<62x80xi32, #tpu.memory_space<vmem>>, %arg9: memref<4x80x128xf32, #tpu.memory_space<vmem>>, %arg10: memref<4x!tpu.dma_semaphore, #tpu.memory_space<semaphore_mem>>, %arg11: memref<4x!tpu.dma_semaphore, #tpu.memory_space<semaphore_mem>>, %arg12: memref<4x!tpu.dma_semaphore, #tpu.memory_space<semaphore_mem>>) attributes {dimension_semantics = [#tpu.dimension_semantics<core_parallel>, #tpu.dimension_semantics<subcore_parallel>], iteration_bounds = array<i64: 2, 16>, scalar_prefetch = 0 : i64, scratch_operands = 6 : i64, tpu.core_type = #tpu.core_type<sc_vector_subcore>, window_params = [{transform_indices = #map}, {transform_indices = #map}, {transform_indices = #map1}, {transform_indices = #map1}, {transform_indices = #map1}]} {
    %mul3A = arith.constant 2 : i32
    %mul3A_0 = arith.muli %arg1, %mul3A : i32
    %add3A = arith.addi %mul3A_0, %arg0 : i32
    %mul3A_1 = arith.constant 4960 : i32
    %mul3A_2 = arith.muli %add3A, %mul3A_1 : i32
    "tpu.region"() ({
      %run_scoped3A = tpu.sem_alloc : memref<!tpu.dma_semaphore, #tpu.memory_space<semaphore_mem>>
      %dma_start3A_102 = arith.constant 0 : i32
      %dma_start3A_103 = arith.constant 0 : i32
      %dma_start3A_104 = tpu.memref_slice %arg2[%add3A, %dma_start3A_102, %dma_start3A_103] : memref<32x62x80xi32, #tpu.memory_space<hbm>> -> memref<1x62x80xi32, #tpu.memory_space<hbm>>
      %dma_start3A_105 = tpu.memref_squeeze %dma_start3A_104 : memref<1x62x80xi32, #tpu.memory_space<hbm>> -> memref<62x80xi32, #tpu.memory_space<hbm>>
      %dma_start3A_106 = arith.constant 0 : i32
      %dma_start3A_107 = arith.constant 0 : i32
      %dma_start3A_108 = tpu.memref_slice %arg2[%add3A, %dma_start3A_106, %dma_start3A_107] : memref<32x62x80xi32, #tpu.memory_space<hbm>> -> memref<1x62x80xi32, #tpu.memory_space<hbm>>
      %dma_start3A_109 = tpu.memref_squeeze %dma_start3A_108 : memref<1x62x80xi32, #tpu.memory_space<hbm>> -> memref<62x80xi32, #tpu.memory_space<hbm>>
      tpu.enqueue_dma source(%dma_start3A_109 : memref<62x80xi32, #tpu.memory_space<hbm>>) target(%arg7 : memref<62x80xi32, #tpu.memory_space<vmem>>) target_semaphore(%run_scoped3A : memref<!tpu.dma_semaphore, #tpu.memory_space<semaphore_mem>>)
      %dma_wait3A_110 = arith.constant 0 : i32
      %dma_wait3A_111 = arith.constant 0 : i32
      %dma_wait3A_112 = tpu.memref_slice %arg2[%add3A, %dma_wait3A_110, %dma_wait3A_111] : memref<32x62x80xi32, #tpu.memory_space<hbm>> -> memref<1x62x80xi32, #tpu.memory_space<hbm>>
      %dma_wait3A_113 = tpu.memref_squeeze %dma_wait3A_112 : memref<1x62x80xi32, #tpu.memory_space<hbm>> -> memref<62x80xi32, #tpu.memory_space<hbm>>
      %dma_wait3A_114 = arith.constant 0 : i32
      %dma_wait3A_115 = arith.constant 0 : i32
      %dma_wait3A_116 = tpu.memref_slice %arg2[%add3A, %dma_wait3A_114, %dma_wait3A_115] : memref<32x62x80xi32, #tpu.memory_space<hbm>> -> memref<1x62x80xi32, #tpu.memory_space<hbm>>
      %dma_wait3A_117 = tpu.memref_squeeze %dma_wait3A_116 : memref<1x62x80xi32, #tpu.memory_space<hbm>> -> memref<62x80xi32, #tpu.memory_space<hbm>>
      tpu.wait_dma2 semaphore(%run_scoped3A : memref<!tpu.dma_semaphore, #tpu.memory_space<semaphore_mem>>) src(%dma_wait3A_117 : memref<62x80xi32, #tpu.memory_space<hbm>>) dst(%arg7 : memref<62x80xi32, #tpu.memory_space<vmem>>)
      tpu.yield
    }) : () -> ()
    "tpu.region"() ({
      %run_scoped3A = tpu.sem_alloc : memref<!tpu.dma_semaphore, #tpu.memory_space<semaphore_mem>>
      %dma_start3A_102 = arith.constant 0 : i32
      %dma_start3A_103 = arith.constant 0 : i32
      %dma_start3A_104 = tpu.memref_slice %arg3[%add3A, %dma_start3A_102, %dma_start3A_103] : memref<32x62x80xi32, #tpu.memory_space<hbm>> -> memref<1x62x80xi32, #tpu.memory_space<hbm>>
      %dma_start3A_105 = tpu.memref_squeeze %dma_start3A_104 : memref<1x62x80xi32, #tpu.memory_space<hbm>> -> memref<62x80xi32, #tpu.memory_space<hbm>>
      %dma_start3A_106 = arith.constant 0 : i32
      %dma_start3A_107 = arith.constant 0 : i32
      %dma_start3A_108 = tpu.memref_slice %arg3[%add3A, %dma_start3A_106, %dma_start3A_107] : memref<32x62x80xi32, #tpu.memory_space<hbm>> -> memref<1x62x80xi32, #tpu.memory_space<hbm>>
      %dma_start3A_109 = tpu.memref_squeeze %dma_start3A_108 : memref<1x62x80xi32, #tpu.memory_space<hbm>> -> memref<62x80xi32, #tpu.memory_space<hbm>>
      tpu.enqueue_dma source(%dma_start3A_109 : memref<62x80xi32, #tpu.memory_space<hbm>>) target(%arg8 : memref<62x80xi32, #tpu.memory_space<vmem>>) target_semaphore(%run_scoped3A : memref<!tpu.dma_semaphore, #tpu.memory_space<semaphore_mem>>)
      %dma_wait3A_110 = arith.constant 0 : i32
      %dma_wait3A_111 = arith.constant 0 : i32
      %dma_wait3A_112 = tpu.memref_slice %arg3[%add3A, %dma_wait3A_110, %dma_wait3A_111] : memref<32x62x80xi32, #tpu.memory_space<hbm>> -> memref<1x62x80xi32, #tpu.memory_space<hbm>>
      %dma_wait3A_113 = tpu.memref_squeeze %dma_wait3A_112 : memref<1x62x80xi32, #tpu.memory_space<hbm>> -> memref<62x80xi32, #tpu.memory_space<hbm>>
      %dma_wait3A_114 = arith.constant 0 : i32
      %dma_wait3A_115 = arith.constant 0 : i32
      %dma_wait3A_116 = tpu.memref_slice %arg3[%add3A, %dma_wait3A_114, %dma_wait3A_115] : memref<32x62x80xi32, #tpu.memory_space<hbm>> -> memref<1x62x80xi32, #tpu.memory_space<hbm>>
      %dma_wait3A_117 = tpu.memref_squeeze %dma_wait3A_116 : memref<1x62x80xi32, #tpu.memory_space<hbm>> -> memref<62x80xi32, #tpu.memory_space<hbm>>
      tpu.wait_dma2 semaphore(%run_scoped3A : memref<!tpu.dma_semaphore, #tpu.memory_space<semaphore_mem>>) src(%dma_wait3A_117 : memref<62x80xi32, #tpu.memory_space<hbm>>) dst(%arg8 : memref<62x80xi32, #tpu.memory_space<vmem>>)
      tpu.yield
    }) : () -> ()
    %dma_start3A = arith.constant 0 : i32
    %dma_start3A_3 = arith.constant 0 : i32
    %dma_start3A_4 = arith.constant 0 : i32
    %dma_start3A_5 = arith.constant 0 : i32
    %dma_start3A_6 = arith.constant 0 : i32
    %dma_start3A_7 = tpu.memref_slice %arg9[%dma_start3A_3, %dma_start3A_5, %dma_start3A_6] : memref<4x80x128xf32, #tpu.memory_space<vmem>> -> memref<1x80x128xf32, #tpu.memory_space<vmem>>
    %dma_start3A_8 = tpu.memref_squeeze %dma_start3A_7 : memref<1x80x128xf32, #tpu.memory_space<vmem>> -> memref<80x128xf32, #tpu.memory_space<vmem>>
    %dma_start3A_9 = arith.constant 0 : i32
    %dma_start3A_10 = tpu.memref_slice %arg7[%dma_start3A, %dma_start3A_9] : memref<62x80xi32, #tpu.memory_space<vmem>> -> memref<1x80xi32, #tpu.memory_space<vmem>>
    %dma_start3A_11 = tpu.memref_squeeze %dma_start3A_10 : memref<1x80xi32, #tpu.memory_space<vmem>> -> memref<80xi32, #tpu.memory_space<vmem>>
    %dma_start3A_12 = arith.constant 0 : i32
    %dma_start3A_13 = arith.constant 0 : i32
    %dma_start3A_14 = tpu.memref_slice %arg4[%dma_start3A_12, %dma_start3A_13] : memref<10000x128xf32, #tpu.memory_space<hbm>> -> memref<10000x128xf32, #tpu.memory_space<hbm>>
    %dma_start3A_15 = tpu.memref_slice %arg10[%dma_start3A_4] : memref<4x!tpu.dma_semaphore, #tpu.memory_space<semaphore_mem>> -> memref<1x!tpu.dma_semaphore, #tpu.memory_space<semaphore_mem>>
    %dma_start3A_16 = tpu.memref_squeeze %dma_start3A_15 : memref<1x!tpu.dma_semaphore, #tpu.memory_space<semaphore_mem>> -> memref<!tpu.dma_semaphore, #tpu.memory_space<semaphore_mem>>
    tpu.enqueue_indirect_dma source(%dma_start3A_14 : memref<10000x128xf32, #tpu.memory_space<hbm>>) target(%dma_start3A_8 : memref<80x128xf32, #tpu.memory_space<vmem>>) offsets(%dma_start3A_11 : memref<80xi32, #tpu.memory_space<vmem>>) semaphore(%dma_start3A_16 : memref<!tpu.dma_semaphore, #tpu.memory_space<semaphore_mem>>)
    %dma_start3A_17 = arith.constant 1 : i32
    %dma_start3A_18 = arith.constant 1 : i32
    %dma_start3A_19 = arith.constant 1 : i32
    %dma_start3A_20 = arith.constant 0 : i32
    %dma_start3A_21 = arith.constant 0 : i32
    %dma_start3A_22 = tpu.memref_slice %arg9[%dma_start3A_18, %dma_start3A_20, %dma_start3A_21] : memref<4x80x128xf32, #tpu.memory_space<vmem>> -> memref<1x80x128xf32, #tpu.memory_space<vmem>>
    %dma_start3A_23 = tpu.memref_squeeze %dma_start3A_22 : memref<1x80x128xf32, #tpu.memory_space<vmem>> -> memref<80x128xf32, #tpu.memory_space<vmem>>
    %dma_start3A_24 = arith.constant 0 : i32
    %dma_start3A_25 = tpu.memref_slice %arg7[%dma_start3A_17, %dma_start3A_24] : memref<62x80xi32, #tpu.memory_space<vmem>> -> memref<1x80xi32, #tpu.memory_space<vmem>>
    %dma_start3A_26 = tpu.memref_squeeze %dma_start3A_25 : memref<1x80xi32, #tpu.memory_space<vmem>> -> memref<80xi32, #tpu.memory_space<vmem>>
    %dma_start3A_27 = arith.constant 0 : i32
    %dma_start3A_28 = arith.constant 0 : i32
    %dma_start3A_29 = tpu.memref_slice %arg4[%dma_start3A_27, %dma_start3A_28] : memref<10000x128xf32, #tpu.memory_space<hbm>> -> memref<10000x128xf32, #tpu.memory_space<hbm>>
    %dma_start3A_30 = tpu.memref_slice %arg10[%dma_start3A_19] : memref<4x!tpu.dma_semaphore, #tpu.memory_space<semaphore_mem>> -> memref<1x!tpu.dma_semaphore, #tpu.memory_space<semaphore_mem>>
    %dma_start3A_31 = tpu.memref_squeeze %dma_start3A_30 : memref<1x!tpu.dma_semaphore, #tpu.memory_space<semaphore_mem>> -> memref<!tpu.dma_semaphore, #tpu.memory_space<semaphore_mem>>
    tpu.enqueue_indirect_dma source(%dma_start3A_29 : memref<10000x128xf32, #tpu.memory_space<hbm>>) target(%dma_start3A_23 : memref<80x128xf32, #tpu.memory_space<vmem>>) offsets(%dma_start3A_26 : memref<80xi32, #tpu.memory_space<vmem>>) semaphore(%dma_start3A_31 : memref<!tpu.dma_semaphore, #tpu.memory_space<semaphore_mem>>)
    %dma_wait3A = arith.constant 0 : i32
    %dma_wait3A_32 = arith.constant 0 : i32
    %dma_wait3A_33 = arith.constant 0 : i32
    %dma_wait3A_34 = arith.constant 0 : i32
    %dma_wait3A_35 = arith.constant 0 : i32
    %dma_wait3A_36 = tpu.memref_slice %arg9[%dma_wait3A_32, %dma_wait3A_34, %dma_wait3A_35] : memref<4x80x128xf32, #tpu.memory_space<vmem>> -> memref<1x80x128xf32, #tpu.memory_space<vmem>>
    %dma_wait3A_37 = tpu.memref_squeeze %dma_wait3A_36 : memref<1x80x128xf32, #tpu.memory_space<vmem>> -> memref<80x128xf32, #tpu.memory_space<vmem>>
    %dma_wait3A_38 = arith.constant 0 : i32
    %dma_wait3A_39 = tpu.memref_slice %arg7[%dma_wait3A, %dma_wait3A_38] : memref<62x80xi32, #tpu.memory_space<vmem>> -> memref<1x80xi32, #tpu.memory_space<vmem>>
    %dma_wait3A_40 = tpu.memref_squeeze %dma_wait3A_39 : memref<1x80xi32, #tpu.memory_space<vmem>> -> memref<80xi32, #tpu.memory_space<vmem>>
    %dma_wait3A_41 = arith.constant 0 : i32
    %dma_wait3A_42 = arith.constant 0 : i32
    %dma_wait3A_43 = tpu.memref_slice %arg4[%dma_wait3A_41, %dma_wait3A_42] : memref<10000x128xf32, #tpu.memory_space<hbm>> -> memref<10000x128xf32, #tpu.memory_space<hbm>>
    %dma_wait3A_44 = tpu.memref_slice %arg10[%dma_wait3A_33] : memref<4x!tpu.dma_semaphore, #tpu.memory_space<semaphore_mem>> -> memref<1x!tpu.dma_semaphore, #tpu.memory_space<semaphore_mem>>
    %dma_wait3A_45 = tpu.memref_squeeze %dma_wait3A_44 : memref<1x!tpu.dma_semaphore, #tpu.memory_space<semaphore_mem>> -> memref<!tpu.dma_semaphore, #tpu.memory_space<semaphore_mem>>
    tpu.wait_indirect_dma semaphore(%dma_wait3A_45 : memref<!tpu.dma_semaphore, #tpu.memory_space<semaphore_mem>>) src(%dma_wait3A_43 : memref<10000x128xf32, #tpu.memory_space<hbm>>) dst(%dma_wait3A_37 : memref<80x128xf32, #tpu.memory_space<vmem>>)
    %dma_start3A_46 = arith.constant 0 : i32
    %dma_start3A_47 = arith.constant 0 : i32
    %dma_start3A_48 = arith.constant 0 : i32
    %dma_start3A_49 = arith.constant 0 : i32
    %dma_start3A_50 = arith.constant 0 : i32
    %dma_start3A_51 = tpu.memref_slice %arg9[%dma_start3A_47, %dma_start3A_49, %dma_start3A_50] : memref<4x80x128xf32, #tpu.memory_space<vmem>> -> memref<1x80x128xf32, #tpu.memory_space<vmem>>
    %dma_start3A_52 = tpu.memref_squeeze %dma_start3A_51 : memref<1x80x128xf32, #tpu.memory_space<vmem>> -> memref<80x128xf32, #tpu.memory_space<vmem>>
    %dma_start3A_53 = arith.constant 0 : i32
    %dma_start3A_54 = tpu.memref_slice %arg8[%dma_start3A_46, %dma_start3A_53] : memref<62x80xi32, #tpu.memory_space<vmem>> -> memref<1x80xi32, #tpu.memory_space<vmem>>
    %dma_start3A_55 = tpu.memref_squeeze %dma_start3A_54 : memref<1x80xi32, #tpu.memory_space<vmem>> -> memref<80xi32, #tpu.memory_space<vmem>>
    %dma_start3A_56 = arith.constant 0 : i32
    %dma_start3A_57 = arith.constant 0 : i32
    %dma_start3A_58 = tpu.memref_slice %arg5[%dma_start3A_56, %dma_start3A_57] : memref<10000x128xf32, #tpu.memory_space<hbm>> -> memref<10000x128xf32, #tpu.memory_space<hbm>>
    %dma_start3A_59 = tpu.memref_slice %arg11[%dma_start3A_48] : memref<4x!tpu.dma_semaphore, #tpu.memory_space<semaphore_mem>> -> memref<1x!tpu.dma_semaphore, #tpu.memory_space<semaphore_mem>>
    %dma_start3A_60 = tpu.memref_squeeze %dma_start3A_59 : memref<1x!tpu.dma_semaphore, #tpu.memory_space<semaphore_mem>> -> memref<!tpu.dma_semaphore, #tpu.memory_space<semaphore_mem>>
    tpu.enqueue_indirect_dma source(%dma_start3A_58 : memref<10000x128xf32, #tpu.memory_space<hbm>>) target(%dma_start3A_52 : memref<80x128xf32, #tpu.memory_space<vmem>>) offsets(%dma_start3A_55 : memref<80xi32, #tpu.memory_space<vmem>>) semaphore(%dma_start3A_60 : memref<!tpu.dma_semaphore, #tpu.memory_space<semaphore_mem>>) {add = true}
    %scan3A = arith.constant 0 : i32
    %scan3A_61 = arith.constant 0 : i32
    %scan3A_62 = arith.constant 62 : i32
    %scan3A_63 = arith.addi %scan3A_61, %scan3A_62 : i32
    %scan3A_64 = arith.constant 1 : i32
    scf.for %scan3A_102 = %scan3A_61 to %scan3A_63 step %scan3A_64  : i32 {
      %rem3A = arith.constant 4 : i32
      %rem3A_103 = arith.remsi %scan3A_102, %rem3A : i32
      %add3A_104 = arith.constant 1 : i32
      %add3A_105 = arith.addi %scan3A_102, %add3A_104 : i32
      %rem3A_106 = arith.constant 4 : i32
      %rem3A_107 = arith.remsi %add3A_105, %rem3A_106 : i32
      %add3A_108 = arith.constant 2 : i32
      %add3A_109 = arith.addi %scan3A_102, %add3A_108 : i32
      %rem3A_110 = arith.constant 4 : i32
      %rem3A_111 = arith.remsi %add3A_109, %rem3A_110 : i32
      %ge3A = arith.constant 2 : i32
      %ge3A_112 = arith.cmpi sge, %scan3A_102, %ge3A : i32
      %convert_element_type3A = arith.extui %ge3A_112 : i1 to i32
      %cond3A = arith.constant 0 : i32
      %cond3A_113 = arith.cmpi ne, %convert_element_type3A, %cond3A : i32
      scf.if %cond3A_113 {
        %dma_wait3A_156 = arith.constant 0 : i32
        %dma_wait3A_157 = arith.constant 0 : i32
        %dma_wait3A_158 = tpu.memref_slice %arg9[%rem3A_111, %dma_wait3A_156, %dma_wait3A_157] : memref<4x80x128xf32, #tpu.memory_space<vmem>> -> memref<1x80x128xf32, #tpu.memory_space<vmem>>
        %dma_wait3A_159 = tpu.memref_squeeze %dma_wait3A_158 : memref<1x80x128xf32, #tpu.memory_space<vmem>> -> memref<80x128xf32, #tpu.memory_space<vmem>>
        %dma_wait3A_160 = arith.constant 0 : i32
        %dma_wait3A_161 = arith.constant 0 : i32
        %dma_wait3A_162 = tpu.memref_slice %arg6[%dma_wait3A_160, %dma_wait3A_161] : memref<158720x128xf32, #tpu.memory_space<hbm>> -> memref<80x128xf32, #tpu.memory_space<hbm>>
        %dma_wait3A_163 = tpu.memref_slice %arg12[%rem3A_111] : memref<4x!tpu.dma_semaphore, #tpu.memory_space<semaphore_mem>> -> memref<1x!tpu.dma_semaphore, #tpu.memory_space<semaphore_mem>>
        %dma_wait3A_164 = tpu.memref_squeeze %dma_wait3A_163 : memref<1x!tpu.dma_semaphore, #tpu.memory_space<semaphore_mem>> -> memref<!tpu.dma_semaphore, #tpu.memory_space<semaphore_mem>>
        %dma_wait3A_165 = arith.constant 0 : i32
        %dma_wait3A_166 = arith.constant 0 : i32
        %dma_wait3A_167 = tpu.memref_slice %arg6[%dma_wait3A_165, %dma_wait3A_166] : memref<158720x128xf32, #tpu.memory_space<hbm>> -> memref<80x128xf32, #tpu.memory_space<hbm>>
        %dma_wait3A_168 = arith.constant 0 : i32
        %dma_wait3A_169 = arith.constant 0 : i32
        %dma_wait3A_170 = tpu.memref_slice %arg9[%rem3A_111, %dma_wait3A_168, %dma_wait3A_169] : memref<4x80x128xf32, #tpu.memory_space<vmem>> -> memref<1x80x128xf32, #tpu.memory_space<vmem>>
        %dma_wait3A_171 = tpu.memref_squeeze %dma_wait3A_170 : memref<1x80x128xf32, #tpu.memory_space<vmem>> -> memref<80x128xf32, #tpu.memory_space<vmem>>
        tpu.wait_dma2 semaphore(%dma_wait3A_164 : memref<!tpu.dma_semaphore, #tpu.memory_space<semaphore_mem>>) src(%dma_wait3A_171 : memref<80x128xf32, #tpu.memory_space<vmem>>) dst(%dma_wait3A_167 : memref<80x128xf32, #tpu.memory_space<hbm>>)
      } else {
      }
      %add3A_114 = arith.constant 2 : i32
      %add3A_115 = arith.addi %scan3A_102, %add3A_114 : i32
      %lt3A = arith.constant 62 : i32
      %lt3A_116 = arith.cmpi slt, %add3A_115, %lt3A : i32
      %convert_element_type3A_117 = arith.extui %lt3A_116 : i1 to i32
      %cond3A_118 = arith.constant 0 : i32
      %cond3A_119 = arith.cmpi ne, %convert_element_type3A_117, %cond3A_118 : i32
      scf.if %cond3A_119 {
        %add3A_156 = arith.constant 2 : i32
        %add3A_157 = arith.addi %scan3A_102, %add3A_156 : i32
        %dma_start3A_158 = arith.constant 0 : i32
        %dma_start3A_159 = arith.constant 0 : i32
        %dma_start3A_160 = tpu.memref_slice %arg9[%rem3A_111, %dma_start3A_158, %dma_start3A_159] : memref<4x80x128xf32, #tpu.memory_space<vmem>> -> memref<1x80x128xf32, #tpu.memory_space<vmem>>
        %dma_start3A_161 = tpu.memref_squeeze %dma_start3A_160 : memref<1x80x128xf32, #tpu.memory_space<vmem>> -> memref<80x128xf32, #tpu.memory_space<vmem>>
        %dma_start3A_162 = arith.constant 0 : i32
        %dma_start3A_163 = tpu.memref_slice %arg7[%add3A_157, %dma_start3A_162] : memref<62x80xi32, #tpu.memory_space<vmem>> -> memref<1x80xi32, #tpu.memory_space<vmem>>
        %dma_start3A_164 = tpu.memref_squeeze %dma_start3A_163 : memref<1x80xi32, #tpu.memory_space<vmem>> -> memref<80xi32, #tpu.memory_space<vmem>>
        %dma_start3A_165 = arith.constant 0 : i32
        %dma_start3A_166 = arith.constant 0 : i32
        %dma_start3A_167 = tpu.memref_slice %arg4[%dma_start3A_165, %dma_start3A_166] : memref<10000x128xf32, #tpu.memory_space<hbm>> -> memref<10000x128xf32, #tpu.memory_space<hbm>>
        %dma_start3A_168 = tpu.memref_slice %arg10[%rem3A_111] : memref<4x!tpu.dma_semaphore, #tpu.memory_space<semaphore_mem>> -> memref<1x!tpu.dma_semaphore, #tpu.memory_space<semaphore_mem>>
        %dma_start3A_169 = tpu.memref_squeeze %dma_start3A_168 : memref<1x!tpu.dma_semaphore, #tpu.memory_space<semaphore_mem>> -> memref<!tpu.dma_semaphore, #tpu.memory_space<semaphore_mem>>
        tpu.enqueue_indirect_dma source(%dma_start3A_167 : memref<10000x128xf32, #tpu.memory_space<hbm>>) target(%dma_start3A_161 : memref<80x128xf32, #tpu.memory_space<vmem>>) offsets(%dma_start3A_164 : memref<80xi32, #tpu.memory_space<vmem>>) semaphore(%dma_start3A_169 : memref<!tpu.dma_semaphore, #tpu.memory_space<semaphore_mem>>)
      } else {
      }
      %add3A_120 = arith.constant 1 : i32
      %add3A_121 = arith.addi %scan3A_102, %add3A_120 : i32
      %lt3A_122 = arith.constant 62 : i32
      %lt3A_123 = arith.cmpi slt, %add3A_121, %lt3A_122 : i32
      %convert_element_type3A_124 = arith.extui %lt3A_123 : i1 to i32
      %cond3A_125 = arith.constant 0 : i32
      %cond3A_126 = arith.cmpi ne, %convert_element_type3A_124, %cond3A_125 : i32
      scf.if %cond3A_126 {
        %dma_wait3A_156 = arith.constant 0 : i32
        %dma_wait3A_157 = arith.constant 0 : i32
        %dma_wait3A_158 = tpu.memref_slice %arg9[%rem3A_107, %dma_wait3A_156, %dma_wait3A_157] : memref<4x80x128xf32, #tpu.memory_space<vmem>> -> memref<1x80x128xf32, #tpu.memory_space<vmem>>
        %dma_wait3A_159 = tpu.memref_squeeze %dma_wait3A_158 : memref<1x80x128xf32, #tpu.memory_space<vmem>> -> memref<80x128xf32, #tpu.memory_space<vmem>>
        %dma_wait3A_160 = arith.constant 0 : i32
        %dma_wait3A_161 = tpu.memref_slice %arg7[%scan3A_102, %dma_wait3A_160] : memref<62x80xi32, #tpu.memory_space<vmem>> -> memref<1x80xi32, #tpu.memory_space<vmem>>
        %dma_wait3A_162 = tpu.memref_squeeze %dma_wait3A_161 : memref<1x80xi32, #tpu.memory_space<vmem>> -> memref<80xi32, #tpu.memory_space<vmem>>
        %dma_wait3A_163 = arith.constant 0 : i32
        %dma_wait3A_164 = arith.constant 0 : i32
        %dma_wait3A_165 = tpu.memref_slice %arg4[%dma_wait3A_163, %dma_wait3A_164] : memref<10000x128xf32, #tpu.memory_space<hbm>> -> memref<10000x128xf32, #tpu.memory_space<hbm>>
        %dma_wait3A_166 = tpu.memref_slice %arg10[%rem3A_107] : memref<4x!tpu.dma_semaphore, #tpu.memory_space<semaphore_mem>> -> memref<1x!tpu.dma_semaphore, #tpu.memory_space<semaphore_mem>>
        %dma_wait3A_167 = tpu.memref_squeeze %dma_wait3A_166 : memref<1x!tpu.dma_semaphore, #tpu.memory_space<semaphore_mem>> -> memref<!tpu.dma_semaphore, #tpu.memory_space<semaphore_mem>>
        tpu.wait_indirect_dma semaphore(%dma_wait3A_167 : memref<!tpu.dma_semaphore, #tpu.memory_space<semaphore_mem>>) src(%dma_wait3A_165 : memref<10000x128xf32, #tpu.memory_space<hbm>>) dst(%dma_wait3A_159 : memref<80x128xf32, #tpu.memory_space<vmem>>)
        %add3A_168 = arith.constant 1 : i32
        %add3A_169 = arith.addi %scan3A_102, %add3A_168 : i32
        %dma_start3A_170 = arith.constant 0 : i32
        %dma_start3A_171 = arith.constant 0 : i32
        %dma_start3A_172 = tpu.memref_slice %arg9[%rem3A_107, %dma_start3A_170, %dma_start3A_171] : memref<4x80x128xf32, #tpu.memory_space<vmem>> -> memref<1x80x128xf32, #tpu.memory_space<vmem>>
        %dma_start3A_173 = tpu.memref_squeeze %dma_start3A_172 : memref<1x80x128xf32, #tpu.memory_space<vmem>> -> memref<80x128xf32, #tpu.memory_space<vmem>>
        %dma_start3A_174 = arith.constant 0 : i32
        %dma_start3A_175 = tpu.memref_slice %arg8[%add3A_169, %dma_start3A_174] : memref<62x80xi32, #tpu.memory_space<vmem>> -> memref<1x80xi32, #tpu.memory_space<vmem>>
        %dma_start3A_176 = tpu.memref_squeeze %dma_start3A_175 : memref<1x80xi32, #tpu.memory_space<vmem>> -> memref<80xi32, #tpu.memory_space<vmem>>
        %dma_start3A_177 = arith.constant 0 : i32
        %dma_start3A_178 = arith.constant 0 : i32
        %dma_start3A_179 = tpu.memref_slice %arg5[%dma_start3A_177, %dma_start3A_178] : memref<10000x128xf32, #tpu.memory_space<hbm>> -> memref<10000x128xf32, #tpu.memory_space<hbm>>
        %dma_start3A_180 = tpu.memref_slice %arg11[%rem3A_107] : memref<4x!tpu.dma_semaphore, #tpu.memory_space<semaphore_mem>> -> memref<1x!tpu.dma_semaphore, #tpu.memory_space<semaphore_mem>>
        %dma_start3A_181 = tpu.memref_squeeze %dma_start3A_180 : memref<1x!tpu.dma_semaphore, #tpu.memory_space<semaphore_mem>> -> memref<!tpu.dma_semaphore, #tpu.memory_space<semaphore_mem>>
        tpu.enqueue_indirect_dma source(%dma_start3A_179 : memref<10000x128xf32, #tpu.memory_space<hbm>>) target(%dma_start3A_173 : memref<80x128xf32, #tpu.memory_space<vmem>>) offsets(%dma_start3A_176 : memref<80xi32, #tpu.memory_space<vmem>>) semaphore(%dma_start3A_181 : memref<!tpu.dma_semaphore, #tpu.memory_space<semaphore_mem>>) {add = true}
      } else {
      }
      %dma_wait3A_127 = arith.constant 0 : i32
      %dma_wait3A_128 = arith.constant 0 : i32
      %dma_wait3A_129 = tpu.memref_slice %arg9[%rem3A_103, %dma_wait3A_127, %dma_wait3A_128] : memref<4x80x128xf32, #tpu.memory_space<vmem>> -> memref<1x80x128xf32, #tpu.memory_space<vmem>>
      %dma_wait3A_130 = tpu.memref_squeeze %dma_wait3A_129 : memref<1x80x128xf32, #tpu.memory_space<vmem>> -> memref<80x128xf32, #tpu.memory_space<vmem>>
      %dma_wait3A_131 = arith.constant 0 : i32
      %dma_wait3A_132 = tpu.memref_slice %arg8[%scan3A_102, %dma_wait3A_131] : memref<62x80xi32, #tpu.memory_space<vmem>> -> memref<1x80xi32, #tpu.memory_space<vmem>>
      %dma_wait3A_133 = tpu.memref_squeeze %dma_wait3A_132 : memref<1x80xi32, #tpu.memory_space<vmem>> -> memref<80xi32, #tpu.memory_space<vmem>>
      %dma_wait3A_134 = arith.constant 0 : i32
      %dma_wait3A_135 = arith.constant 0 : i32
      %dma_wait3A_136 = tpu.memref_slice %arg5[%dma_wait3A_134, %dma_wait3A_135] : memref<10000x128xf32, #tpu.memory_space<hbm>> -> memref<10000x128xf32, #tpu.memory_space<hbm>>
      %dma_wait3A_137 = tpu.memref_slice %arg11[%rem3A_103] : memref<4x!tpu.dma_semaphore, #tpu.memory_space<semaphore_mem>> -> memref<1x!tpu.dma_semaphore, #tpu.memory_space<semaphore_mem>>
      %dma_wait3A_138 = tpu.memref_squeeze %dma_wait3A_137 : memref<1x!tpu.dma_semaphore, #tpu.memory_space<semaphore_mem>> -> memref<!tpu.dma_semaphore, #tpu.memory_space<semaphore_mem>>
      tpu.wait_indirect_dma semaphore(%dma_wait3A_138 : memref<!tpu.dma_semaphore, #tpu.memory_space<semaphore_mem>>) src(%dma_wait3A_136 : memref<10000x128xf32, #tpu.memory_space<hbm>>) dst(%dma_wait3A_130 : memref<80x128xf32, #tpu.memory_space<vmem>>)
      %mul3A_139 = arith.constant 80 : i32
      %mul3A_140 = arith.muli %scan3A_102, %mul3A_139 : i32
      %add3A_141 = arith.addi %mul3A_2, %mul3A_140 : i32
      %dma_start3A_142 = arith.constant 0 : i32
      %dma_start3A_143 = arith.constant 0 : i32
      %dma_start3A_144 = tpu.memref_slice %arg9[%rem3A_103, %dma_start3A_142, %dma_start3A_143] : memref<4x80x128xf32, #tpu.memory_space<vmem>> -> memref<1x80x128xf32, #tpu.memory_space<vmem>>
      %dma_start3A_145 = tpu.memref_squeeze %dma_start3A_144 : memref<1x80x128xf32, #tpu.memory_space<vmem>> -> memref<80x128xf32, #tpu.memory_space<vmem>>
      %dma_start3A_146 = arith.constant 0 : i32
      %dma_start3A_147 = tpu.memref_slice %arg6[%add3A_141, %dma_start3A_146] : memref<158720x128xf32, #tpu.memory_space<hbm>> -> memref<80x128xf32, #tpu.memory_space<hbm>>
      %dma_start3A_148 = tpu.memref_slice %arg12[%rem3A_103] : memref<4x!tpu.dma_semaphore, #tpu.memory_space<semaphore_mem>> -> memref<1x!tpu.dma_semaphore, #tpu.memory_space<semaphore_mem>>
      %dma_start3A_149 = tpu.memref_squeeze %dma_start3A_148 : memref<1x!tpu.dma_semaphore, #tpu.memory_space<semaphore_mem>> -> memref<!tpu.dma_semaphore, #tpu.memory_space<semaphore_mem>>
      %dma_start3A_150 = arith.constant 0 : i32
      %dma_start3A_151 = tpu.memref_slice %arg6[%add3A_141, %dma_start3A_150] : memref<158720x128xf32, #tpu.memory_space<hbm>> -> memref<80x128xf32, #tpu.memory_space<hbm>>
      %dma_start3A_152 = arith.constant 0 : i32
      %dma_start3A_153 = arith.constant 0 : i32
      %dma_start3A_154 = tpu.memref_slice %arg9[%rem3A_103, %dma_start3A_152, %dma_start3A_153] : memref<4x80x128xf32, #tpu.memory_space<vmem>> -> memref<1x80x128xf32, #tpu.memory_space<vmem>>
      %dma_start3A_155 = tpu.memref_squeeze %dma_start3A_154 : memref<1x80x128xf32, #tpu.memory_space<vmem>> -> memref<80x128xf32, #tpu.memory_space<vmem>>
      tpu.enqueue_dma source(%dma_start3A_155 : memref<80x128xf32, #tpu.memory_space<vmem>>) target(%dma_start3A_151 : memref<80x128xf32, #tpu.memory_space<hbm>>) target_semaphore(%dma_start3A_149 : memref<!tpu.dma_semaphore, #tpu.memory_space<semaphore_mem>>)
    }
    %scan3A_65 = arith.constant 62 : i32
    %dma_wait3A_66 = arith.constant 0 : i32
    %dma_wait3A_67 = arith.constant 0 : i32
    %dma_wait3A_68 = arith.constant 0 : i32
    %dma_wait3A_69 = arith.constant 0 : i32
    %dma_wait3A_70 = tpu.memref_slice %arg9[%dma_wait3A_66, %dma_wait3A_68, %dma_wait3A_69] : memref<4x80x128xf32, #tpu.memory_space<vmem>> -> memref<1x80x128xf32, #tpu.memory_space<vmem>>
    %dma_wait3A_71 = tpu.memref_squeeze %dma_wait3A_70 : memref<1x80x128xf32, #tpu.memory_space<vmem>> -> memref<80x128xf32, #tpu.memory_space<vmem>>
    %dma_wait3A_72 = arith.constant 0 : i32
    %dma_wait3A_73 = arith.constant 0 : i32
    %dma_wait3A_74 = tpu.memref_slice %arg6[%dma_wait3A_72, %dma_wait3A_73] : memref<158720x128xf32, #tpu.memory_space<hbm>> -> memref<80x128xf32, #tpu.memory_space<hbm>>
    %dma_wait3A_75 = tpu.memref_slice %arg12[%dma_wait3A_67] : memref<4x!tpu.dma_semaphore, #tpu.memory_space<semaphore_mem>> -> memref<1x!tpu.dma_semaphore, #tpu.memory_space<semaphore_mem>>
    %dma_wait3A_76 = tpu.memref_squeeze %dma_wait3A_75 : memref<1x!tpu.dma_semaphore, #tpu.memory_space<semaphore_mem>> -> memref<!tpu.dma_semaphore, #tpu.memory_space<semaphore_mem>>
    %dma_wait3A_77 = arith.constant 0 : i32
    %dma_wait3A_78 = arith.constant 0 : i32
    %dma_wait3A_79 = tpu.memref_slice %arg6[%dma_wait3A_77, %dma_wait3A_78] : memref<158720x128xf32, #tpu.memory_space<hbm>> -> memref<80x128xf32, #tpu.memory_space<hbm>>
    %dma_wait3A_80 = arith.constant 0 : i32
    %dma_wait3A_81 = arith.constant 0 : i32
    %dma_wait3A_82 = tpu.memref_slice %arg9[%dma_wait3A_66, %dma_wait3A_80, %dma_wait3A_81] : memref<4x80x128xf32, #tpu.memory_space<vmem>> -> memref<1x80x128xf32, #tpu.memory_space<vmem>>
    %dma_wait3A_83 = tpu.memref_squeeze %dma_wait3A_82 : memref<1x80x128xf32, #tpu.memory_space<vmem>> -> memref<80x128xf32, #tpu.memory_space<vmem>>
    tpu.wait_dma2 semaphore(%dma_wait3A_76 : memref<!tpu.dma_semaphore, #tpu.memory_space<semaphore_mem>>) src(%dma_wait3A_83 : memref<80x128xf32, #tpu.memory_space<vmem>>) dst(%dma_wait3A_79 : memref<80x128xf32, #tpu.memory_space<hbm>>)
    %dma_wait3A_84 = arith.constant 1 : i32
    %dma_wait3A_85 = arith.constant 1 : i32
    %dma_wait3A_86 = arith.constant 0 : i32
    %dma_wait3A_87 = arith.constant 0 : i32
    %dma_wait3A_88 = tpu.memref_slice %arg9[%dma_wait3A_84, %dma_wait3A_86, %dma_wait3A_87] : memref<4x80x128xf32, #tpu.memory_space<vmem>> -> memref<1x80x128xf32, #tpu.memory_space<vmem>>
    %dma_wait3A_89 = tpu.memref_squeeze %dma_wait3A_88 : memref<1x80x128xf32, #tpu.memory_space<vmem>> -> memref<80x128xf32, #tpu.memory_space<vmem>>
    %dma_wait3A_90 = arith.constant 0 : i32
    %dma_wait3A_91 = arith.constant 0 : i32
    %dma_wait3A_92 = tpu.memref_slice %arg6[%dma_wait3A_90, %dma_wait3A_91] : memref<158720x128xf32, #tpu.memory_space<hbm>> -> memref<80x128xf32, #tpu.memory_space<hbm>>
    %dma_wait3A_93 = tpu.memref_slice %arg12[%dma_wait3A_85] : memref<4x!tpu.dma_semaphore, #tpu.memory_space<semaphore_mem>> -> memref<1x!tpu.dma_semaphore, #tpu.memory_space<semaphore_mem>>
    %dma_wait3A_94 = tpu.memref_squeeze %dma_wait3A_93 : memref<1x!tpu.dma_semaphore, #tpu.memory_space<semaphore_mem>> -> memref<!tpu.dma_semaphore, #tpu.memory_space<semaphore_mem>>
    %dma_wait3A_95 = arith.constant 0 : i32
    %dma_wait3A_96 = arith.constant 0 : i32
    %dma_wait3A_97 = tpu.memref_slice %arg6[%dma_wait3A_95, %dma_wait3A_96] : memref<158720x128xf32, #tpu.memory_space<hbm>> -> memref<80x128xf32, #tpu.memory_space<hbm>>
    %dma_wait3A_98 = arith.constant 0 : i32
    %dma_wait3A_99 = arith.constant 0 : i32
    %dma_wait3A_100 = tpu.memref_slice %arg9[%dma_wait3A_84, %dma_wait3A_98, %dma_wait3A_99] : memref<4x80x128xf32, #tpu.memory_space<vmem>> -> memref<1x80x128xf32, #tpu.memory_space<vmem>>
    %dma_wait3A_101 = tpu.memref_squeeze %dma_wait3A_100 : memref<1x80x128xf32, #tpu.memory_space<vmem>> -> memref<80x128xf32, #tpu.memory_space<vmem>>
    tpu.wait_dma2 semaphore(%dma_wait3A_94 : memref<!tpu.dma_semaphore, #tpu.memory_space<semaphore_mem>>) src(%dma_wait3A_101 : memref<80x128xf32, #tpu.memory_space<vmem>>) dst(%dma_wait3A_97 : memref<80x128xf32, #tpu.memory_space<hbm>>)
    return
  }
}

#map = affine_map<(d0, d1) -> (0, 0, 0)>
#map1 = affine_map<(d0, d1) -> (0, 0)>
module attributes {stable_mosaic.version = 14 : i64} {
  func.func @_gather_diff_body(%arg0: i32, %arg1: i32, %arg2: memref<32x63x80xi32, #tpu.memory_space<hbm>>, %arg3: memref<32x63x80xi32, #tpu.memory_space<hbm>>, %arg4: memref<10000x128xf32, #tpu.memory_space<hbm>>, %arg5: memref<10000x128xf32, #tpu.memory_space<hbm>>, %arg6: memref<161280x128xf32, #tpu.memory_space<hbm>>, %arg7: memref<63x80xi32, #tpu.memory_space<vmem>>, %arg8: memref<63x80xi32, #tpu.memory_space<vmem>>, %arg9: memref<4x80x128xf32, #tpu.memory_space<vmem>>, %arg10: memref<4x!tpu.dma_semaphore, #tpu.memory_space<semaphore_mem>>, %arg11: memref<4x!tpu.dma_semaphore, #tpu.memory_space<semaphore_mem>>, %arg12: memref<4x!tpu.dma_semaphore, #tpu.memory_space<semaphore_mem>>) attributes {dimension_semantics = [#tpu.dimension_semantics<core_parallel>, #tpu.dimension_semantics<subcore_parallel>], iteration_bounds = array<i64: 2, 16>, scalar_prefetch = 0 : i64, scratch_operands = 6 : i64, tpu.core_type = #tpu.core_type<sc_vector_subcore>, window_params = [{transform_indices = #map}, {transform_indices = #map}, {transform_indices = #map1}, {transform_indices = #map1}, {transform_indices = #map1}]} {
    %mul3A = arith.constant 2 : i32
    %mul3A_0 = arith.muli %arg1, %mul3A : i32
    %add3A = arith.addi %mul3A_0, %arg0 : i32
    %mul3A_1 = arith.constant 5040 : i32
    %mul3A_2 = arith.muli %add3A, %mul3A_1 : i32
    "tpu.region"() ({
      %run_scoped3A = tpu.sem_alloc : memref<!tpu.dma_semaphore, #tpu.memory_space<semaphore_mem>>
      %dma_start3A_102 = arith.constant 0 : i32
      %dma_start3A_103 = arith.constant 0 : i32
      %dma_start3A_104 = tpu.memref_slice %arg2[%add3A, %dma_start3A_102, %dma_start3A_103] : memref<32x63x80xi32, #tpu.memory_space<hbm>> -> memref<1x63x80xi32, #tpu.memory_space<hbm>>
      %dma_start3A_105 = tpu.memref_squeeze %dma_start3A_104 : memref<1x63x80xi32, #tpu.memory_space<hbm>> -> memref<63x80xi32, #tpu.memory_space<hbm>>
      %dma_start3A_106 = arith.constant 0 : i32
      %dma_start3A_107 = arith.constant 0 : i32
      %dma_start3A_108 = tpu.memref_slice %arg2[%add3A, %dma_start3A_106, %dma_start3A_107] : memref<32x63x80xi32, #tpu.memory_space<hbm>> -> memref<1x63x80xi32, #tpu.memory_space<hbm>>
      %dma_start3A_109 = tpu.memref_squeeze %dma_start3A_108 : memref<1x63x80xi32, #tpu.memory_space<hbm>> -> memref<63x80xi32, #tpu.memory_space<hbm>>
      tpu.enqueue_dma source(%dma_start3A_109 : memref<63x80xi32, #tpu.memory_space<hbm>>) target(%arg7 : memref<63x80xi32, #tpu.memory_space<vmem>>) target_semaphore(%run_scoped3A : memref<!tpu.dma_semaphore, #tpu.memory_space<semaphore_mem>>)
      %dma_wait3A_110 = arith.constant 0 : i32
      %dma_wait3A_111 = arith.constant 0 : i32
      %dma_wait3A_112 = tpu.memref_slice %arg2[%add3A, %dma_wait3A_110, %dma_wait3A_111] : memref<32x63x80xi32, #tpu.memory_space<hbm>> -> memref<1x63x80xi32, #tpu.memory_space<hbm>>
      %dma_wait3A_113 = tpu.memref_squeeze %dma_wait3A_112 : memref<1x63x80xi32, #tpu.memory_space<hbm>> -> memref<63x80xi32, #tpu.memory_space<hbm>>
      %dma_wait3A_114 = arith.constant 0 : i32
      %dma_wait3A_115 = arith.constant 0 : i32
      %dma_wait3A_116 = tpu.memref_slice %arg2[%add3A, %dma_wait3A_114, %dma_wait3A_115] : memref<32x63x80xi32, #tpu.memory_space<hbm>> -> memref<1x63x80xi32, #tpu.memory_space<hbm>>
      %dma_wait3A_117 = tpu.memref_squeeze %dma_wait3A_116 : memref<1x63x80xi32, #tpu.memory_space<hbm>> -> memref<63x80xi32, #tpu.memory_space<hbm>>
      tpu.wait_dma2 semaphore(%run_scoped3A : memref<!tpu.dma_semaphore, #tpu.memory_space<semaphore_mem>>) src(%dma_wait3A_117 : memref<63x80xi32, #tpu.memory_space<hbm>>) dst(%arg7 : memref<63x80xi32, #tpu.memory_space<vmem>>)
      tpu.yield
    }) : () -> ()
    "tpu.region"() ({
      %run_scoped3A = tpu.sem_alloc : memref<!tpu.dma_semaphore, #tpu.memory_space<semaphore_mem>>
      %dma_start3A_102 = arith.constant 0 : i32
      %dma_start3A_103 = arith.constant 0 : i32
      %dma_start3A_104 = tpu.memref_slice %arg3[%add3A, %dma_start3A_102, %dma_start3A_103] : memref<32x63x80xi32, #tpu.memory_space<hbm>> -> memref<1x63x80xi32, #tpu.memory_space<hbm>>
      %dma_start3A_105 = tpu.memref_squeeze %dma_start3A_104 : memref<1x63x80xi32, #tpu.memory_space<hbm>> -> memref<63x80xi32, #tpu.memory_space<hbm>>
      %dma_start3A_106 = arith.constant 0 : i32
      %dma_start3A_107 = arith.constant 0 : i32
      %dma_start3A_108 = tpu.memref_slice %arg3[%add3A, %dma_start3A_106, %dma_start3A_107] : memref<32x63x80xi32, #tpu.memory_space<hbm>> -> memref<1x63x80xi32, #tpu.memory_space<hbm>>
      %dma_start3A_109 = tpu.memref_squeeze %dma_start3A_108 : memref<1x63x80xi32, #tpu.memory_space<hbm>> -> memref<63x80xi32, #tpu.memory_space<hbm>>
      tpu.enqueue_dma source(%dma_start3A_109 : memref<63x80xi32, #tpu.memory_space<hbm>>) target(%arg8 : memref<63x80xi32, #tpu.memory_space<vmem>>) target_semaphore(%run_scoped3A : memref<!tpu.dma_semaphore, #tpu.memory_space<semaphore_mem>>)
      %dma_wait3A_110 = arith.constant 0 : i32
      %dma_wait3A_111 = arith.constant 0 : i32
      %dma_wait3A_112 = tpu.memref_slice %arg3[%add3A, %dma_wait3A_110, %dma_wait3A_111] : memref<32x63x80xi32, #tpu.memory_space<hbm>> -> memref<1x63x80xi32, #tpu.memory_space<hbm>>
      %dma_wait3A_113 = tpu.memref_squeeze %dma_wait3A_112 : memref<1x63x80xi32, #tpu.memory_space<hbm>> -> memref<63x80xi32, #tpu.memory_space<hbm>>
      %dma_wait3A_114 = arith.constant 0 : i32
      %dma_wait3A_115 = arith.constant 0 : i32
      %dma_wait3A_116 = tpu.memref_slice %arg3[%add3A, %dma_wait3A_114, %dma_wait3A_115] : memref<32x63x80xi32, #tpu.memory_space<hbm>> -> memref<1x63x80xi32, #tpu.memory_space<hbm>>
      %dma_wait3A_117 = tpu.memref_squeeze %dma_wait3A_116 : memref<1x63x80xi32, #tpu.memory_space<hbm>> -> memref<63x80xi32, #tpu.memory_space<hbm>>
      tpu.wait_dma2 semaphore(%run_scoped3A : memref<!tpu.dma_semaphore, #tpu.memory_space<semaphore_mem>>) src(%dma_wait3A_117 : memref<63x80xi32, #tpu.memory_space<hbm>>) dst(%arg8 : memref<63x80xi32, #tpu.memory_space<vmem>>)
      tpu.yield
    }) : () -> ()
    %dma_start3A = arith.constant 0 : i32
    %dma_start3A_3 = arith.constant 0 : i32
    %dma_start3A_4 = arith.constant 0 : i32
    %dma_start3A_5 = arith.constant 0 : i32
    %dma_start3A_6 = arith.constant 0 : i32
    %dma_start3A_7 = tpu.memref_slice %arg9[%dma_start3A_3, %dma_start3A_5, %dma_start3A_6] : memref<4x80x128xf32, #tpu.memory_space<vmem>> -> memref<1x80x128xf32, #tpu.memory_space<vmem>>
    %dma_start3A_8 = tpu.memref_squeeze %dma_start3A_7 : memref<1x80x128xf32, #tpu.memory_space<vmem>> -> memref<80x128xf32, #tpu.memory_space<vmem>>
    %dma_start3A_9 = arith.constant 0 : i32
    %dma_start3A_10 = tpu.memref_slice %arg7[%dma_start3A, %dma_start3A_9] : memref<63x80xi32, #tpu.memory_space<vmem>> -> memref<1x80xi32, #tpu.memory_space<vmem>>
    %dma_start3A_11 = tpu.memref_squeeze %dma_start3A_10 : memref<1x80xi32, #tpu.memory_space<vmem>> -> memref<80xi32, #tpu.memory_space<vmem>>
    %dma_start3A_12 = arith.constant 0 : i32
    %dma_start3A_13 = arith.constant 0 : i32
    %dma_start3A_14 = tpu.memref_slice %arg4[%dma_start3A_12, %dma_start3A_13] : memref<10000x128xf32, #tpu.memory_space<hbm>> -> memref<10000x128xf32, #tpu.memory_space<hbm>>
    %dma_start3A_15 = tpu.memref_slice %arg10[%dma_start3A_4] : memref<4x!tpu.dma_semaphore, #tpu.memory_space<semaphore_mem>> -> memref<1x!tpu.dma_semaphore, #tpu.memory_space<semaphore_mem>>
    %dma_start3A_16 = tpu.memref_squeeze %dma_start3A_15 : memref<1x!tpu.dma_semaphore, #tpu.memory_space<semaphore_mem>> -> memref<!tpu.dma_semaphore, #tpu.memory_space<semaphore_mem>>
    tpu.enqueue_indirect_dma source(%dma_start3A_14 : memref<10000x128xf32, #tpu.memory_space<hbm>>) target(%dma_start3A_8 : memref<80x128xf32, #tpu.memory_space<vmem>>) offsets(%dma_start3A_11 : memref<80xi32, #tpu.memory_space<vmem>>) semaphore(%dma_start3A_16 : memref<!tpu.dma_semaphore, #tpu.memory_space<semaphore_mem>>)
    %dma_start3A_17 = arith.constant 1 : i32
    %dma_start3A_18 = arith.constant 1 : i32
    %dma_start3A_19 = arith.constant 1 : i32
    %dma_start3A_20 = arith.constant 0 : i32
    %dma_start3A_21 = arith.constant 0 : i32
    %dma_start3A_22 = tpu.memref_slice %arg9[%dma_start3A_18, %dma_start3A_20, %dma_start3A_21] : memref<4x80x128xf32, #tpu.memory_space<vmem>> -> memref<1x80x128xf32, #tpu.memory_space<vmem>>
    %dma_start3A_23 = tpu.memref_squeeze %dma_start3A_22 : memref<1x80x128xf32, #tpu.memory_space<vmem>> -> memref<80x128xf32, #tpu.memory_space<vmem>>
    %dma_start3A_24 = arith.constant 0 : i32
    %dma_start3A_25 = tpu.memref_slice %arg7[%dma_start3A_17, %dma_start3A_24] : memref<63x80xi32, #tpu.memory_space<vmem>> -> memref<1x80xi32, #tpu.memory_space<vmem>>
    %dma_start3A_26 = tpu.memref_squeeze %dma_start3A_25 : memref<1x80xi32, #tpu.memory_space<vmem>> -> memref<80xi32, #tpu.memory_space<vmem>>
    %dma_start3A_27 = arith.constant 0 : i32
    %dma_start3A_28 = arith.constant 0 : i32
    %dma_start3A_29 = tpu.memref_slice %arg4[%dma_start3A_27, %dma_start3A_28] : memref<10000x128xf32, #tpu.memory_space<hbm>> -> memref<10000x128xf32, #tpu.memory_space<hbm>>
    %dma_start3A_30 = tpu.memref_slice %arg10[%dma_start3A_19] : memref<4x!tpu.dma_semaphore, #tpu.memory_space<semaphore_mem>> -> memref<1x!tpu.dma_semaphore, #tpu.memory_space<semaphore_mem>>
    %dma_start3A_31 = tpu.memref_squeeze %dma_start3A_30 : memref<1x!tpu.dma_semaphore, #tpu.memory_space<semaphore_mem>> -> memref<!tpu.dma_semaphore, #tpu.memory_space<semaphore_mem>>
    tpu.enqueue_indirect_dma source(%dma_start3A_29 : memref<10000x128xf32, #tpu.memory_space<hbm>>) target(%dma_start3A_23 : memref<80x128xf32, #tpu.memory_space<vmem>>) offsets(%dma_start3A_26 : memref<80xi32, #tpu.memory_space<vmem>>) semaphore(%dma_start3A_31 : memref<!tpu.dma_semaphore, #tpu.memory_space<semaphore_mem>>)
    %dma_wait3A = arith.constant 0 : i32
    %dma_wait3A_32 = arith.constant 0 : i32
    %dma_wait3A_33 = arith.constant 0 : i32
    %dma_wait3A_34 = arith.constant 0 : i32
    %dma_wait3A_35 = arith.constant 0 : i32
    %dma_wait3A_36 = tpu.memref_slice %arg9[%dma_wait3A_32, %dma_wait3A_34, %dma_wait3A_35] : memref<4x80x128xf32, #tpu.memory_space<vmem>> -> memref<1x80x128xf32, #tpu.memory_space<vmem>>
    %dma_wait3A_37 = tpu.memref_squeeze %dma_wait3A_36 : memref<1x80x128xf32, #tpu.memory_space<vmem>> -> memref<80x128xf32, #tpu.memory_space<vmem>>
    %dma_wait3A_38 = arith.constant 0 : i32
    %dma_wait3A_39 = tpu.memref_slice %arg7[%dma_wait3A, %dma_wait3A_38] : memref<63x80xi32, #tpu.memory_space<vmem>> -> memref<1x80xi32, #tpu.memory_space<vmem>>
    %dma_wait3A_40 = tpu.memref_squeeze %dma_wait3A_39 : memref<1x80xi32, #tpu.memory_space<vmem>> -> memref<80xi32, #tpu.memory_space<vmem>>
    %dma_wait3A_41 = arith.constant 0 : i32
    %dma_wait3A_42 = arith.constant 0 : i32
    %dma_wait3A_43 = tpu.memref_slice %arg4[%dma_wait3A_41, %dma_wait3A_42] : memref<10000x128xf32, #tpu.memory_space<hbm>> -> memref<10000x128xf32, #tpu.memory_space<hbm>>
    %dma_wait3A_44 = tpu.memref_slice %arg10[%dma_wait3A_33] : memref<4x!tpu.dma_semaphore, #tpu.memory_space<semaphore_mem>> -> memref<1x!tpu.dma_semaphore, #tpu.memory_space<semaphore_mem>>
    %dma_wait3A_45 = tpu.memref_squeeze %dma_wait3A_44 : memref<1x!tpu.dma_semaphore, #tpu.memory_space<semaphore_mem>> -> memref<!tpu.dma_semaphore, #tpu.memory_space<semaphore_mem>>
    tpu.wait_indirect_dma semaphore(%dma_wait3A_45 : memref<!tpu.dma_semaphore, #tpu.memory_space<semaphore_mem>>) src(%dma_wait3A_43 : memref<10000x128xf32, #tpu.memory_space<hbm>>) dst(%dma_wait3A_37 : memref<80x128xf32, #tpu.memory_space<vmem>>)
    %dma_start3A_46 = arith.constant 0 : i32
    %dma_start3A_47 = arith.constant 0 : i32
    %dma_start3A_48 = arith.constant 0 : i32
    %dma_start3A_49 = arith.constant 0 : i32
    %dma_start3A_50 = arith.constant 0 : i32
    %dma_start3A_51 = tpu.memref_slice %arg9[%dma_start3A_47, %dma_start3A_49, %dma_start3A_50] : memref<4x80x128xf32, #tpu.memory_space<vmem>> -> memref<1x80x128xf32, #tpu.memory_space<vmem>>
    %dma_start3A_52 = tpu.memref_squeeze %dma_start3A_51 : memref<1x80x128xf32, #tpu.memory_space<vmem>> -> memref<80x128xf32, #tpu.memory_space<vmem>>
    %dma_start3A_53 = arith.constant 0 : i32
    %dma_start3A_54 = tpu.memref_slice %arg8[%dma_start3A_46, %dma_start3A_53] : memref<63x80xi32, #tpu.memory_space<vmem>> -> memref<1x80xi32, #tpu.memory_space<vmem>>
    %dma_start3A_55 = tpu.memref_squeeze %dma_start3A_54 : memref<1x80xi32, #tpu.memory_space<vmem>> -> memref<80xi32, #tpu.memory_space<vmem>>
    %dma_start3A_56 = arith.constant 0 : i32
    %dma_start3A_57 = arith.constant 0 : i32
    %dma_start3A_58 = tpu.memref_slice %arg5[%dma_start3A_56, %dma_start3A_57] : memref<10000x128xf32, #tpu.memory_space<hbm>> -> memref<10000x128xf32, #tpu.memory_space<hbm>>
    %dma_start3A_59 = tpu.memref_slice %arg11[%dma_start3A_48] : memref<4x!tpu.dma_semaphore, #tpu.memory_space<semaphore_mem>> -> memref<1x!tpu.dma_semaphore, #tpu.memory_space<semaphore_mem>>
    %dma_start3A_60 = tpu.memref_squeeze %dma_start3A_59 : memref<1x!tpu.dma_semaphore, #tpu.memory_space<semaphore_mem>> -> memref<!tpu.dma_semaphore, #tpu.memory_space<semaphore_mem>>
    tpu.enqueue_indirect_dma source(%dma_start3A_58 : memref<10000x128xf32, #tpu.memory_space<hbm>>) target(%dma_start3A_52 : memref<80x128xf32, #tpu.memory_space<vmem>>) offsets(%dma_start3A_55 : memref<80xi32, #tpu.memory_space<vmem>>) semaphore(%dma_start3A_60 : memref<!tpu.dma_semaphore, #tpu.memory_space<semaphore_mem>>) {add = true}
    %scan3A = arith.constant 0 : i32
    %scan3A_61 = arith.constant 0 : i32
    %scan3A_62 = arith.constant 63 : i32
    %scan3A_63 = arith.addi %scan3A_61, %scan3A_62 : i32
    %scan3A_64 = arith.constant 1 : i32
    scf.for %scan3A_102 = %scan3A_61 to %scan3A_63 step %scan3A_64  : i32 {
      %rem3A = arith.constant 4 : i32
      %rem3A_103 = arith.remsi %scan3A_102, %rem3A : i32
      %add3A_104 = arith.constant 1 : i32
      %add3A_105 = arith.addi %scan3A_102, %add3A_104 : i32
      %rem3A_106 = arith.constant 4 : i32
      %rem3A_107 = arith.remsi %add3A_105, %rem3A_106 : i32
      %add3A_108 = arith.constant 2 : i32
      %add3A_109 = arith.addi %scan3A_102, %add3A_108 : i32
      %rem3A_110 = arith.constant 4 : i32
      %rem3A_111 = arith.remsi %add3A_109, %rem3A_110 : i32
      %ge3A = arith.constant 2 : i32
      %ge3A_112 = arith.cmpi sge, %scan3A_102, %ge3A : i32
      %convert_element_type3A = arith.extui %ge3A_112 : i1 to i32
      %cond3A = arith.constant 0 : i32
      %cond3A_113 = arith.cmpi ne, %convert_element_type3A, %cond3A : i32
      scf.if %cond3A_113 {
        %dma_wait3A_156 = arith.constant 0 : i32
        %dma_wait3A_157 = arith.constant 0 : i32
        %dma_wait3A_158 = tpu.memref_slice %arg9[%rem3A_111, %dma_wait3A_156, %dma_wait3A_157] : memref<4x80x128xf32, #tpu.memory_space<vmem>> -> memref<1x80x128xf32, #tpu.memory_space<vmem>>
        %dma_wait3A_159 = tpu.memref_squeeze %dma_wait3A_158 : memref<1x80x128xf32, #tpu.memory_space<vmem>> -> memref<80x128xf32, #tpu.memory_space<vmem>>
        %dma_wait3A_160 = arith.constant 0 : i32
        %dma_wait3A_161 = arith.constant 0 : i32
        %dma_wait3A_162 = tpu.memref_slice %arg6[%dma_wait3A_160, %dma_wait3A_161] : memref<161280x128xf32, #tpu.memory_space<hbm>> -> memref<80x128xf32, #tpu.memory_space<hbm>>
        %dma_wait3A_163 = tpu.memref_slice %arg12[%rem3A_111] : memref<4x!tpu.dma_semaphore, #tpu.memory_space<semaphore_mem>> -> memref<1x!tpu.dma_semaphore, #tpu.memory_space<semaphore_mem>>
        %dma_wait3A_164 = tpu.memref_squeeze %dma_wait3A_163 : memref<1x!tpu.dma_semaphore, #tpu.memory_space<semaphore_mem>> -> memref<!tpu.dma_semaphore, #tpu.memory_space<semaphore_mem>>
        %dma_wait3A_165 = arith.constant 0 : i32
        %dma_wait3A_166 = arith.constant 0 : i32
        %dma_wait3A_167 = tpu.memref_slice %arg6[%dma_wait3A_165, %dma_wait3A_166] : memref<161280x128xf32, #tpu.memory_space<hbm>> -> memref<80x128xf32, #tpu.memory_space<hbm>>
        %dma_wait3A_168 = arith.constant 0 : i32
        %dma_wait3A_169 = arith.constant 0 : i32
        %dma_wait3A_170 = tpu.memref_slice %arg9[%rem3A_111, %dma_wait3A_168, %dma_wait3A_169] : memref<4x80x128xf32, #tpu.memory_space<vmem>> -> memref<1x80x128xf32, #tpu.memory_space<vmem>>
        %dma_wait3A_171 = tpu.memref_squeeze %dma_wait3A_170 : memref<1x80x128xf32, #tpu.memory_space<vmem>> -> memref<80x128xf32, #tpu.memory_space<vmem>>
        tpu.wait_dma2 semaphore(%dma_wait3A_164 : memref<!tpu.dma_semaphore, #tpu.memory_space<semaphore_mem>>) src(%dma_wait3A_171 : memref<80x128xf32, #tpu.memory_space<vmem>>) dst(%dma_wait3A_167 : memref<80x128xf32, #tpu.memory_space<hbm>>)
      } else {
      }
      %add3A_114 = arith.constant 2 : i32
      %add3A_115 = arith.addi %scan3A_102, %add3A_114 : i32
      %lt3A = arith.constant 63 : i32
      %lt3A_116 = arith.cmpi slt, %add3A_115, %lt3A : i32
      %convert_element_type3A_117 = arith.extui %lt3A_116 : i1 to i32
      %cond3A_118 = arith.constant 0 : i32
      %cond3A_119 = arith.cmpi ne, %convert_element_type3A_117, %cond3A_118 : i32
      scf.if %cond3A_119 {
        %add3A_156 = arith.constant 2 : i32
        %add3A_157 = arith.addi %scan3A_102, %add3A_156 : i32
        %dma_start3A_158 = arith.constant 0 : i32
        %dma_start3A_159 = arith.constant 0 : i32
        %dma_start3A_160 = tpu.memref_slice %arg9[%rem3A_111, %dma_start3A_158, %dma_start3A_159] : memref<4x80x128xf32, #tpu.memory_space<vmem>> -> memref<1x80x128xf32, #tpu.memory_space<vmem>>
        %dma_start3A_161 = tpu.memref_squeeze %dma_start3A_160 : memref<1x80x128xf32, #tpu.memory_space<vmem>> -> memref<80x128xf32, #tpu.memory_space<vmem>>
        %dma_start3A_162 = arith.constant 0 : i32
        %dma_start3A_163 = tpu.memref_slice %arg7[%add3A_157, %dma_start3A_162] : memref<63x80xi32, #tpu.memory_space<vmem>> -> memref<1x80xi32, #tpu.memory_space<vmem>>
        %dma_start3A_164 = tpu.memref_squeeze %dma_start3A_163 : memref<1x80xi32, #tpu.memory_space<vmem>> -> memref<80xi32, #tpu.memory_space<vmem>>
        %dma_start3A_165 = arith.constant 0 : i32
        %dma_start3A_166 = arith.constant 0 : i32
        %dma_start3A_167 = tpu.memref_slice %arg4[%dma_start3A_165, %dma_start3A_166] : memref<10000x128xf32, #tpu.memory_space<hbm>> -> memref<10000x128xf32, #tpu.memory_space<hbm>>
        %dma_start3A_168 = tpu.memref_slice %arg10[%rem3A_111] : memref<4x!tpu.dma_semaphore, #tpu.memory_space<semaphore_mem>> -> memref<1x!tpu.dma_semaphore, #tpu.memory_space<semaphore_mem>>
        %dma_start3A_169 = tpu.memref_squeeze %dma_start3A_168 : memref<1x!tpu.dma_semaphore, #tpu.memory_space<semaphore_mem>> -> memref<!tpu.dma_semaphore, #tpu.memory_space<semaphore_mem>>
        tpu.enqueue_indirect_dma source(%dma_start3A_167 : memref<10000x128xf32, #tpu.memory_space<hbm>>) target(%dma_start3A_161 : memref<80x128xf32, #tpu.memory_space<vmem>>) offsets(%dma_start3A_164 : memref<80xi32, #tpu.memory_space<vmem>>) semaphore(%dma_start3A_169 : memref<!tpu.dma_semaphore, #tpu.memory_space<semaphore_mem>>)
      } else {
      }
      %add3A_120 = arith.constant 1 : i32
      %add3A_121 = arith.addi %scan3A_102, %add3A_120 : i32
      %lt3A_122 = arith.constant 63 : i32
      %lt3A_123 = arith.cmpi slt, %add3A_121, %lt3A_122 : i32
      %convert_element_type3A_124 = arith.extui %lt3A_123 : i1 to i32
      %cond3A_125 = arith.constant 0 : i32
      %cond3A_126 = arith.cmpi ne, %convert_element_type3A_124, %cond3A_125 : i32
      scf.if %cond3A_126 {
        %dma_wait3A_156 = arith.constant 0 : i32
        %dma_wait3A_157 = arith.constant 0 : i32
        %dma_wait3A_158 = tpu.memref_slice %arg9[%rem3A_107, %dma_wait3A_156, %dma_wait3A_157] : memref<4x80x128xf32, #tpu.memory_space<vmem>> -> memref<1x80x128xf32, #tpu.memory_space<vmem>>
        %dma_wait3A_159 = tpu.memref_squeeze %dma_wait3A_158 : memref<1x80x128xf32, #tpu.memory_space<vmem>> -> memref<80x128xf32, #tpu.memory_space<vmem>>
        %dma_wait3A_160 = arith.constant 0 : i32
        %dma_wait3A_161 = tpu.memref_slice %arg7[%scan3A_102, %dma_wait3A_160] : memref<63x80xi32, #tpu.memory_space<vmem>> -> memref<1x80xi32, #tpu.memory_space<vmem>>
        %dma_wait3A_162 = tpu.memref_squeeze %dma_wait3A_161 : memref<1x80xi32, #tpu.memory_space<vmem>> -> memref<80xi32, #tpu.memory_space<vmem>>
        %dma_wait3A_163 = arith.constant 0 : i32
        %dma_wait3A_164 = arith.constant 0 : i32
        %dma_wait3A_165 = tpu.memref_slice %arg4[%dma_wait3A_163, %dma_wait3A_164] : memref<10000x128xf32, #tpu.memory_space<hbm>> -> memref<10000x128xf32, #tpu.memory_space<hbm>>
        %dma_wait3A_166 = tpu.memref_slice %arg10[%rem3A_107] : memref<4x!tpu.dma_semaphore, #tpu.memory_space<semaphore_mem>> -> memref<1x!tpu.dma_semaphore, #tpu.memory_space<semaphore_mem>>
        %dma_wait3A_167 = tpu.memref_squeeze %dma_wait3A_166 : memref<1x!tpu.dma_semaphore, #tpu.memory_space<semaphore_mem>> -> memref<!tpu.dma_semaphore, #tpu.memory_space<semaphore_mem>>
        tpu.wait_indirect_dma semaphore(%dma_wait3A_167 : memref<!tpu.dma_semaphore, #tpu.memory_space<semaphore_mem>>) src(%dma_wait3A_165 : memref<10000x128xf32, #tpu.memory_space<hbm>>) dst(%dma_wait3A_159 : memref<80x128xf32, #tpu.memory_space<vmem>>)
        %add3A_168 = arith.constant 1 : i32
        %add3A_169 = arith.addi %scan3A_102, %add3A_168 : i32
        %dma_start3A_170 = arith.constant 0 : i32
        %dma_start3A_171 = arith.constant 0 : i32
        %dma_start3A_172 = tpu.memref_slice %arg9[%rem3A_107, %dma_start3A_170, %dma_start3A_171] : memref<4x80x128xf32, #tpu.memory_space<vmem>> -> memref<1x80x128xf32, #tpu.memory_space<vmem>>
        %dma_start3A_173 = tpu.memref_squeeze %dma_start3A_172 : memref<1x80x128xf32, #tpu.memory_space<vmem>> -> memref<80x128xf32, #tpu.memory_space<vmem>>
        %dma_start3A_174 = arith.constant 0 : i32
        %dma_start3A_175 = tpu.memref_slice %arg8[%add3A_169, %dma_start3A_174] : memref<63x80xi32, #tpu.memory_space<vmem>> -> memref<1x80xi32, #tpu.memory_space<vmem>>
        %dma_start3A_176 = tpu.memref_squeeze %dma_start3A_175 : memref<1x80xi32, #tpu.memory_space<vmem>> -> memref<80xi32, #tpu.memory_space<vmem>>
        %dma_start3A_177 = arith.constant 0 : i32
        %dma_start3A_178 = arith.constant 0 : i32
        %dma_start3A_179 = tpu.memref_slice %arg5[%dma_start3A_177, %dma_start3A_178] : memref<10000x128xf32, #tpu.memory_space<hbm>> -> memref<10000x128xf32, #tpu.memory_space<hbm>>
        %dma_start3A_180 = tpu.memref_slice %arg11[%rem3A_107] : memref<4x!tpu.dma_semaphore, #tpu.memory_space<semaphore_mem>> -> memref<1x!tpu.dma_semaphore, #tpu.memory_space<semaphore_mem>>
        %dma_start3A_181 = tpu.memref_squeeze %dma_start3A_180 : memref<1x!tpu.dma_semaphore, #tpu.memory_space<semaphore_mem>> -> memref<!tpu.dma_semaphore, #tpu.memory_space<semaphore_mem>>
        tpu.enqueue_indirect_dma source(%dma_start3A_179 : memref<10000x128xf32, #tpu.memory_space<hbm>>) target(%dma_start3A_173 : memref<80x128xf32, #tpu.memory_space<vmem>>) offsets(%dma_start3A_176 : memref<80xi32, #tpu.memory_space<vmem>>) semaphore(%dma_start3A_181 : memref<!tpu.dma_semaphore, #tpu.memory_space<semaphore_mem>>) {add = true}
      } else {
      }
      %dma_wait3A_127 = arith.constant 0 : i32
      %dma_wait3A_128 = arith.constant 0 : i32
      %dma_wait3A_129 = tpu.memref_slice %arg9[%rem3A_103, %dma_wait3A_127, %dma_wait3A_128] : memref<4x80x128xf32, #tpu.memory_space<vmem>> -> memref<1x80x128xf32, #tpu.memory_space<vmem>>
      %dma_wait3A_130 = tpu.memref_squeeze %dma_wait3A_129 : memref<1x80x128xf32, #tpu.memory_space<vmem>> -> memref<80x128xf32, #tpu.memory_space<vmem>>
      %dma_wait3A_131 = arith.constant 0 : i32
      %dma_wait3A_132 = tpu.memref_slice %arg8[%scan3A_102, %dma_wait3A_131] : memref<63x80xi32, #tpu.memory_space<vmem>> -> memref<1x80xi32, #tpu.memory_space<vmem>>
      %dma_wait3A_133 = tpu.memref_squeeze %dma_wait3A_132 : memref<1x80xi32, #tpu.memory_space<vmem>> -> memref<80xi32, #tpu.memory_space<vmem>>
      %dma_wait3A_134 = arith.constant 0 : i32
      %dma_wait3A_135 = arith.constant 0 : i32
      %dma_wait3A_136 = tpu.memref_slice %arg5[%dma_wait3A_134, %dma_wait3A_135] : memref<10000x128xf32, #tpu.memory_space<hbm>> -> memref<10000x128xf32, #tpu.memory_space<hbm>>
      %dma_wait3A_137 = tpu.memref_slice %arg11[%rem3A_103] : memref<4x!tpu.dma_semaphore, #tpu.memory_space<semaphore_mem>> -> memref<1x!tpu.dma_semaphore, #tpu.memory_space<semaphore_mem>>
      %dma_wait3A_138 = tpu.memref_squeeze %dma_wait3A_137 : memref<1x!tpu.dma_semaphore, #tpu.memory_space<semaphore_mem>> -> memref<!tpu.dma_semaphore, #tpu.memory_space<semaphore_mem>>
      tpu.wait_indirect_dma semaphore(%dma_wait3A_138 : memref<!tpu.dma_semaphore, #tpu.memory_space<semaphore_mem>>) src(%dma_wait3A_136 : memref<10000x128xf32, #tpu.memory_space<hbm>>) dst(%dma_wait3A_130 : memref<80x128xf32, #tpu.memory_space<vmem>>)
      %mul3A_139 = arith.constant 80 : i32
      %mul3A_140 = arith.muli %scan3A_102, %mul3A_139 : i32
      %add3A_141 = arith.addi %mul3A_2, %mul3A_140 : i32
      %dma_start3A_142 = arith.constant 0 : i32
      %dma_start3A_143 = arith.constant 0 : i32
      %dma_start3A_144 = tpu.memref_slice %arg9[%rem3A_103, %dma_start3A_142, %dma_start3A_143] : memref<4x80x128xf32, #tpu.memory_space<vmem>> -> memref<1x80x128xf32, #tpu.memory_space<vmem>>
      %dma_start3A_145 = tpu.memref_squeeze %dma_start3A_144 : memref<1x80x128xf32, #tpu.memory_space<vmem>> -> memref<80x128xf32, #tpu.memory_space<vmem>>
      %dma_start3A_146 = arith.constant 0 : i32
      %dma_start3A_147 = tpu.memref_slice %arg6[%add3A_141, %dma_start3A_146] : memref<161280x128xf32, #tpu.memory_space<hbm>> -> memref<80x128xf32, #tpu.memory_space<hbm>>
      %dma_start3A_148 = tpu.memref_slice %arg12[%rem3A_103] : memref<4x!tpu.dma_semaphore, #tpu.memory_space<semaphore_mem>> -> memref<1x!tpu.dma_semaphore, #tpu.memory_space<semaphore_mem>>
      %dma_start3A_149 = tpu.memref_squeeze %dma_start3A_148 : memref<1x!tpu.dma_semaphore, #tpu.memory_space<semaphore_mem>> -> memref<!tpu.dma_semaphore, #tpu.memory_space<semaphore_mem>>
      %dma_start3A_150 = arith.constant 0 : i32
      %dma_start3A_151 = tpu.memref_slice %arg6[%add3A_141, %dma_start3A_150] : memref<161280x128xf32, #tpu.memory_space<hbm>> -> memref<80x128xf32, #tpu.memory_space<hbm>>
      %dma_start3A_152 = arith.constant 0 : i32
      %dma_start3A_153 = arith.constant 0 : i32
      %dma_start3A_154 = tpu.memref_slice %arg9[%rem3A_103, %dma_start3A_152, %dma_start3A_153] : memref<4x80x128xf32, #tpu.memory_space<vmem>> -> memref<1x80x128xf32, #tpu.memory_space<vmem>>
      %dma_start3A_155 = tpu.memref_squeeze %dma_start3A_154 : memref<1x80x128xf32, #tpu.memory_space<vmem>> -> memref<80x128xf32, #tpu.memory_space<vmem>>
      tpu.enqueue_dma source(%dma_start3A_155 : memref<80x128xf32, #tpu.memory_space<vmem>>) target(%dma_start3A_151 : memref<80x128xf32, #tpu.memory_space<hbm>>) target_semaphore(%dma_start3A_149 : memref<!tpu.dma_semaphore, #tpu.memory_space<semaphore_mem>>)
    }
    %scan3A_65 = arith.constant 63 : i32
    %dma_wait3A_66 = arith.constant 1 : i32
    %dma_wait3A_67 = arith.constant 1 : i32
    %dma_wait3A_68 = arith.constant 0 : i32
    %dma_wait3A_69 = arith.constant 0 : i32
    %dma_wait3A_70 = tpu.memref_slice %arg9[%dma_wait3A_66, %dma_wait3A_68, %dma_wait3A_69] : memref<4x80x128xf32, #tpu.memory_space<vmem>> -> memref<1x80x128xf32, #tpu.memory_space<vmem>>
    %dma_wait3A_71 = tpu.memref_squeeze %dma_wait3A_70 : memref<1x80x128xf32, #tpu.memory_space<vmem>> -> memref<80x128xf32, #tpu.memory_space<vmem>>
    %dma_wait3A_72 = arith.constant 0 : i32
    %dma_wait3A_73 = arith.constant 0 : i32
    %dma_wait3A_74 = tpu.memref_slice %arg6[%dma_wait3A_72, %dma_wait3A_73] : memref<161280x128xf32, #tpu.memory_space<hbm>> -> memref<80x128xf32, #tpu.memory_space<hbm>>
    %dma_wait3A_75 = tpu.memref_slice %arg12[%dma_wait3A_67] : memref<4x!tpu.dma_semaphore, #tpu.memory_space<semaphore_mem>> -> memref<1x!tpu.dma_semaphore, #tpu.memory_space<semaphore_mem>>
    %dma_wait3A_76 = tpu.memref_squeeze %dma_wait3A_75 : memref<1x!tpu.dma_semaphore, #tpu.memory_space<semaphore_mem>> -> memref<!tpu.dma_semaphore, #tpu.memory_space<semaphore_mem>>
    %dma_wait3A_77 = arith.constant 0 : i32
    %dma_wait3A_78 = arith.constant 0 : i32
    %dma_wait3A_79 = tpu.memref_slice %arg6[%dma_wait3A_77, %dma_wait3A_78] : memref<161280x128xf32, #tpu.memory_space<hbm>> -> memref<80x128xf32, #tpu.memory_space<hbm>>
    %dma_wait3A_80 = arith.constant 0 : i32
    %dma_wait3A_81 = arith.constant 0 : i32
    %dma_wait3A_82 = tpu.memref_slice %arg9[%dma_wait3A_66, %dma_wait3A_80, %dma_wait3A_81] : memref<4x80x128xf32, #tpu.memory_space<vmem>> -> memref<1x80x128xf32, #tpu.memory_space<vmem>>
    %dma_wait3A_83 = tpu.memref_squeeze %dma_wait3A_82 : memref<1x80x128xf32, #tpu.memory_space<vmem>> -> memref<80x128xf32, #tpu.memory_space<vmem>>
    tpu.wait_dma2 semaphore(%dma_wait3A_76 : memref<!tpu.dma_semaphore, #tpu.memory_space<semaphore_mem>>) src(%dma_wait3A_83 : memref<80x128xf32, #tpu.memory_space<vmem>>) dst(%dma_wait3A_79 : memref<80x128xf32, #tpu.memory_space<hbm>>)
    %dma_wait3A_84 = arith.constant 2 : i32
    %dma_wait3A_85 = arith.constant 2 : i32
    %dma_wait3A_86 = arith.constant 0 : i32
    %dma_wait3A_87 = arith.constant 0 : i32
    %dma_wait3A_88 = tpu.memref_slice %arg9[%dma_wait3A_84, %dma_wait3A_86, %dma_wait3A_87] : memref<4x80x128xf32, #tpu.memory_space<vmem>> -> memref<1x80x128xf32, #tpu.memory_space<vmem>>
    %dma_wait3A_89 = tpu.memref_squeeze %dma_wait3A_88 : memref<1x80x128xf32, #tpu.memory_space<vmem>> -> memref<80x128xf32, #tpu.memory_space<vmem>>
    %dma_wait3A_90 = arith.constant 0 : i32
    %dma_wait3A_91 = arith.constant 0 : i32
    %dma_wait3A_92 = tpu.memref_slice %arg6[%dma_wait3A_90, %dma_wait3A_91] : memref<161280x128xf32, #tpu.memory_space<hbm>> -> memref<80x128xf32, #tpu.memory_space<hbm>>
    %dma_wait3A_93 = tpu.memref_slice %arg12[%dma_wait3A_85] : memref<4x!tpu.dma_semaphore, #tpu.memory_space<semaphore_mem>> -> memref<1x!tpu.dma_semaphore, #tpu.memory_space<semaphore_mem>>
    %dma_wait3A_94 = tpu.memref_squeeze %dma_wait3A_93 : memref<1x!tpu.dma_semaphore, #tpu.memory_space<semaphore_mem>> -> memref<!tpu.dma_semaphore, #tpu.memory_space<semaphore_mem>>
    %dma_wait3A_95 = arith.constant 0 : i32
    %dma_wait3A_96 = arith.constant 0 : i32
    %dma_wait3A_97 = tpu.memref_slice %arg6[%dma_wait3A_95, %dma_wait3A_96] : memref<161280x128xf32, #tpu.memory_space<hbm>> -> memref<80x128xf32, #tpu.memory_space<hbm>>
    %dma_wait3A_98 = arith.constant 0 : i32
    %dma_wait3A_99 = arith.constant 0 : i32
    %dma_wait3A_100 = tpu.memref_slice %arg9[%dma_wait3A_84, %dma_wait3A_98, %dma_wait3A_99] : memref<4x80x128xf32, #tpu.memory_space<vmem>> -> memref<1x80x128xf32, #tpu.memory_space<vmem>>
    %dma_wait3A_101 = tpu.memref_squeeze %dma_wait3A_100 : memref<1x80x128xf32, #tpu.memory_space<vmem>> -> memref<80x128xf32, #tpu.memory_space<vmem>>
    tpu.wait_dma2 semaphore(%dma_wait3A_94 : memref<!tpu.dma_semaphore, #tpu.memory_space<semaphore_mem>>) src(%dma_wait3A_101 : memref<80x128xf32, #tpu.memory_space<vmem>>) dst(%dma_wait3A_97 : memref<80x128xf32, #tpu.memory_space<hbm>>)
    return
  }
}

#map = affine_map<(d0, d1) -> (0, 0)>
#map1 = affine_map<(d0, d1) -> (0, 0, 0)>
module attributes {stable_mosaic.version = 14 : i64} {
  func.func @_scatter_body(%arg0: i32, %arg1: i32, %arg2: memref<161280x128xf32, #tpu.memory_space<hbm>>, %arg3: memref<32x63x80xi32, #tpu.memory_space<hbm>>, %arg4: memref<10112x128xf32, #tpu.memory_space<hbm>>, %arg5: memref<2x10112x128xf32, #tpu.memory_space<hbm>>, %arg6: memref<63x80xi32, #tpu.memory_space<vmem>>, %arg7: memref<2x80x128xf32, #tpu.memory_space<vmem>>, %arg8: memref<10112x128xf32, #tpu.memory_space<vmem_shared>>, %arg9: memref<2x!tpu.dma_semaphore, #tpu.memory_space<semaphore_mem>>, %arg10: memref<2x!tpu.dma_semaphore, #tpu.memory_space<semaphore_mem>>) attributes {dimension_semantics = [#tpu.dimension_semantics<core_parallel>, #tpu.dimension_semantics<subcore_parallel>], iteration_bounds = array<i64: 2, 16>, scalar_prefetch = 0 : i64, scratch_operands = 5 : i64, tpu.core_type = #tpu.core_type<sc_vector_subcore>, window_params = [{transform_indices = #map}, {transform_indices = #map1}, {transform_indices = #map}, {transform_indices = #map1}]} {
    %mul3A = arith.constant 2 : i32
    %mul3A_0 = arith.muli %arg1, %mul3A : i32
    %add3A = arith.addi %mul3A_0, %arg0 : i32
    %mul3A_1 = arith.constant 5040 : i32
    %mul3A_2 = arith.muli %add3A, %mul3A_1 : i32
    %mul3A_3 = arith.constant 632 : i32
    %mul3A_4 = arith.muli %arg1, %mul3A_3 : i32
    "tpu.region"() ({
      %run_scoped3A = tpu.sem_alloc : memref<!tpu.dma_semaphore, #tpu.memory_space<semaphore_mem>>
      %dma_start3A_42 = arith.constant 0 : i32
      %dma_start3A_43 = tpu.memref_slice %arg8[%mul3A_4, %dma_start3A_42] : memref<10112x128xf32, #tpu.memory_space<vmem_shared>> -> memref<632x128xf32, #tpu.memory_space<vmem_shared>>
      %dma_start3A_44 = arith.constant 0 : i32
      %dma_start3A_45 = tpu.memref_slice %arg4[%mul3A_4, %dma_start3A_44] : memref<10112x128xf32, #tpu.memory_space<hbm>> -> memref<632x128xf32, #tpu.memory_space<hbm>>
      tpu.enqueue_dma source(%dma_start3A_45 : memref<632x128xf32, #tpu.memory_space<hbm>>) target(%dma_start3A_43 : memref<632x128xf32, #tpu.memory_space<vmem_shared>>) target_semaphore(%run_scoped3A : memref<!tpu.dma_semaphore, #tpu.memory_space<semaphore_mem>>)
      %dma_wait3A_46 = arith.constant 0 : i32
      %dma_wait3A_47 = tpu.memref_slice %arg8[%mul3A_4, %dma_wait3A_46] : memref<10112x128xf32, #tpu.memory_space<vmem_shared>> -> memref<632x128xf32, #tpu.memory_space<vmem_shared>>
      %dma_wait3A_48 = arith.constant 0 : i32
      %dma_wait3A_49 = tpu.memref_slice %arg4[%mul3A_4, %dma_wait3A_48] : memref<10112x128xf32, #tpu.memory_space<hbm>> -> memref<632x128xf32, #tpu.memory_space<hbm>>
      tpu.wait_dma2 semaphore(%run_scoped3A : memref<!tpu.dma_semaphore, #tpu.memory_space<semaphore_mem>>) src(%dma_wait3A_49 : memref<632x128xf32, #tpu.memory_space<hbm>>) dst(%dma_wait3A_47 : memref<632x128xf32, #tpu.memory_space<vmem_shared>>)
      tpu.yield
    }) : () -> ()
    "tpu.region"() ({
      %run_scoped3A = tpu.sem_alloc : memref<!tpu.dma_semaphore, #tpu.memory_space<semaphore_mem>>
      %dma_start3A_42 = arith.constant 0 : i32
      %dma_start3A_43 = arith.constant 0 : i32
      %dma_start3A_44 = tpu.memref_slice %arg3[%add3A, %dma_start3A_42, %dma_start3A_43] : memref<32x63x80xi32, #tpu.memory_space<hbm>> -> memref<1x63x80xi32, #tpu.memory_space<hbm>>
      %dma_start3A_45 = tpu.memref_squeeze %dma_start3A_44 : memref<1x63x80xi32, #tpu.memory_space<hbm>> -> memref<63x80xi32, #tpu.memory_space<hbm>>
      %dma_start3A_46 = arith.constant 0 : i32
      %dma_start3A_47 = arith.constant 0 : i32
      %dma_start3A_48 = tpu.memref_slice %arg3[%add3A, %dma_start3A_46, %dma_start3A_47] : memref<32x63x80xi32, #tpu.memory_space<hbm>> -> memref<1x63x80xi32, #tpu.memory_space<hbm>>
      %dma_start3A_49 = tpu.memref_squeeze %dma_start3A_48 : memref<1x63x80xi32, #tpu.memory_space<hbm>> -> memref<63x80xi32, #tpu.memory_space<hbm>>
      tpu.enqueue_dma source(%dma_start3A_49 : memref<63x80xi32, #tpu.memory_space<hbm>>) target(%arg6 : memref<63x80xi32, #tpu.memory_space<vmem>>) target_semaphore(%run_scoped3A : memref<!tpu.dma_semaphore, #tpu.memory_space<semaphore_mem>>)
      %dma_wait3A_50 = arith.constant 0 : i32
      %dma_wait3A_51 = arith.constant 0 : i32
      %dma_wait3A_52 = tpu.memref_slice %arg3[%add3A, %dma_wait3A_50, %dma_wait3A_51] : memref<32x63x80xi32, #tpu.memory_space<hbm>> -> memref<1x63x80xi32, #tpu.memory_space<hbm>>
      %dma_wait3A_53 = tpu.memref_squeeze %dma_wait3A_52 : memref<1x63x80xi32, #tpu.memory_space<hbm>> -> memref<63x80xi32, #tpu.memory_space<hbm>>
      %dma_wait3A_54 = arith.constant 0 : i32
      %dma_wait3A_55 = arith.constant 0 : i32
      %dma_wait3A_56 = tpu.memref_slice %arg3[%add3A, %dma_wait3A_54, %dma_wait3A_55] : memref<32x63x80xi32, #tpu.memory_space<hbm>> -> memref<1x63x80xi32, #tpu.memory_space<hbm>>
      %dma_wait3A_57 = tpu.memref_squeeze %dma_wait3A_56 : memref<1x63x80xi32, #tpu.memory_space<hbm>> -> memref<63x80xi32, #tpu.memory_space<hbm>>
      tpu.wait_dma2 semaphore(%run_scoped3A : memref<!tpu.dma_semaphore, #tpu.memory_space<semaphore_mem>>) src(%dma_wait3A_57 : memref<63x80xi32, #tpu.memory_space<hbm>>) dst(%arg6 : memref<63x80xi32, #tpu.memory_space<vmem>>)
      tpu.yield
    }) : () -> ()
    %barrier3A = arith.constant 0 : index
    tpu.barrier barrier_id(%barrier3A)
    %add3A_5 = arith.constant 0 : i32
    %add3A_6 = arith.addi %mul3A_2, %add3A_5 : i32
    %dma_start3A = arith.constant 0 : i32
    %dma_start3A_7 = arith.constant 0 : i32
    %dma_start3A_8 = arith.constant 0 : i32
    %dma_start3A_9 = arith.constant 0 : i32
    %dma_start3A_10 = tpu.memref_slice %arg7[%dma_start3A, %dma_start3A_8, %dma_start3A_9] : memref<2x80x128xf32, #tpu.memory_space<vmem>> -> memref<1x80x128xf32, #tpu.memory_space<vmem>>
    %dma_start3A_11 = tpu.memref_squeeze %dma_start3A_10 : memref<1x80x128xf32, #tpu.memory_space<vmem>> -> memref<80x128xf32, #tpu.memory_space<vmem>>
    %dma_start3A_12 = arith.constant 0 : i32
    %dma_start3A_13 = tpu.memref_slice %arg2[%add3A_6, %dma_start3A_12] : memref<161280x128xf32, #tpu.memory_space<hbm>> -> memref<80x128xf32, #tpu.memory_space<hbm>>
    %dma_start3A_14 = tpu.memref_slice %arg9[%dma_start3A_7] : memref<2x!tpu.dma_semaphore, #tpu.memory_space<semaphore_mem>> -> memref<1x!tpu.dma_semaphore, #tpu.memory_space<semaphore_mem>>
    %dma_start3A_15 = tpu.memref_squeeze %dma_start3A_14 : memref<1x!tpu.dma_semaphore, #tpu.memory_space<semaphore_mem>> -> memref<!tpu.dma_semaphore, #tpu.memory_space<semaphore_mem>>
    %dma_start3A_16 = arith.constant 0 : i32
    %dma_start3A_17 = arith.constant 0 : i32
    %dma_start3A_18 = tpu.memref_slice %arg7[%dma_start3A, %dma_start3A_16, %dma_start3A_17] : memref<2x80x128xf32, #tpu.memory_space<vmem>> -> memref<1x80x128xf32, #tpu.memory_space<vmem>>
    %dma_start3A_19 = tpu.memref_squeeze %dma_start3A_18 : memref<1x80x128xf32, #tpu.memory_space<vmem>> -> memref<80x128xf32, #tpu.memory_space<vmem>>
    %dma_start3A_20 = arith.constant 0 : i32
    %dma_start3A_21 = tpu.memref_slice %arg2[%add3A_6, %dma_start3A_20] : memref<161280x128xf32, #tpu.memory_space<hbm>> -> memref<80x128xf32, #tpu.memory_space<hbm>>
    tpu.enqueue_dma source(%dma_start3A_21 : memref<80x128xf32, #tpu.memory_space<hbm>>) target(%dma_start3A_19 : memref<80x128xf32, #tpu.memory_space<vmem>>) target_semaphore(%dma_start3A_15 : memref<!tpu.dma_semaphore, #tpu.memory_space<semaphore_mem>>)
    %scan3A = arith.constant 0 : i32
    %scan3A_22 = arith.constant 0 : i32
    %scan3A_23 = arith.constant 63 : i32
    %scan3A_24 = arith.addi %scan3A_22, %scan3A_23 : i32
    %scan3A_25 = arith.constant 1 : i32
    scf.for %scan3A_42 = %scan3A_22 to %scan3A_24 step %scan3A_25  : i32 {
      %rem3A = arith.constant 2 : i32
      %rem3A_43 = arith.remsi %scan3A_42, %rem3A : i32
      %add3A_44 = arith.constant 1 : i32
      %add3A_45 = arith.addi %scan3A_42, %add3A_44 : i32
      %rem3A_46 = arith.constant 2 : i32
      %rem3A_47 = arith.remsi %add3A_45, %rem3A_46 : i32
      %ge3A = arith.constant 1 : i32
      %ge3A_48 = arith.cmpi sge, %scan3A_42, %ge3A : i32
      %convert_element_type3A = arith.extui %ge3A_48 : i1 to i32
      %cond3A = arith.constant 0 : i32
      %cond3A_49 = arith.cmpi ne, %convert_element_type3A, %cond3A : i32
      scf.if %cond3A_49 {
        %dma_wait3A_84 = arith.constant 0 : i32
        %dma_wait3A_85 = arith.constant 0 : i32
        %dma_wait3A_86 = tpu.memref_slice %arg7[%rem3A_47, %dma_wait3A_84, %dma_wait3A_85] : memref<2x80x128xf32, #tpu.memory_space<vmem>> -> memref<1x80x128xf32, #tpu.memory_space<vmem>>
        %dma_wait3A_87 = tpu.memref_squeeze %dma_wait3A_86 : memref<1x80x128xf32, #tpu.memory_space<vmem>> -> memref<80x128xf32, #tpu.memory_space<vmem>>
        %dma_wait3A_88 = arith.constant 0 : i32
        %dma_wait3A_89 = tpu.memref_slice %arg6[%scan3A_42, %dma_wait3A_88] : memref<63x80xi32, #tpu.memory_space<vmem>> -> memref<1x80xi32, #tpu.memory_space<vmem>>
        %dma_wait3A_90 = tpu.memref_squeeze %dma_wait3A_89 : memref<1x80xi32, #tpu.memory_space<vmem>> -> memref<80xi32, #tpu.memory_space<vmem>>
        %dma_wait3A_91 = arith.constant 0 : i32
        %dma_wait3A_92 = arith.constant 0 : i32
        %dma_wait3A_93 = tpu.memref_slice %arg8[%dma_wait3A_91, %dma_wait3A_92] : memref<10112x128xf32, #tpu.memory_space<vmem_shared>> -> memref<10112x128xf32, #tpu.memory_space<vmem_shared>>
        %dma_wait3A_94 = tpu.memref_slice %arg10[%rem3A_47] : memref<2x!tpu.dma_semaphore, #tpu.memory_space<semaphore_mem>> -> memref<1x!tpu.dma_semaphore, #tpu.memory_space<semaphore_mem>>
        %dma_wait3A_95 = tpu.memref_squeeze %dma_wait3A_94 : memref<1x!tpu.dma_semaphore, #tpu.memory_space<semaphore_mem>> -> memref<!tpu.dma_semaphore, #tpu.memory_space<semaphore_mem>>
        tpu.wait_indirect_dma semaphore(%dma_wait3A_95 : memref<!tpu.dma_semaphore, #tpu.memory_space<semaphore_mem>>) src(%dma_wait3A_87 : memref<80x128xf32, #tpu.memory_space<vmem>>) dst(%dma_wait3A_93 : memref<10112x128xf32, #tpu.memory_space<vmem_shared>>)
      } else {
      }
      %add3A_50 = arith.constant 1 : i32
      %add3A_51 = arith.addi %scan3A_42, %add3A_50 : i32
      %lt3A = arith.constant 63 : i32
      %lt3A_52 = arith.cmpi slt, %add3A_51, %lt3A : i32
      %convert_element_type3A_53 = arith.extui %lt3A_52 : i1 to i32
      %cond3A_54 = arith.constant 0 : i32
      %cond3A_55 = arith.cmpi ne, %convert_element_type3A_53, %cond3A_54 : i32
      scf.if %cond3A_55 {
        %add3A_84 = arith.constant 1 : i32
        %add3A_85 = arith.addi %scan3A_42, %add3A_84 : i32
        %mul3A_86 = arith.constant 80 : i32
        %mul3A_87 = arith.muli %add3A_85, %mul3A_86 : i32
        %add3A_88 = arith.addi %mul3A_2, %mul3A_87 : i32
        %dma_start3A_89 = arith.constant 0 : i32
        %dma_start3A_90 = arith.constant 0 : i32
        %dma_start3A_91 = tpu.memref_slice %arg7[%rem3A_47, %dma_start3A_89, %dma_start3A_90] : memref<2x80x128xf32, #tpu.memory_space<vmem>> -> memref<1x80x128xf32, #tpu.memory_space<vmem>>
        %dma_start3A_92 = tpu.memref_squeeze %dma_start3A_91 : memref<1x80x128xf32, #tpu.memory_space<vmem>> -> memref<80x128xf32, #tpu.memory_space<vmem>>
        %dma_start3A_93 = arith.constant 0 : i32
        %dma_start3A_94 = tpu.memref_slice %arg2[%add3A_88, %dma_start3A_93] : memref<161280x128xf32, #tpu.memory_space<hbm>> -> memref<80x128xf32, #tpu.memory_space<hbm>>
        %dma_start3A_95 = tpu.memref_slice %arg9[%rem3A_47] : memref<2x!tpu.dma_semaphore, #tpu.memory_space<semaphore_mem>> -> memref<1x!tpu.dma_semaphore, #tpu.memory_space<semaphore_mem>>
        %dma_start3A_96 = tpu.memref_squeeze %dma_start3A_95 : memref<1x!tpu.dma_semaphore, #tpu.memory_space<semaphore_mem>> -> memref<!tpu.dma_semaphore, #tpu.memory_space<semaphore_mem>>
        %dma_start3A_97 = arith.constant 0 : i32
        %dma_start3A_98 = arith.constant 0 : i32
        %dma_start3A_99 = tpu.memref_slice %arg7[%rem3A_47, %dma_start3A_97, %dma_start3A_98] : memref<2x80x128xf32, #tpu.memory_space<vmem>> -> memref<1x80x128xf32, #tpu.memory_space<vmem>>
        %dma_start3A_100 = tpu.memref_squeeze %dma_start3A_99 : memref<1x80x128xf32, #tpu.memory_space<vmem>> -> memref<80x128xf32, #tpu.memory_space<vmem>>
        %dma_start3A_101 = arith.constant 0 : i32
        %dma_start3A_102 = tpu.memref_slice %arg2[%add3A_88, %dma_start3A_101] : memref<161280x128xf32, #tpu.memory_space<hbm>> -> memref<80x128xf32, #tpu.memory_space<hbm>>
        tpu.enqueue_dma source(%dma_start3A_102 : memref<80x128xf32, #tpu.memory_space<hbm>>) target(%dma_start3A_100 : memref<80x128xf32, #tpu.memory_space<vmem>>) target_semaphore(%dma_start3A_96 : memref<!tpu.dma_semaphore, #tpu.memory_space<semaphore_mem>>)
      } else {
      }
      %dma_wait3A_56 = arith.constant 0 : i32
      %dma_wait3A_57 = arith.constant 0 : i32
      %dma_wait3A_58 = tpu.memref_slice %arg7[%rem3A_43, %dma_wait3A_56, %dma_wait3A_57] : memref<2x80x128xf32, #tpu.memory_space<vmem>> -> memref<1x80x128xf32, #tpu.memory_space<vmem>>
      %dma_wait3A_59 = tpu.memref_squeeze %dma_wait3A_58 : memref<1x80x128xf32, #tpu.memory_space<vmem>> -> memref<80x128xf32, #tpu.memory_space<vmem>>
      %dma_wait3A_60 = arith.constant 0 : i32
      %dma_wait3A_61 = arith.constant 0 : i32
      %dma_wait3A_62 = tpu.memref_slice %arg2[%dma_wait3A_60, %dma_wait3A_61] : memref<161280x128xf32, #tpu.memory_space<hbm>> -> memref<80x128xf32, #tpu.memory_space<hbm>>
      %dma_wait3A_63 = tpu.memref_slice %arg9[%rem3A_43] : memref<2x!tpu.dma_semaphore, #tpu.memory_space<semaphore_mem>> -> memref<1x!tpu.dma_semaphore, #tpu.memory_space<semaphore_mem>>
      %dma_wait3A_64 = tpu.memref_squeeze %dma_wait3A_63 : memref<1x!tpu.dma_semaphore, #tpu.memory_space<semaphore_mem>> -> memref<!tpu.dma_semaphore, #tpu.memory_space<semaphore_mem>>
      %dma_wait3A_65 = arith.constant 0 : i32
      %dma_wait3A_66 = arith.constant 0 : i32
      %dma_wait3A_67 = tpu.memref_slice %arg7[%rem3A_43, %dma_wait3A_65, %dma_wait3A_66] : memref<2x80x128xf32, #tpu.memory_space<vmem>> -> memref<1x80x128xf32, #tpu.memory_space<vmem>>
      %dma_wait3A_68 = tpu.memref_squeeze %dma_wait3A_67 : memref<1x80x128xf32, #tpu.memory_space<vmem>> -> memref<80x128xf32, #tpu.memory_space<vmem>>
      %dma_wait3A_69 = arith.constant 0 : i32
      %dma_wait3A_70 = arith.constant 0 : i32
      %dma_wait3A_71 = tpu.memref_slice %arg2[%dma_wait3A_69, %dma_wait3A_70] : memref<161280x128xf32, #tpu.memory_space<hbm>> -> memref<80x128xf32, #tpu.memory_space<hbm>>
      tpu.wait_dma2 semaphore(%dma_wait3A_64 : memref<!tpu.dma_semaphore, #tpu.memory_space<semaphore_mem>>) src(%dma_wait3A_71 : memref<80x128xf32, #tpu.memory_space<hbm>>) dst(%dma_wait3A_68 : memref<80x128xf32, #tpu.memory_space<vmem>>)
      %dma_start3A_72 = arith.constant 0 : i32
      %dma_start3A_73 = arith.constant 0 : i32
      %dma_start3A_74 = tpu.memref_slice %arg7[%rem3A_43, %dma_start3A_72, %dma_start3A_73] : memref<2x80x128xf32, #tpu.memory_space<vmem>> -> memref<1x80x128xf32, #tpu.memory_space<vmem>>
      %dma_start3A_75 = tpu.memref_squeeze %dma_start3A_74 : memref<1x80x128xf32, #tpu.memory_space<vmem>> -> memref<80x128xf32, #tpu.memory_space<vmem>>
      %dma_start3A_76 = arith.constant 0 : i32
      %dma_start3A_77 = tpu.memref_slice %arg6[%scan3A_42, %dma_start3A_76] : memref<63x80xi32, #tpu.memory_space<vmem>> -> memref<1x80xi32, #tpu.memory_space<vmem>>
      %dma_start3A_78 = tpu.memref_squeeze %dma_start3A_77 : memref<1x80xi32, #tpu.memory_space<vmem>> -> memref<80xi32, #tpu.memory_space<vmem>>
      %dma_start3A_79 = arith.constant 0 : i32
      %dma_start3A_80 = arith.constant 0 : i32
      %dma_start3A_81 = tpu.memref_slice %arg8[%dma_start3A_79, %dma_start3A_80] : memref<10112x128xf32, #tpu.memory_space<vmem_shared>> -> memref<10112x128xf32, #tpu.memory_space<vmem_shared>>
      %dma_start3A_82 = tpu.memref_slice %arg10[%rem3A_43] : memref<2x!tpu.dma_semaphore, #tpu.memory_space<semaphore_mem>> -> memref<1x!tpu.dma_semaphore, #tpu.memory_space<semaphore_mem>>
      %dma_start3A_83 = tpu.memref_squeeze %dma_start3A_82 : memref<1x!tpu.dma_semaphore, #tpu.memory_space<semaphore_mem>> -> memref<!tpu.dma_semaphore, #tpu.memory_space<semaphore_mem>>
      tpu.enqueue_indirect_dma source(%dma_start3A_75 : memref<80x128xf32, #tpu.memory_space<vmem>>) target(%dma_start3A_81 : memref<10112x128xf32, #tpu.memory_space<vmem_shared>>) offsets(%dma_start3A_78 : memref<80xi32, #tpu.memory_space<vmem>>) semaphore(%dma_start3A_83 : memref<!tpu.dma_semaphore, #tpu.memory_space<semaphore_mem>>) {add = true}
    }
    %scan3A_26 = arith.constant 63 : i32
    %dma_wait3A = arith.constant 0 : i32
    %dma_wait3A_27 = arith.constant 62 : i32
    %dma_wait3A_28 = arith.constant 0 : i32
    %dma_wait3A_29 = arith.constant 0 : i32
    %dma_wait3A_30 = arith.constant 0 : i32
    %dma_wait3A_31 = tpu.memref_slice %arg7[%dma_wait3A, %dma_wait3A_29, %dma_wait3A_30] : memref<2x80x128xf32, #tpu.memory_space<vmem>> -> memref<1x80x128xf32, #tpu.memory_space<vmem>>
    %dma_wait3A_32 = tpu.memref_squeeze %dma_wait3A_31 : memref<1x80x128xf32, #tpu.memory_space<vmem>> -> memref<80x128xf32, #tpu.memory_space<vmem>>
    %dma_wait3A_33 = arith.constant 0 : i32
    %dma_wait3A_34 = tpu.memref_slice %arg6[%dma_wait3A_27, %dma_wait3A_33] : memref<63x80xi32, #tpu.memory_space<vmem>> -> memref<1x80xi32, #tpu.memory_space<vmem>>
    %dma_wait3A_35 = tpu.memref_squeeze %dma_wait3A_34 : memref<1x80xi32, #tpu.memory_space<vmem>> -> memref<80xi32, #tpu.memory_space<vmem>>
    %dma_wait3A_36 = arith.constant 0 : i32
    %dma_wait3A_37 = arith.constant 0 : i32
    %dma_wait3A_38 = tpu.memref_slice %arg8[%dma_wait3A_36, %dma_wait3A_37] : memref<10112x128xf32, #tpu.memory_space<vmem_shared>> -> memref<10112x128xf32, #tpu.memory_space<vmem_shared>>
    %dma_wait3A_39 = tpu.memref_slice %arg10[%dma_wait3A_28] : memref<2x!tpu.dma_semaphore, #tpu.memory_space<semaphore_mem>> -> memref<1x!tpu.dma_semaphore, #tpu.memory_space<semaphore_mem>>
    %dma_wait3A_40 = tpu.memref_squeeze %dma_wait3A_39 : memref<1x!tpu.dma_semaphore, #tpu.memory_space<semaphore_mem>> -> memref<!tpu.dma_semaphore, #tpu.memory_space<semaphore_mem>>
    tpu.wait_indirect_dma semaphore(%dma_wait3A_40 : memref<!tpu.dma_semaphore, #tpu.memory_space<semaphore_mem>>) src(%dma_wait3A_32 : memref<80x128xf32, #tpu.memory_space<vmem>>) dst(%dma_wait3A_38 : memref<10112x128xf32, #tpu.memory_space<vmem_shared>>)
    %barrier3A_41 = arith.constant 0 : index
    tpu.barrier barrier_id(%barrier3A_41)
    "tpu.region"() ({
      %run_scoped3A = tpu.sem_alloc : memref<!tpu.dma_semaphore, #tpu.memory_space<semaphore_mem>>
      %dma_start3A_42 = arith.constant 0 : i32
      %dma_start3A_43 = tpu.memref_slice %arg5[%arg0, %mul3A_4, %dma_start3A_42] : memref<2x10112x128xf32, #tpu.memory_space<hbm>> -> memref<1x632x128xf32, #tpu.memory_space<hbm>>
      %dma_start3A_44 = tpu.memref_squeeze %dma_start3A_43 : memref<1x632x128xf32, #tpu.memory_space<hbm>> -> memref<632x128xf32, #tpu.memory_space<hbm>>
      %dma_start3A_45 = arith.constant 0 : i32
      %dma_start3A_46 = tpu.memref_slice %arg8[%mul3A_4, %dma_start3A_45] : memref<10112x128xf32, #tpu.memory_space<vmem_shared>> -> memref<632x128xf32, #tpu.memory_space<vmem_shared>>
      tpu.enqueue_dma source(%dma_start3A_46 : memref<632x128xf32, #tpu.memory_space<vmem_shared>>) target(%dma_start3A_44 : memref<632x128xf32, #tpu.memory_space<hbm>>) target_semaphore(%run_scoped3A : memref<!tpu.dma_semaphore, #tpu.memory_space<semaphore_mem>>)
      %dma_wait3A_47 = arith.constant 0 : i32
      %dma_wait3A_48 = tpu.memref_slice %arg5[%arg0, %mul3A_4, %dma_wait3A_47] : memref<2x10112x128xf32, #tpu.memory_space<hbm>> -> memref<1x632x128xf32, #tpu.memory_space<hbm>>
      %dma_wait3A_49 = tpu.memref_squeeze %dma_wait3A_48 : memref<1x632x128xf32, #tpu.memory_space<hbm>> -> memref<632x128xf32, #tpu.memory_space<hbm>>
      %dma_wait3A_50 = arith.constant 0 : i32
      %dma_wait3A_51 = tpu.memref_slice %arg8[%mul3A_4, %dma_wait3A_50] : memref<10112x128xf32, #tpu.memory_space<vmem_shared>> -> memref<632x128xf32, #tpu.memory_space<vmem_shared>>
      tpu.wait_dma2 semaphore(%run_scoped3A : memref<!tpu.dma_semaphore, #tpu.memory_space<semaphore_mem>>) src(%dma_wait3A_51 : memref<632x128xf32, #tpu.memory_space<vmem_shared>>) dst(%dma_wait3A_49 : memref<632x128xf32, #tpu.memory_space<hbm>>)
      tpu.yield
    }) : () -> ()
    return
  }
}

#map = affine_map<(d0, d1) -> (0, 0)>
#map1 = affine_map<(d0, d1) -> (0, 0, 0)>
module attributes {stable_mosaic.version = 14 : i64} {
  func.func @_scatter_body(%arg0: i32, %arg1: i32, %arg2: memref<158720x128xf32, #tpu.memory_space<hbm>>, %arg3: memref<32x62x80xi32, #tpu.memory_space<hbm>>, %arg4: memref<10112x128xf32, #tpu.memory_space<hbm>>, %arg5: memref<2x10112x128xf32, #tpu.memory_space<hbm>>, %arg6: memref<62x80xi32, #tpu.memory_space<vmem>>, %arg7: memref<2x80x128xf32, #tpu.memory_space<vmem>>, %arg8: memref<10112x128xf32, #tpu.memory_space<vmem_shared>>, %arg9: memref<2x!tpu.dma_semaphore, #tpu.memory_space<semaphore_mem>>, %arg10: memref<2x!tpu.dma_semaphore, #tpu.memory_space<semaphore_mem>>) attributes {dimension_semantics = [#tpu.dimension_semantics<core_parallel>, #tpu.dimension_semantics<subcore_parallel>], iteration_bounds = array<i64: 2, 16>, scalar_prefetch = 0 : i64, scratch_operands = 5 : i64, tpu.core_type = #tpu.core_type<sc_vector_subcore>, window_params = [{transform_indices = #map}, {transform_indices = #map1}, {transform_indices = #map}, {transform_indices = #map1}]} {
    %mul3A = arith.constant 2 : i32
    %mul3A_0 = arith.muli %arg1, %mul3A : i32
    %add3A = arith.addi %mul3A_0, %arg0 : i32
    %mul3A_1 = arith.constant 4960 : i32
    %mul3A_2 = arith.muli %add3A, %mul3A_1 : i32
    %mul3A_3 = arith.constant 632 : i32
    %mul3A_4 = arith.muli %arg1, %mul3A_3 : i32
    "tpu.region"() ({
      %run_scoped3A = tpu.sem_alloc : memref<!tpu.dma_semaphore, #tpu.memory_space<semaphore_mem>>
      %dma_start3A_42 = arith.constant 0 : i32
      %dma_start3A_43 = tpu.memref_slice %arg8[%mul3A_4, %dma_start3A_42] : memref<10112x128xf32, #tpu.memory_space<vmem_shared>> -> memref<632x128xf32, #tpu.memory_space<vmem_shared>>
      %dma_start3A_44 = arith.constant 0 : i32
      %dma_start3A_45 = tpu.memref_slice %arg4[%mul3A_4, %dma_start3A_44] : memref<10112x128xf32, #tpu.memory_space<hbm>> -> memref<632x128xf32, #tpu.memory_space<hbm>>
      tpu.enqueue_dma source(%dma_start3A_45 : memref<632x128xf32, #tpu.memory_space<hbm>>) target(%dma_start3A_43 : memref<632x128xf32, #tpu.memory_space<vmem_shared>>) target_semaphore(%run_scoped3A : memref<!tpu.dma_semaphore, #tpu.memory_space<semaphore_mem>>)
      %dma_wait3A_46 = arith.constant 0 : i32
      %dma_wait3A_47 = tpu.memref_slice %arg8[%mul3A_4, %dma_wait3A_46] : memref<10112x128xf32, #tpu.memory_space<vmem_shared>> -> memref<632x128xf32, #tpu.memory_space<vmem_shared>>
      %dma_wait3A_48 = arith.constant 0 : i32
      %dma_wait3A_49 = tpu.memref_slice %arg4[%mul3A_4, %dma_wait3A_48] : memref<10112x128xf32, #tpu.memory_space<hbm>> -> memref<632x128xf32, #tpu.memory_space<hbm>>
      tpu.wait_dma2 semaphore(%run_scoped3A : memref<!tpu.dma_semaphore, #tpu.memory_space<semaphore_mem>>) src(%dma_wait3A_49 : memref<632x128xf32, #tpu.memory_space<hbm>>) dst(%dma_wait3A_47 : memref<632x128xf32, #tpu.memory_space<vmem_shared>>)
      tpu.yield
    }) : () -> ()
    "tpu.region"() ({
      %run_scoped3A = tpu.sem_alloc : memref<!tpu.dma_semaphore, #tpu.memory_space<semaphore_mem>>
      %dma_start3A_42 = arith.constant 0 : i32
      %dma_start3A_43 = arith.constant 0 : i32
      %dma_start3A_44 = tpu.memref_slice %arg3[%add3A, %dma_start3A_42, %dma_start3A_43] : memref<32x62x80xi32, #tpu.memory_space<hbm>> -> memref<1x62x80xi32, #tpu.memory_space<hbm>>
      %dma_start3A_45 = tpu.memref_squeeze %dma_start3A_44 : memref<1x62x80xi32, #tpu.memory_space<hbm>> -> memref<62x80xi32, #tpu.memory_space<hbm>>
      %dma_start3A_46 = arith.constant 0 : i32
      %dma_start3A_47 = arith.constant 0 : i32
      %dma_start3A_48 = tpu.memref_slice %arg3[%add3A, %dma_start3A_46, %dma_start3A_47] : memref<32x62x80xi32, #tpu.memory_space<hbm>> -> memref<1x62x80xi32, #tpu.memory_space<hbm>>
      %dma_start3A_49 = tpu.memref_squeeze %dma_start3A_48 : memref<1x62x80xi32, #tpu.memory_space<hbm>> -> memref<62x80xi32, #tpu.memory_space<hbm>>
      tpu.enqueue_dma source(%dma_start3A_49 : memref<62x80xi32, #tpu.memory_space<hbm>>) target(%arg6 : memref<62x80xi32, #tpu.memory_space<vmem>>) target_semaphore(%run_scoped3A : memref<!tpu.dma_semaphore, #tpu.memory_space<semaphore_mem>>)
      %dma_wait3A_50 = arith.constant 0 : i32
      %dma_wait3A_51 = arith.constant 0 : i32
      %dma_wait3A_52 = tpu.memref_slice %arg3[%add3A, %dma_wait3A_50, %dma_wait3A_51] : memref<32x62x80xi32, #tpu.memory_space<hbm>> -> memref<1x62x80xi32, #tpu.memory_space<hbm>>
      %dma_wait3A_53 = tpu.memref_squeeze %dma_wait3A_52 : memref<1x62x80xi32, #tpu.memory_space<hbm>> -> memref<62x80xi32, #tpu.memory_space<hbm>>
      %dma_wait3A_54 = arith.constant 0 : i32
      %dma_wait3A_55 = arith.constant 0 : i32
      %dma_wait3A_56 = tpu.memref_slice %arg3[%add3A, %dma_wait3A_54, %dma_wait3A_55] : memref<32x62x80xi32, #tpu.memory_space<hbm>> -> memref<1x62x80xi32, #tpu.memory_space<hbm>>
      %dma_wait3A_57 = tpu.memref_squeeze %dma_wait3A_56 : memref<1x62x80xi32, #tpu.memory_space<hbm>> -> memref<62x80xi32, #tpu.memory_space<hbm>>
      tpu.wait_dma2 semaphore(%run_scoped3A : memref<!tpu.dma_semaphore, #tpu.memory_space<semaphore_mem>>) src(%dma_wait3A_57 : memref<62x80xi32, #tpu.memory_space<hbm>>) dst(%arg6 : memref<62x80xi32, #tpu.memory_space<vmem>>)
      tpu.yield
    }) : () -> ()
    %barrier3A = arith.constant 0 : index
    tpu.barrier barrier_id(%barrier3A)
    %add3A_5 = arith.constant 0 : i32
    %add3A_6 = arith.addi %mul3A_2, %add3A_5 : i32
    %dma_start3A = arith.constant 0 : i32
    %dma_start3A_7 = arith.constant 0 : i32
    %dma_start3A_8 = arith.constant 0 : i32
    %dma_start3A_9 = arith.constant 0 : i32
    %dma_start3A_10 = tpu.memref_slice %arg7[%dma_start3A, %dma_start3A_8, %dma_start3A_9] : memref<2x80x128xf32, #tpu.memory_space<vmem>> -> memref<1x80x128xf32, #tpu.memory_space<vmem>>
    %dma_start3A_11 = tpu.memref_squeeze %dma_start3A_10 : memref<1x80x128xf32, #tpu.memory_space<vmem>> -> memref<80x128xf32, #tpu.memory_space<vmem>>
    %dma_start3A_12 = arith.constant 0 : i32
    %dma_start3A_13 = tpu.memref_slice %arg2[%add3A_6, %dma_start3A_12] : memref<158720x128xf32, #tpu.memory_space<hbm>> -> memref<80x128xf32, #tpu.memory_space<hbm>>
    %dma_start3A_14 = tpu.memref_slice %arg9[%dma_start3A_7] : memref<2x!tpu.dma_semaphore, #tpu.memory_space<semaphore_mem>> -> memref<1x!tpu.dma_semaphore, #tpu.memory_space<semaphore_mem>>
    %dma_start3A_15 = tpu.memref_squeeze %dma_start3A_14 : memref<1x!tpu.dma_semaphore, #tpu.memory_space<semaphore_mem>> -> memref<!tpu.dma_semaphore, #tpu.memory_space<semaphore_mem>>
    %dma_start3A_16 = arith.constant 0 : i32
    %dma_start3A_17 = arith.constant 0 : i32
    %dma_start3A_18 = tpu.memref_slice %arg7[%dma_start3A, %dma_start3A_16, %dma_start3A_17] : memref<2x80x128xf32, #tpu.memory_space<vmem>> -> memref<1x80x128xf32, #tpu.memory_space<vmem>>
    %dma_start3A_19 = tpu.memref_squeeze %dma_start3A_18 : memref<1x80x128xf32, #tpu.memory_space<vmem>> -> memref<80x128xf32, #tpu.memory_space<vmem>>
    %dma_start3A_20 = arith.constant 0 : i32
    %dma_start3A_21 = tpu.memref_slice %arg2[%add3A_6, %dma_start3A_20] : memref<158720x128xf32, #tpu.memory_space<hbm>> -> memref<80x128xf32, #tpu.memory_space<hbm>>
    tpu.enqueue_dma source(%dma_start3A_21 : memref<80x128xf32, #tpu.memory_space<hbm>>) target(%dma_start3A_19 : memref<80x128xf32, #tpu.memory_space<vmem>>) target_semaphore(%dma_start3A_15 : memref<!tpu.dma_semaphore, #tpu.memory_space<semaphore_mem>>)
    %scan3A = arith.constant 0 : i32
    %scan3A_22 = arith.constant 0 : i32
    %scan3A_23 = arith.constant 62 : i32
    %scan3A_24 = arith.addi %scan3A_22, %scan3A_23 : i32
    %scan3A_25 = arith.constant 1 : i32
    scf.for %scan3A_42 = %scan3A_22 to %scan3A_24 step %scan3A_25  : i32 {
      %rem3A = arith.constant 2 : i32
      %rem3A_43 = arith.remsi %scan3A_42, %rem3A : i32
      %add3A_44 = arith.constant 1 : i32
      %add3A_45 = arith.addi %scan3A_42, %add3A_44 : i32
      %rem3A_46 = arith.constant 2 : i32
      %rem3A_47 = arith.remsi %add3A_45, %rem3A_46 : i32
      %ge3A = arith.constant 1 : i32
      %ge3A_48 = arith.cmpi sge, %scan3A_42, %ge3A : i32
      %convert_element_type3A = arith.extui %ge3A_48 : i1 to i32
      %cond3A = arith.constant 0 : i32
      %cond3A_49 = arith.cmpi ne, %convert_element_type3A, %cond3A : i32
      scf.if %cond3A_49 {
        %dma_wait3A_84 = arith.constant 0 : i32
        %dma_wait3A_85 = arith.constant 0 : i32
        %dma_wait3A_86 = tpu.memref_slice %arg7[%rem3A_47, %dma_wait3A_84, %dma_wait3A_85] : memref<2x80x128xf32, #tpu.memory_space<vmem>> -> memref<1x80x128xf32, #tpu.memory_space<vmem>>
        %dma_wait3A_87 = tpu.memref_squeeze %dma_wait3A_86 : memref<1x80x128xf32, #tpu.memory_space<vmem>> -> memref<80x128xf32, #tpu.memory_space<vmem>>
        %dma_wait3A_88 = arith.constant 0 : i32
        %dma_wait3A_89 = tpu.memref_slice %arg6[%scan3A_42, %dma_wait3A_88] : memref<62x80xi32, #tpu.memory_space<vmem>> -> memref<1x80xi32, #tpu.memory_space<vmem>>
        %dma_wait3A_90 = tpu.memref_squeeze %dma_wait3A_89 : memref<1x80xi32, #tpu.memory_space<vmem>> -> memref<80xi32, #tpu.memory_space<vmem>>
        %dma_wait3A_91 = arith.constant 0 : i32
        %dma_wait3A_92 = arith.constant 0 : i32
        %dma_wait3A_93 = tpu.memref_slice %arg8[%dma_wait3A_91, %dma_wait3A_92] : memref<10112x128xf32, #tpu.memory_space<vmem_shared>> -> memref<10112x128xf32, #tpu.memory_space<vmem_shared>>
        %dma_wait3A_94 = tpu.memref_slice %arg10[%rem3A_47] : memref<2x!tpu.dma_semaphore, #tpu.memory_space<semaphore_mem>> -> memref<1x!tpu.dma_semaphore, #tpu.memory_space<semaphore_mem>>
        %dma_wait3A_95 = tpu.memref_squeeze %dma_wait3A_94 : memref<1x!tpu.dma_semaphore, #tpu.memory_space<semaphore_mem>> -> memref<!tpu.dma_semaphore, #tpu.memory_space<semaphore_mem>>
        tpu.wait_indirect_dma semaphore(%dma_wait3A_95 : memref<!tpu.dma_semaphore, #tpu.memory_space<semaphore_mem>>) src(%dma_wait3A_87 : memref<80x128xf32, #tpu.memory_space<vmem>>) dst(%dma_wait3A_93 : memref<10112x128xf32, #tpu.memory_space<vmem_shared>>)
      } else {
      }
      %add3A_50 = arith.constant 1 : i32
      %add3A_51 = arith.addi %scan3A_42, %add3A_50 : i32
      %lt3A = arith.constant 62 : i32
      %lt3A_52 = arith.cmpi slt, %add3A_51, %lt3A : i32
      %convert_element_type3A_53 = arith.extui %lt3A_52 : i1 to i32
      %cond3A_54 = arith.constant 0 : i32
      %cond3A_55 = arith.cmpi ne, %convert_element_type3A_53, %cond3A_54 : i32
      scf.if %cond3A_55 {
        %add3A_84 = arith.constant 1 : i32
        %add3A_85 = arith.addi %scan3A_42, %add3A_84 : i32
        %mul3A_86 = arith.constant 80 : i32
        %mul3A_87 = arith.muli %add3A_85, %mul3A_86 : i32
        %add3A_88 = arith.addi %mul3A_2, %mul3A_87 : i32
        %dma_start3A_89 = arith.constant 0 : i32
        %dma_start3A_90 = arith.constant 0 : i32
        %dma_start3A_91 = tpu.memref_slice %arg7[%rem3A_47, %dma_start3A_89, %dma_start3A_90] : memref<2x80x128xf32, #tpu.memory_space<vmem>> -> memref<1x80x128xf32, #tpu.memory_space<vmem>>
        %dma_start3A_92 = tpu.memref_squeeze %dma_start3A_91 : memref<1x80x128xf32, #tpu.memory_space<vmem>> -> memref<80x128xf32, #tpu.memory_space<vmem>>
        %dma_start3A_93 = arith.constant 0 : i32
        %dma_start3A_94 = tpu.memref_slice %arg2[%add3A_88, %dma_start3A_93] : memref<158720x128xf32, #tpu.memory_space<hbm>> -> memref<80x128xf32, #tpu.memory_space<hbm>>
        %dma_start3A_95 = tpu.memref_slice %arg9[%rem3A_47] : memref<2x!tpu.dma_semaphore, #tpu.memory_space<semaphore_mem>> -> memref<1x!tpu.dma_semaphore, #tpu.memory_space<semaphore_mem>>
        %dma_start3A_96 = tpu.memref_squeeze %dma_start3A_95 : memref<1x!tpu.dma_semaphore, #tpu.memory_space<semaphore_mem>> -> memref<!tpu.dma_semaphore, #tpu.memory_space<semaphore_mem>>
        %dma_start3A_97 = arith.constant 0 : i32
        %dma_start3A_98 = arith.constant 0 : i32
        %dma_start3A_99 = tpu.memref_slice %arg7[%rem3A_47, %dma_start3A_97, %dma_start3A_98] : memref<2x80x128xf32, #tpu.memory_space<vmem>> -> memref<1x80x128xf32, #tpu.memory_space<vmem>>
        %dma_start3A_100 = tpu.memref_squeeze %dma_start3A_99 : memref<1x80x128xf32, #tpu.memory_space<vmem>> -> memref<80x128xf32, #tpu.memory_space<vmem>>
        %dma_start3A_101 = arith.constant 0 : i32
        %dma_start3A_102 = tpu.memref_slice %arg2[%add3A_88, %dma_start3A_101] : memref<158720x128xf32, #tpu.memory_space<hbm>> -> memref<80x128xf32, #tpu.memory_space<hbm>>
        tpu.enqueue_dma source(%dma_start3A_102 : memref<80x128xf32, #tpu.memory_space<hbm>>) target(%dma_start3A_100 : memref<80x128xf32, #tpu.memory_space<vmem>>) target_semaphore(%dma_start3A_96 : memref<!tpu.dma_semaphore, #tpu.memory_space<semaphore_mem>>)
      } else {
      }
      %dma_wait3A_56 = arith.constant 0 : i32
      %dma_wait3A_57 = arith.constant 0 : i32
      %dma_wait3A_58 = tpu.memref_slice %arg7[%rem3A_43, %dma_wait3A_56, %dma_wait3A_57] : memref<2x80x128xf32, #tpu.memory_space<vmem>> -> memref<1x80x128xf32, #tpu.memory_space<vmem>>
      %dma_wait3A_59 = tpu.memref_squeeze %dma_wait3A_58 : memref<1x80x128xf32, #tpu.memory_space<vmem>> -> memref<80x128xf32, #tpu.memory_space<vmem>>
      %dma_wait3A_60 = arith.constant 0 : i32
      %dma_wait3A_61 = arith.constant 0 : i32
      %dma_wait3A_62 = tpu.memref_slice %arg2[%dma_wait3A_60, %dma_wait3A_61] : memref<158720x128xf32, #tpu.memory_space<hbm>> -> memref<80x128xf32, #tpu.memory_space<hbm>>
      %dma_wait3A_63 = tpu.memref_slice %arg9[%rem3A_43] : memref<2x!tpu.dma_semaphore, #tpu.memory_space<semaphore_mem>> -> memref<1x!tpu.dma_semaphore, #tpu.memory_space<semaphore_mem>>
      %dma_wait3A_64 = tpu.memref_squeeze %dma_wait3A_63 : memref<1x!tpu.dma_semaphore, #tpu.memory_space<semaphore_mem>> -> memref<!tpu.dma_semaphore, #tpu.memory_space<semaphore_mem>>
      %dma_wait3A_65 = arith.constant 0 : i32
      %dma_wait3A_66 = arith.constant 0 : i32
      %dma_wait3A_67 = tpu.memref_slice %arg7[%rem3A_43, %dma_wait3A_65, %dma_wait3A_66] : memref<2x80x128xf32, #tpu.memory_space<vmem>> -> memref<1x80x128xf32, #tpu.memory_space<vmem>>
      %dma_wait3A_68 = tpu.memref_squeeze %dma_wait3A_67 : memref<1x80x128xf32, #tpu.memory_space<vmem>> -> memref<80x128xf32, #tpu.memory_space<vmem>>
      %dma_wait3A_69 = arith.constant 0 : i32
      %dma_wait3A_70 = arith.constant 0 : i32
      %dma_wait3A_71 = tpu.memref_slice %arg2[%dma_wait3A_69, %dma_wait3A_70] : memref<158720x128xf32, #tpu.memory_space<hbm>> -> memref<80x128xf32, #tpu.memory_space<hbm>>
      tpu.wait_dma2 semaphore(%dma_wait3A_64 : memref<!tpu.dma_semaphore, #tpu.memory_space<semaphore_mem>>) src(%dma_wait3A_71 : memref<80x128xf32, #tpu.memory_space<hbm>>) dst(%dma_wait3A_68 : memref<80x128xf32, #tpu.memory_space<vmem>>)
      %dma_start3A_72 = arith.constant 0 : i32
      %dma_start3A_73 = arith.constant 0 : i32
      %dma_start3A_74 = tpu.memref_slice %arg7[%rem3A_43, %dma_start3A_72, %dma_start3A_73] : memref<2x80x128xf32, #tpu.memory_space<vmem>> -> memref<1x80x128xf32, #tpu.memory_space<vmem>>
      %dma_start3A_75 = tpu.memref_squeeze %dma_start3A_74 : memref<1x80x128xf32, #tpu.memory_space<vmem>> -> memref<80x128xf32, #tpu.memory_space<vmem>>
      %dma_start3A_76 = arith.constant 0 : i32
      %dma_start3A_77 = tpu.memref_slice %arg6[%scan3A_42, %dma_start3A_76] : memref<62x80xi32, #tpu.memory_space<vmem>> -> memref<1x80xi32, #tpu.memory_space<vmem>>
      %dma_start3A_78 = tpu.memref_squeeze %dma_start3A_77 : memref<1x80xi32, #tpu.memory_space<vmem>> -> memref<80xi32, #tpu.memory_space<vmem>>
      %dma_start3A_79 = arith.constant 0 : i32
      %dma_start3A_80 = arith.constant 0 : i32
      %dma_start3A_81 = tpu.memref_slice %arg8[%dma_start3A_79, %dma_start3A_80] : memref<10112x128xf32, #tpu.memory_space<vmem_shared>> -> memref<10112x128xf32, #tpu.memory_space<vmem_shared>>
      %dma_start3A_82 = tpu.memref_slice %arg10[%rem3A_43] : memref<2x!tpu.dma_semaphore, #tpu.memory_space<semaphore_mem>> -> memref<1x!tpu.dma_semaphore, #tpu.memory_space<semaphore_mem>>
      %dma_start3A_83 = tpu.memref_squeeze %dma_start3A_82 : memref<1x!tpu.dma_semaphore, #tpu.memory_space<semaphore_mem>> -> memref<!tpu.dma_semaphore, #tpu.memory_space<semaphore_mem>>
      tpu.enqueue_indirect_dma source(%dma_start3A_75 : memref<80x128xf32, #tpu.memory_space<vmem>>) target(%dma_start3A_81 : memref<10112x128xf32, #tpu.memory_space<vmem_shared>>) offsets(%dma_start3A_78 : memref<80xi32, #tpu.memory_space<vmem>>) semaphore(%dma_start3A_83 : memref<!tpu.dma_semaphore, #tpu.memory_space<semaphore_mem>>) {add = true}
    }
    %scan3A_26 = arith.constant 62 : i32
    %dma_wait3A = arith.constant 1 : i32
    %dma_wait3A_27 = arith.constant 61 : i32
    %dma_wait3A_28 = arith.constant 1 : i32
    %dma_wait3A_29 = arith.constant 0 : i32
    %dma_wait3A_30 = arith.constant 0 : i32
    %dma_wait3A_31 = tpu.memref_slice %arg7[%dma_wait3A, %dma_wait3A_29, %dma_wait3A_30] : memref<2x80x128xf32, #tpu.memory_space<vmem>> -> memref<1x80x128xf32, #tpu.memory_space<vmem>>
    %dma_wait3A_32 = tpu.memref_squeeze %dma_wait3A_31 : memref<1x80x128xf32, #tpu.memory_space<vmem>> -> memref<80x128xf32, #tpu.memory_space<vmem>>
    %dma_wait3A_33 = arith.constant 0 : i32
    %dma_wait3A_34 = tpu.memref_slice %arg6[%dma_wait3A_27, %dma_wait3A_33] : memref<62x80xi32, #tpu.memory_space<vmem>> -> memref<1x80xi32, #tpu.memory_space<vmem>>
    %dma_wait3A_35 = tpu.memref_squeeze %dma_wait3A_34 : memref<1x80xi32, #tpu.memory_space<vmem>> -> memref<80xi32, #tpu.memory_space<vmem>>
    %dma_wait3A_36 = arith.constant 0 : i32
    %dma_wait3A_37 = arith.constant 0 : i32
    %dma_wait3A_38 = tpu.memref_slice %arg8[%dma_wait3A_36, %dma_wait3A_37] : memref<10112x128xf32, #tpu.memory_space<vmem_shared>> -> memref<10112x128xf32, #tpu.memory_space<vmem_shared>>
    %dma_wait3A_39 = tpu.memref_slice %arg10[%dma_wait3A_28] : memref<2x!tpu.dma_semaphore, #tpu.memory_space<semaphore_mem>> -> memref<1x!tpu.dma_semaphore, #tpu.memory_space<semaphore_mem>>
    %dma_wait3A_40 = tpu.memref_squeeze %dma_wait3A_39 : memref<1x!tpu.dma_semaphore, #tpu.memory_space<semaphore_mem>> -> memref<!tpu.dma_semaphore, #tpu.memory_space<semaphore_mem>>
    tpu.wait_indirect_dma semaphore(%dma_wait3A_40 : memref<!tpu.dma_semaphore, #tpu.memory_space<semaphore_mem>>) src(%dma_wait3A_32 : memref<80x128xf32, #tpu.memory_space<vmem>>) dst(%dma_wait3A_38 : memref<10112x128xf32, #tpu.memory_space<vmem_shared>>)
    %barrier3A_41 = arith.constant 0 : index
    tpu.barrier barrier_id(%barrier3A_41)
    "tpu.region"() ({
      %run_scoped3A = tpu.sem_alloc : memref<!tpu.dma_semaphore, #tpu.memory_space<semaphore_mem>>
      %dma_start3A_42 = arith.constant 0 : i32
      %dma_start3A_43 = tpu.memref_slice %arg5[%arg0, %mul3A_4, %dma_start3A_42] : memref<2x10112x128xf32, #tpu.memory_space<hbm>> -> memref<1x632x128xf32, #tpu.memory_space<hbm>>
      %dma_start3A_44 = tpu.memref_squeeze %dma_start3A_43 : memref<1x632x128xf32, #tpu.memory_space<hbm>> -> memref<632x128xf32, #tpu.memory_space<hbm>>
      %dma_start3A_45 = arith.constant 0 : i32
      %dma_start3A_46 = tpu.memref_slice %arg8[%mul3A_4, %dma_start3A_45] : memref<10112x128xf32, #tpu.memory_space<vmem_shared>> -> memref<632x128xf32, #tpu.memory_space<vmem_shared>>
      tpu.enqueue_dma source(%dma_start3A_46 : memref<632x128xf32, #tpu.memory_space<vmem_shared>>) target(%dma_start3A_44 : memref<632x128xf32, #tpu.memory_space<hbm>>) target_semaphore(%run_scoped3A : memref<!tpu.dma_semaphore, #tpu.memory_space<semaphore_mem>>)
      %dma_wait3A_47 = arith.constant 0 : i32
      %dma_wait3A_48 = tpu.memref_slice %arg5[%arg0, %mul3A_4, %dma_wait3A_47] : memref<2x10112x128xf32, #tpu.memory_space<hbm>> -> memref<1x632x128xf32, #tpu.memory_space<hbm>>
      %dma_wait3A_49 = tpu.memref_squeeze %dma_wait3A_48 : memref<1x632x128xf32, #tpu.memory_space<hbm>> -> memref<632x128xf32, #tpu.memory_space<hbm>>
      %dma_wait3A_50 = arith.constant 0 : i32
      %dma_wait3A_51 = tpu.memref_slice %arg8[%mul3A_4, %dma_wait3A_50] : memref<10112x128xf32, #tpu.memory_space<vmem_shared>> -> memref<632x128xf32, #tpu.memory_space<vmem_shared>>
      tpu.wait_dma2 semaphore(%run_scoped3A : memref<!tpu.dma_semaphore, #tpu.memory_space<semaphore_mem>>) src(%dma_wait3A_51 : memref<632x128xf32, #tpu.memory_space<vmem_shared>>) dst(%dma_wait3A_49 : memref<632x128xf32, #tpu.memory_space<hbm>>)
      tpu.yield
    }) : () -> ()
    return
  }
}

module attributes {stable_mosaic.version = 14 : i64} {
  func.func @_edge_mlp_body(%arg0: i32, %arg1: memref<8064x128xf32, #tpu.memory_space<vmem>>, %arg2: memref<8064x16xf32, #tpu.memory_space<vmem>>, %arg3: memref<144x256xf32, #tpu.memory_space<vmem>>, %arg4: memref<1x256xf32, #tpu.memory_space<vmem>>, %arg5: memref<128x128xf32, #tpu.memory_space<vmem>>, %arg6: memref<1x128xf32, #tpu.memory_space<vmem>>, %arg7: memref<128x128xf32, #tpu.memory_space<vmem>>, %arg8: memref<1x128xf32, #tpu.memory_space<vmem>>, %arg9: memref<8064x128xf32, #tpu.memory_space<vmem>>) attributes {dimension_semantics = [#tpu.dimension_semantics<arbitrary>], iteration_bounds = array<i64: 20>, scalar_prefetch = 0 : i64, scratch_operands = 0 : i64, tpu.core_type = #tpu.core_type<tc>, window_params = [{transform_indices = @transform_0, window_bounds = array<i64: 8064, 128>}, {transform_indices = @transform_1, window_bounds = array<i64: 8064, 16>}, {pipeline_mode = #tpu.pipeline_mode<synchronous>, transform_indices = @transform_2, window_bounds = array<i64: 144, 256>}, {pipeline_mode = #tpu.pipeline_mode<synchronous>, transform_indices = @transform_3, window_bounds = array<i64: 1, 256>}, {pipeline_mode = #tpu.pipeline_mode<synchronous>, transform_indices = @transform_4, window_bounds = array<i64: 128, 128>}, {pipeline_mode = #tpu.pipeline_mode<synchronous>, transform_indices = @transform_5, window_bounds = array<i64: 1, 128>}, {pipeline_mode = #tpu.pipeline_mode<synchronous>, transform_indices = @transform_6, window_bounds = array<i64: 128, 128>}, {pipeline_mode = #tpu.pipeline_mode<synchronous>, transform_indices = @transform_7, window_bounds = array<i64: 1, 128>}, {transform_indices = @transform_8, window_bounds = array<i64: 8064, 128>}]} {
    %get3A = arith.constant 0 : index
    %get3A_0 = arith.constant 0 : index
    %get3A_1 = vector.load %arg1[%get3A, %get3A_0] : memref<8064x128xf32, #tpu.memory_space<vmem>>, vector<8064x128xf32>
    %get3A_2 = arith.constant 0 : index
    %get3A_3 = arith.constant 0 : index
    %get3A_4 = vector.load %arg2[%get3A_2, %get3A_3] : memref<8064x16xf32, #tpu.memory_space<vmem>>, vector<8064x16xf32>
    %get3A_5 = arith.constant 0 : index
    %get3A_6 = arith.constant 0 : index
    %get3A_7 = vector.load %arg3[%get3A_5, %get3A_6] : memref<144x256xf32, #tpu.memory_space<vmem>>, vector<128x256xf32>
    %dot_general3A = arith.constant dense<0.000000e+00> : vector<8064x256xf32>
    %dot_general3A_8 = tpu.matmul %get3A_1, %get3A_7, %dot_general3A {dimension_numbers = #tpu.dot_dimension_numbers<[1], [0], [0], [1], [0, 0, 1, 1], [], []>, transpose_lhs_hint = false} : vector<8064x128xf32>, vector<128x256xf32>, vector<8064x256xf32> -> vector<8064x256xf32>
    %get3A_9 = arith.constant 128 : index
    %get3A_10 = arith.constant 0 : index
    %get3A_11 = vector.load %arg3[%get3A_9, %get3A_10] : memref<144x256xf32, #tpu.memory_space<vmem>>, vector<16x256xf32>
    %dot_general3A_12 = arith.constant dense<0.000000e+00> : vector<8064x256xf32>
    %dot_general3A_13 = tpu.matmul %get3A_4, %get3A_11, %dot_general3A_12 {dimension_numbers = #tpu.dot_dimension_numbers<[1], [0], [0], [1], [0, 0, 1, 1], [], []>, transpose_lhs_hint = false} : vector<8064x16xf32>, vector<16x256xf32>, vector<8064x256xf32> -> vector<8064x256xf32>
    %add3A = arith.addf %dot_general3A_8, %dot_general3A_13 : vector<8064x256xf32>
    %get3A_14 = arith.constant 0 : index
    %get3A_15 = arith.constant 0 : index
    %get3A_16 = vector.load %arg4[%get3A_14, %get3A_15] : memref<1x256xf32, #tpu.memory_space<vmem>>, vector<1x256xf32>
    %add3A_17 = vector.broadcast %get3A_16 : vector<1x256xf32> to vector<8064x256xf32>
    %add3A_18 = arith.addf %add3A, %add3A_17 : vector<8064x256xf32>
    %slice3A = vector.extract_strided_slice %add3A_18 {offsets = [0, 0], sizes = [8064, 128], strides = [1, 1]} : vector<8064x256xf32> to vector<8064x128xf32>
    %max3A = arith.constant 0.000000e+00 : f32
    %max3A_19 = vector.broadcast %max3A : f32 to vector<8064x128xf32>
    %max3A_20 = arith.maximumf %slice3A, %max3A_19 : vector<8064x128xf32>
    %slice3A_21 = vector.extract_strided_slice %add3A_18 {offsets = [0, 128], sizes = [8064, 128], strides = [1, 1]} : vector<8064x256xf32> to vector<8064x128xf32>
    %max3A_22 = arith.constant 0.000000e+00 : f32
    %max3A_23 = vector.broadcast %max3A_22 : f32 to vector<8064x128xf32>
    %max3A_24 = arith.maximumf %slice3A_21, %max3A_23 : vector<8064x128xf32>
    %get3A_25 = arith.constant 0 : index
    %get3A_26 = arith.constant 0 : index
    %get3A_27 = vector.load %arg5[%get3A_25, %get3A_26] : memref<128x128xf32, #tpu.memory_space<vmem>>, vector<128x128xf32>
    %dot_general3A_28 = arith.constant dense<0.000000e+00> : vector<8064x128xf32>
    %dot_general3A_29 = tpu.matmul %max3A_20, %get3A_27, %dot_general3A_28 {dimension_numbers = #tpu.dot_dimension_numbers<[1], [0], [0], [1], [0, 0, 1, 1], [], []>, transpose_lhs_hint = false} : vector<8064x128xf32>, vector<128x128xf32>, vector<8064x128xf32> -> vector<8064x128xf32>
    %get3A_30 = arith.constant 0 : index
    %get3A_31 = arith.constant 0 : index
    %get3A_32 = vector.load %arg6[%get3A_30, %get3A_31] : memref<1x128xf32, #tpu.memory_space<vmem>>, vector<1x128xf32>
    %add3A_33 = vector.broadcast %get3A_32 : vector<1x128xf32> to vector<8064x128xf32>
    %add3A_34 = arith.addf %dot_general3A_29, %add3A_33 : vector<8064x128xf32>
    %get3A_35 = arith.constant 0 : index
    %get3A_36 = arith.constant 0 : index
    %get3A_37 = vector.load %arg7[%get3A_35, %get3A_36] : memref<128x128xf32, #tpu.memory_space<vmem>>, vector<128x128xf32>
    %dot_general3A_38 = arith.constant dense<0.000000e+00> : vector<8064x128xf32>
    %dot_general3A_39 = tpu.matmul %max3A_24, %get3A_37, %dot_general3A_38 {dimension_numbers = #tpu.dot_dimension_numbers<[1], [0], [0], [1], [0, 0, 1, 1], [], []>, transpose_lhs_hint = false} : vector<8064x128xf32>, vector<128x128xf32>, vector<8064x128xf32> -> vector<8064x128xf32>
    %get3A_40 = arith.constant 0 : index
    %get3A_41 = arith.constant 0 : index
    %get3A_42 = vector.load %arg8[%get3A_40, %get3A_41] : memref<1x128xf32, #tpu.memory_space<vmem>>, vector<1x128xf32>
    %add3A_43 = vector.broadcast %get3A_42 : vector<1x128xf32> to vector<8064x128xf32>
    %add3A_44 = arith.addf %dot_general3A_39, %add3A_43 : vector<8064x128xf32>
    %logistic3A = arith.negf %add3A_44 : vector<8064x128xf32>
    %logistic3A_45 = math.exp %logistic3A : vector<8064x128xf32>
    %logistic3A_46 = arith.constant 1.000000e+00 : f32
    %logistic3A_47 = vector.broadcast %logistic3A_46 : f32 to vector<8064x128xf32>
    %logistic3A_48 = arith.addf %logistic3A_47, %logistic3A_45 : vector<8064x128xf32>
    %logistic3A_49 = arith.divf %logistic3A_47, %logistic3A_48 : vector<8064x128xf32>
    %mul3A = arith.mulf %add3A_34, %logistic3A_49 : vector<8064x128xf32>
    %swap3A = arith.constant 0 : index
    %swap3A_50 = arith.constant 0 : index
    %swap3A_51 = vector.load %arg9[%swap3A, %swap3A_50] : memref<8064x128xf32, #tpu.memory_space<vmem>>, vector<8064x128xf32>
    tpu.vector_store %arg9[%swap3A, %swap3A_50], %mul3A {strides = array<i32>} : memref<8064x128xf32, #tpu.memory_space<vmem>>, vector<8064x128xf32>,
    return
  }
  func.func @transform_0(%arg0: i32) -> (i32, i32) {
    %c0_i32 = arith.constant 0 : i32
    %c0_i32_0 = arith.constant 0 : i32
    return %arg0, %c0_i32 : i32, i32
  }
  func.func @transform_1(%arg0: i32) -> (i32, i32) {
    %c0_i32 = arith.constant 0 : i32
    %c0_i32_0 = arith.constant 0 : i32
    return %arg0, %c0_i32 : i32, i32
  }
  func.func @transform_2(%arg0: i32) -> (i32, i32) {
    %c0_i32 = arith.constant 0 : i32
    %c0_i32_0 = arith.constant 0 : i32
    %c0_i32_1 = arith.constant 0 : i32
    return %c0_i32, %c0_i32_0 : i32, i32
  }
  func.func @transform_3(%arg0: i32) -> (i32, i32) {
    %c0_i32 = arith.constant 0 : i32
    %c0_i32_0 = arith.constant 0 : i32
    %c0_i32_1 = arith.constant 0 : i32
    return %c0_i32, %c0_i32_0 : i32, i32
  }
  func.func @transform_4(%arg0: i32) -> (i32, i32) {
    %c0_i32 = arith.constant 0 : i32
    %c0_i32_0 = arith.constant 0 : i32
    %c0_i32_1 = arith.constant 0 : i32
    return %c0_i32, %c0_i32_0 : i32, i32
  }
  func.func @transform_5(%arg0: i32) -> (i32, i32) {
    %c0_i32 = arith.constant 0 : i32
    %c0_i32_0 = arith.constant 0 : i32
    %c0_i32_1 = arith.constant 0 : i32
    return %c0_i32, %c0_i32_0 : i32, i32
  }
  func.func @transform_6(%arg0: i32) -> (i32, i32) {
    %c0_i32 = arith.constant 0 : i32
    %c0_i32_0 = arith.constant 0 : i32
    %c0_i32_1 = arith.constant 0 : i32
    return %c0_i32, %c0_i32_0 : i32, i32
  }
  func.func @transform_7(%arg0: i32) -> (i32, i32) {
    %c0_i32 = arith.constant 0 : i32
    %c0_i32_0 = arith.constant 0 : i32
    %c0_i32_1 = arith.constant 0 : i32
    return %c0_i32, %c0_i32_0 : i32, i32
  }
  func.func @transform_8(%arg0: i32) -> (i32, i32) {
    %c0_i32 = arith.constant 0 : i32
    %c0_i32_0 = arith.constant 0 : i32
    return %arg0, %c0_i32 : i32, i32
  }
}

module attributes {stable_mosaic.version = 14 : i64} {
  func.func @_edge_mlp_body(%arg0: i32, %arg1: memref<7936x128xf32, #tpu.memory_space<vmem>>, %arg2: memref<7936x16xf32, #tpu.memory_space<vmem>>, %arg3: memref<144x256xf32, #tpu.memory_space<vmem>>, %arg4: memref<1x256xf32, #tpu.memory_space<vmem>>, %arg5: memref<128x128xf32, #tpu.memory_space<vmem>>, %arg6: memref<1x128xf32, #tpu.memory_space<vmem>>, %arg7: memref<128x128xf32, #tpu.memory_space<vmem>>, %arg8: memref<1x128xf32, #tpu.memory_space<vmem>>, %arg9: memref<7936x128xf32, #tpu.memory_space<vmem>>) attributes {dimension_semantics = [#tpu.dimension_semantics<arbitrary>], iteration_bounds = array<i64: 20>, scalar_prefetch = 0 : i64, scratch_operands = 0 : i64, tpu.core_type = #tpu.core_type<tc>, window_params = [{transform_indices = @transform_0, window_bounds = array<i64: 7936, 128>}, {transform_indices = @transform_1, window_bounds = array<i64: 7936, 16>}, {pipeline_mode = #tpu.pipeline_mode<synchronous>, transform_indices = @transform_2, window_bounds = array<i64: 144, 256>}, {pipeline_mode = #tpu.pipeline_mode<synchronous>, transform_indices = @transform_3, window_bounds = array<i64: 1, 256>}, {pipeline_mode = #tpu.pipeline_mode<synchronous>, transform_indices = @transform_4, window_bounds = array<i64: 128, 128>}, {pipeline_mode = #tpu.pipeline_mode<synchronous>, transform_indices = @transform_5, window_bounds = array<i64: 1, 128>}, {pipeline_mode = #tpu.pipeline_mode<synchronous>, transform_indices = @transform_6, window_bounds = array<i64: 128, 128>}, {pipeline_mode = #tpu.pipeline_mode<synchronous>, transform_indices = @transform_7, window_bounds = array<i64: 1, 128>}, {transform_indices = @transform_8, window_bounds = array<i64: 7936, 128>}]} {
    %get3A = arith.constant 0 : index
    %get3A_0 = arith.constant 0 : index
    %get3A_1 = vector.load %arg1[%get3A, %get3A_0] : memref<7936x128xf32, #tpu.memory_space<vmem>>, vector<7936x128xf32>
    %get3A_2 = arith.constant 0 : index
    %get3A_3 = arith.constant 0 : index
    %get3A_4 = vector.load %arg2[%get3A_2, %get3A_3] : memref<7936x16xf32, #tpu.memory_space<vmem>>, vector<7936x16xf32>
    %get3A_5 = arith.constant 0 : index
    %get3A_6 = arith.constant 0 : index
    %get3A_7 = vector.load %arg3[%get3A_5, %get3A_6] : memref<144x256xf32, #tpu.memory_space<vmem>>, vector<128x256xf32>
    %dot_general3A = arith.constant dense<0.000000e+00> : vector<7936x256xf32>
    %dot_general3A_8 = tpu.matmul %get3A_1, %get3A_7, %dot_general3A {dimension_numbers = #tpu.dot_dimension_numbers<[1], [0], [0], [1], [0, 0, 1, 1], [], []>, transpose_lhs_hint = false} : vector<7936x128xf32>, vector<128x256xf32>, vector<7936x256xf32> -> vector<7936x256xf32>
    %get3A_9 = arith.constant 128 : index
    %get3A_10 = arith.constant 0 : index
    %get3A_11 = vector.load %arg3[%get3A_9, %get3A_10] : memref<144x256xf32, #tpu.memory_space<vmem>>, vector<16x256xf32>
    %dot_general3A_12 = arith.constant dense<0.000000e+00> : vector<7936x256xf32>
    %dot_general3A_13 = tpu.matmul %get3A_4, %get3A_11, %dot_general3A_12 {dimension_numbers = #tpu.dot_dimension_numbers<[1], [0], [0], [1], [0, 0, 1, 1], [], []>, transpose_lhs_hint = false} : vector<7936x16xf32>, vector<16x256xf32>, vector<7936x256xf32> -> vector<7936x256xf32>
    %add3A = arith.addf %dot_general3A_8, %dot_general3A_13 : vector<7936x256xf32>
    %get3A_14 = arith.constant 0 : index
    %get3A_15 = arith.constant 0 : index
    %get3A_16 = vector.load %arg4[%get3A_14, %get3A_15] : memref<1x256xf32, #tpu.memory_space<vmem>>, vector<1x256xf32>
    %add3A_17 = vector.broadcast %get3A_16 : vector<1x256xf32> to vector<7936x256xf32>
    %add3A_18 = arith.addf %add3A, %add3A_17 : vector<7936x256xf32>
    %slice3A = vector.extract_strided_slice %add3A_18 {offsets = [0, 0], sizes = [7936, 128], strides = [1, 1]} : vector<7936x256xf32> to vector<7936x128xf32>
    %max3A = arith.constant 0.000000e+00 : f32
    %max3A_19 = vector.broadcast %max3A : f32 to vector<7936x128xf32>
    %max3A_20 = arith.maximumf %slice3A, %max3A_19 : vector<7936x128xf32>
    %slice3A_21 = vector.extract_strided_slice %add3A_18 {offsets = [0, 128], sizes = [7936, 128], strides = [1, 1]} : vector<7936x256xf32> to vector<7936x128xf32>
    %max3A_22 = arith.constant 0.000000e+00 : f32
    %max3A_23 = vector.broadcast %max3A_22 : f32 to vector<7936x128xf32>
    %max3A_24 = arith.maximumf %slice3A_21, %max3A_23 : vector<7936x128xf32>
    %get3A_25 = arith.constant 0 : index
    %get3A_26 = arith.constant 0 : index
    %get3A_27 = vector.load %arg5[%get3A_25, %get3A_26] : memref<128x128xf32, #tpu.memory_space<vmem>>, vector<128x128xf32>
    %dot_general3A_28 = arith.constant dense<0.000000e+00> : vector<7936x128xf32>
    %dot_general3A_29 = tpu.matmul %max3A_20, %get3A_27, %dot_general3A_28 {dimension_numbers = #tpu.dot_dimension_numbers<[1], [0], [0], [1], [0, 0, 1, 1], [], []>, transpose_lhs_hint = false} : vector<7936x128xf32>, vector<128x128xf32>, vector<7936x128xf32> -> vector<7936x128xf32>
    %get3A_30 = arith.constant 0 : index
    %get3A_31 = arith.constant 0 : index
    %get3A_32 = vector.load %arg6[%get3A_30, %get3A_31] : memref<1x128xf32, #tpu.memory_space<vmem>>, vector<1x128xf32>
    %add3A_33 = vector.broadcast %get3A_32 : vector<1x128xf32> to vector<7936x128xf32>
    %add3A_34 = arith.addf %dot_general3A_29, %add3A_33 : vector<7936x128xf32>
    %get3A_35 = arith.constant 0 : index
    %get3A_36 = arith.constant 0 : index
    %get3A_37 = vector.load %arg7[%get3A_35, %get3A_36] : memref<128x128xf32, #tpu.memory_space<vmem>>, vector<128x128xf32>
    %dot_general3A_38 = arith.constant dense<0.000000e+00> : vector<7936x128xf32>
    %dot_general3A_39 = tpu.matmul %max3A_24, %get3A_37, %dot_general3A_38 {dimension_numbers = #tpu.dot_dimension_numbers<[1], [0], [0], [1], [0, 0, 1, 1], [], []>, transpose_lhs_hint = false} : vector<7936x128xf32>, vector<128x128xf32>, vector<7936x128xf32> -> vector<7936x128xf32>
    %get3A_40 = arith.constant 0 : index
    %get3A_41 = arith.constant 0 : index
    %get3A_42 = vector.load %arg8[%get3A_40, %get3A_41] : memref<1x128xf32, #tpu.memory_space<vmem>>, vector<1x128xf32>
    %add3A_43 = vector.broadcast %get3A_42 : vector<1x128xf32> to vector<7936x128xf32>
    %add3A_44 = arith.addf %dot_general3A_39, %add3A_43 : vector<7936x128xf32>
    %logistic3A = arith.negf %add3A_44 : vector<7936x128xf32>
    %logistic3A_45 = math.exp %logistic3A : vector<7936x128xf32>
    %logistic3A_46 = arith.constant 1.000000e+00 : f32
    %logistic3A_47 = vector.broadcast %logistic3A_46 : f32 to vector<7936x128xf32>
    %logistic3A_48 = arith.addf %logistic3A_47, %logistic3A_45 : vector<7936x128xf32>
    %logistic3A_49 = arith.divf %logistic3A_47, %logistic3A_48 : vector<7936x128xf32>
    %mul3A = arith.mulf %add3A_34, %logistic3A_49 : vector<7936x128xf32>
    %swap3A = arith.constant 0 : index
    %swap3A_50 = arith.constant 0 : index
    %swap3A_51 = vector.load %arg9[%swap3A, %swap3A_50] : memref<7936x128xf32, #tpu.memory_space<vmem>>, vector<7936x128xf32>
    tpu.vector_store %arg9[%swap3A, %swap3A_50], %mul3A {strides = array<i32>} : memref<7936x128xf32, #tpu.memory_space<vmem>>, vector<7936x128xf32>,
    return
  }
  func.func @transform_0(%arg0: i32) -> (i32, i32) {
    %c0_i32 = arith.constant 0 : i32
    %c0_i32_0 = arith.constant 0 : i32
    return %arg0, %c0_i32 : i32, i32
  }
  func.func @transform_1(%arg0: i32) -> (i32, i32) {
    %c0_i32 = arith.constant 0 : i32
    %c0_i32_0 = arith.constant 0 : i32
    return %arg0, %c0_i32 : i32, i32
  }
  func.func @transform_2(%arg0: i32) -> (i32, i32) {
    %c0_i32 = arith.constant 0 : i32
    %c0_i32_0 = arith.constant 0 : i32
    %c0_i32_1 = arith.constant 0 : i32
    return %c0_i32, %c0_i32_0 : i32, i32
  }
  func.func @transform_3(%arg0: i32) -> (i32, i32) {
    %c0_i32 = arith.constant 0 : i32
    %c0_i32_0 = arith.constant 0 : i32
    %c0_i32_1 = arith.constant 0 : i32
    return %c0_i32, %c0_i32_0 : i32, i32
  }
  func.func @transform_4(%arg0: i32) -> (i32, i32) {
    %c0_i32 = arith.constant 0 : i32
    %c0_i32_0 = arith.constant 0 : i32
    %c0_i32_1 = arith.constant 0 : i32
    return %c0_i32, %c0_i32_0 : i32, i32
  }
  func.func @transform_5(%arg0: i32) -> (i32, i32) {
    %c0_i32 = arith.constant 0 : i32
    %c0_i32_0 = arith.constant 0 : i32
    %c0_i32_1 = arith.constant 0 : i32
    return %c0_i32, %c0_i32_0 : i32, i32
  }
  func.func @transform_6(%arg0: i32) -> (i32, i32) {
    %c0_i32 = arith.constant 0 : i32
    %c0_i32_0 = arith.constant 0 : i32
    %c0_i32_1 = arith.constant 0 : i32
    return %c0_i32, %c0_i32_0 : i32, i32
  }
  func.func @transform_7(%arg0: i32) -> (i32, i32) {
    %c0_i32 = arith.constant 0 : i32
    %c0_i32_0 = arith.constant 0 : i32
    %c0_i32_1 = arith.constant 0 : i32
    return %c0_i32, %c0_i32_0 : i32, i32
  }
  func.func @transform_8(%arg0: i32) -> (i32, i32) {
    %c0_i32 = arith.constant 0 : i32
    %c0_i32_0 = arith.constant 0 : i32
    return %arg0, %c0_i32 : i32, i32
  }
}

module attributes {stable_mosaic.version = 14 : i64} {
  func.func @_gru_body(%arg0: i32, %arg1: memref<2x2000x128xf32, #tpu.memory_space<vmem>>, %arg2: memref<2x2000x128xf32, #tpu.memory_space<vmem>>, %arg3: memref<2000x128xf32, #tpu.memory_space<vmem>>, %arg4: memref<128x384xf32, #tpu.memory_space<vmem>>, %arg5: memref<1x384xf32, #tpu.memory_space<vmem>>, %arg6: memref<128x384xf32, #tpu.memory_space<vmem>>, %arg7: memref<1x384xf32, #tpu.memory_space<vmem>>, %arg8: memref<2000x128xf32, #tpu.memory_space<vmem>>) attributes {dimension_semantics = [#tpu.dimension_semantics<arbitrary>], iteration_bounds = array<i64: 5>, scalar_prefetch = 0 : i64, scratch_operands = 0 : i64, tpu.core_type = #tpu.core_type<tc>, window_params = [{transform_indices = @transform_0, window_bounds = array<i64: 2, 2000, 128>}, {transform_indices = @transform_1, window_bounds = array<i64: 2, 2000, 128>}, {transform_indices = @transform_2, window_bounds = array<i64: 2000, 128>}, {pipeline_mode = #tpu.pipeline_mode<synchronous>, transform_indices = @transform_3, window_bounds = array<i64: 128, 384>}, {pipeline_mode = #tpu.pipeline_mode<synchronous>, transform_indices = @transform_4, window_bounds = array<i64: 1, 384>}, {pipeline_mode = #tpu.pipeline_mode<synchronous>, transform_indices = @transform_5, window_bounds = array<i64: 128, 384>}, {pipeline_mode = #tpu.pipeline_mode<synchronous>, transform_indices = @transform_6, window_bounds = array<i64: 1, 384>}, {transform_indices = @transform_7, window_bounds = array<i64: 2000, 128>}]} {
    %get3A = arith.constant 0 : index
    %get3A_0 = arith.constant 0 : index
    %get3A_1 = arith.constant 0 : index
    %get3A_2 = vector.load %arg1[%get3A, %get3A_0, %get3A_1] : memref<2x2000x128xf32, #tpu.memory_space<vmem>>, vector<1x2000x128xf32>
    %get3A_3 = vector.shape_cast %get3A_2 : vector<1x2000x128xf32> to vector<2000x128xf32>
    %get3A_4 = arith.constant 1 : index
    %get3A_5 = arith.constant 0 : index
    %get3A_6 = arith.constant 0 : index
    %get3A_7 = vector.load %arg1[%get3A_4, %get3A_5, %get3A_6] : memref<2x2000x128xf32, #tpu.memory_space<vmem>>, vector<1x2000x128xf32>
    %get3A_8 = vector.shape_cast %get3A_7 : vector<1x2000x128xf32> to vector<2000x128xf32>
    %add3A = arith.addf %get3A_3, %get3A_8 : vector<2000x128xf32>
    %get3A_9 = arith.constant 0 : index
    %get3A_10 = arith.constant 0 : index
    %get3A_11 = arith.constant 0 : index
    %get3A_12 = vector.load %arg2[%get3A_9, %get3A_10, %get3A_11] : memref<2x2000x128xf32, #tpu.memory_space<vmem>>, vector<1x2000x128xf32>
    %get3A_13 = vector.shape_cast %get3A_12 : vector<1x2000x128xf32> to vector<2000x128xf32>
    %add3A_14 = arith.addf %add3A, %get3A_13 : vector<2000x128xf32>
    %get3A_15 = arith.constant 1 : index
    %get3A_16 = arith.constant 0 : index
    %get3A_17 = arith.constant 0 : index
    %get3A_18 = vector.load %arg2[%get3A_15, %get3A_16, %get3A_17] : memref<2x2000x128xf32, #tpu.memory_space<vmem>>, vector<1x2000x128xf32>
    %get3A_19 = vector.shape_cast %get3A_18 : vector<1x2000x128xf32> to vector<2000x128xf32>
    %add3A_20 = arith.addf %add3A_14, %get3A_19 : vector<2000x128xf32>
    %get3A_21 = arith.constant 0 : index
    %get3A_22 = arith.constant 0 : index
    %get3A_23 = vector.load %arg3[%get3A_21, %get3A_22] : memref<2000x128xf32, #tpu.memory_space<vmem>>, vector<2000x128xf32>
    %get3A_24 = arith.constant 0 : index
    %get3A_25 = arith.constant 0 : index
    %get3A_26 = vector.load %arg4[%get3A_24, %get3A_25] : memref<128x384xf32, #tpu.memory_space<vmem>>, vector<128x384xf32>
    %dot_general3A = arith.constant dense<0.000000e+00> : vector<2000x384xf32>
    %dot_general3A_27 = tpu.matmul %add3A_20, %get3A_26, %dot_general3A {dimension_numbers = #tpu.dot_dimension_numbers<[1], [0], [0], [1], [0, 0, 1, 1], [], []>, transpose_lhs_hint = false} : vector<2000x128xf32>, vector<128x384xf32>, vector<2000x384xf32> -> vector<2000x384xf32>
    %get3A_28 = arith.constant 0 : index
    %get3A_29 = arith.constant 0 : index
    %get3A_30 = vector.load %arg5[%get3A_28, %get3A_29] : memref<1x384xf32, #tpu.memory_space<vmem>>, vector<1x384xf32>
    %add3A_31 = vector.broadcast %get3A_30 : vector<1x384xf32> to vector<2000x384xf32>
    %add3A_32 = arith.addf %dot_general3A_27, %add3A_31 : vector<2000x384xf32>
    %get3A_33 = arith.constant 0 : index
    %get3A_34 = arith.constant 0 : index
    %get3A_35 = vector.load %arg6[%get3A_33, %get3A_34] : memref<128x384xf32, #tpu.memory_space<vmem>>, vector<128x384xf32>
    %dot_general3A_36 = arith.constant dense<0.000000e+00> : vector<2000x384xf32>
    %dot_general3A_37 = tpu.matmul %get3A_23, %get3A_35, %dot_general3A_36 {dimension_numbers = #tpu.dot_dimension_numbers<[1], [0], [0], [1], [0, 0, 1, 1], [], []>, transpose_lhs_hint = false} : vector<2000x128xf32>, vector<128x384xf32>, vector<2000x384xf32> -> vector<2000x384xf32>
    %get3A_38 = arith.constant 0 : index
    %get3A_39 = arith.constant 0 : index
    %get3A_40 = vector.load %arg7[%get3A_38, %get3A_39] : memref<1x384xf32, #tpu.memory_space<vmem>>, vector<1x384xf32>
    %add3A_41 = vector.broadcast %get3A_40 : vector<1x384xf32> to vector<2000x384xf32>
    %add3A_42 = arith.addf %dot_general3A_37, %add3A_41 : vector<2000x384xf32>
    %slice3A = vector.extract_strided_slice %add3A_32 {offsets = [0, 0], sizes = [2000, 128], strides = [1, 1]} : vector<2000x384xf32> to vector<2000x128xf32>
    %slice3A_43 = vector.extract_strided_slice %add3A_42 {offsets = [0, 0], sizes = [2000, 128], strides = [1, 1]} : vector<2000x384xf32> to vector<2000x128xf32>
    %add3A_44 = arith.addf %slice3A, %slice3A_43 : vector<2000x128xf32>
    %logistic3A = arith.negf %add3A_44 : vector<2000x128xf32>
    %logistic3A_45 = math.exp %logistic3A : vector<2000x128xf32>
    %logistic3A_46 = arith.constant 1.000000e+00 : f32
    %logistic3A_47 = vector.broadcast %logistic3A_46 : f32 to vector<2000x128xf32>
    %logistic3A_48 = arith.addf %logistic3A_47, %logistic3A_45 : vector<2000x128xf32>
    %logistic3A_49 = arith.divf %logistic3A_47, %logistic3A_48 : vector<2000x128xf32>
    %slice3A_50 = vector.extract_strided_slice %add3A_32 {offsets = [0, 128], sizes = [2000, 128], strides = [1, 1]} : vector<2000x384xf32> to vector<2000x128xf32>
    %slice3A_51 = vector.extract_strided_slice %add3A_42 {offsets = [0, 128], sizes = [2000, 128], strides = [1, 1]} : vector<2000x384xf32> to vector<2000x128xf32>
    %add3A_52 = arith.addf %slice3A_50, %slice3A_51 : vector<2000x128xf32>
    %logistic3A_53 = arith.negf %add3A_52 : vector<2000x128xf32>
    %logistic3A_54 = math.exp %logistic3A_53 : vector<2000x128xf32>
    %logistic3A_55 = arith.constant 1.000000e+00 : f32
    %logistic3A_56 = vector.broadcast %logistic3A_55 : f32 to vector<2000x128xf32>
    %logistic3A_57 = arith.addf %logistic3A_56, %logistic3A_54 : vector<2000x128xf32>
    %logistic3A_58 = arith.divf %logistic3A_56, %logistic3A_57 : vector<2000x128xf32>
    %slice3A_59 = vector.extract_strided_slice %add3A_32 {offsets = [0, 256], sizes = [2000, 128], strides = [1, 1]} : vector<2000x384xf32> to vector<2000x128xf32>
    %slice3A_60 = vector.extract_strided_slice %add3A_42 {offsets = [0, 256], sizes = [2000, 128], strides = [1, 1]} : vector<2000x384xf32> to vector<2000x128xf32>
    %mul3A = arith.mulf %logistic3A_49, %slice3A_60 : vector<2000x128xf32>
    %add3A_61 = arith.addf %slice3A_59, %mul3A : vector<2000x128xf32>
    %tanh3A = math.tanh %add3A_61 : vector<2000x128xf32>
    %sub3A = arith.constant 1.000000e+00 : f32
    %sub3A_62 = vector.broadcast %sub3A : f32 to vector<2000x128xf32>
    %sub3A_63 = arith.subf %sub3A_62, %logistic3A_58 : vector<2000x128xf32>
    %mul3A_64 = arith.mulf %sub3A_63, %tanh3A : vector<2000x128xf32>
    %mul3A_65 = arith.mulf %logistic3A_58, %get3A_23 : vector<2000x128xf32>
    %add3A_66 = arith.addf %mul3A_64, %mul3A_65 : vector<2000x128xf32>
    %swap3A = arith.constant 0 : index
    %swap3A_67 = arith.constant 0 : index
    %swap3A_68 = vector.load %arg8[%swap3A, %swap3A_67] : memref<2000x128xf32, #tpu.memory_space<vmem>>, vector<2000x128xf32>
    tpu.vector_store %arg8[%swap3A, %swap3A_67], %add3A_66 {strides = array<i32>} : memref<2000x128xf32, #tpu.memory_space<vmem>>, vector<2000x128xf32>,
    return
  }
  func.func @transform_0(%arg0: i32) -> (i32, i32, i32) {
    %c0_i32 = arith.constant 0 : i32
    %c0_i32_0 = arith.constant 0 : i32
    %c0_i32_1 = arith.constant 0 : i32
    return %c0_i32, %arg0, %c0_i32_0 : i32, i32, i32
  }
  func.func @transform_1(%arg0: i32) -> (i32, i32, i32) {
    %c0_i32 = arith.constant 0 : i32
    %c0_i32_0 = arith.constant 0 : i32
    %c0_i32_1 = arith.constant 0 : i32
    return %c0_i32, %arg0, %c0_i32_0 : i32, i32, i32
  }
  func.func @transform_2(%arg0: i32) -> (i32, i32) {
    %c0_i32 = arith.constant 0 : i32
    %c0_i32_0 = arith.constant 0 : i32
    return %arg0, %c0_i32 : i32, i32
  }
  func.func @transform_3(%arg0: i32) -> (i32, i32) {
    %c0_i32 = arith.constant 0 : i32
    %c0_i32_0 = arith.constant 0 : i32
    %c0_i32_1 = arith.constant 0 : i32
    return %c0_i32, %c0_i32_0 : i32, i32
  }
  func.func @transform_4(%arg0: i32) -> (i32, i32) {
    %c0_i32 = arith.constant 0 : i32
    %c0_i32_0 = arith.constant 0 : i32
    %c0_i32_1 = arith.constant 0 : i32
    return %c0_i32, %c0_i32_0 : i32, i32
  }
  func.func @transform_5(%arg0: i32) -> (i32, i32) {
    %c0_i32 = arith.constant 0 : i32
    %c0_i32_0 = arith.constant 0 : i32
    %c0_i32_1 = arith.constant 0 : i32
    return %c0_i32, %c0_i32_0 : i32, i32
  }
  func.func @transform_6(%arg0: i32) -> (i32, i32) {
    %c0_i32 = arith.constant 0 : i32
    %c0_i32_0 = arith.constant 0 : i32
    %c0_i32_1 = arith.constant 0 : i32
    return %c0_i32, %c0_i32_0 : i32, i32
  }
  func.func @transform_7(%arg0: i32) -> (i32, i32) {
    %c0_i32 = arith.constant 0 : i32
    %c0_i32_0 = arith.constant 0 : i32
    return %arg0, %c0_i32 : i32, i32
  }
}

</mosaic_0001>

<sc_bundles>
// kernel: kernel.12.cloned.1.call-start
scs
__scs_entry_jumppad:
0x0: {  	(pc) =	sbr.rel $0x88, $3  }
0x1: {  	(tag) =	ssettag $0x0;
	lr =	simm.s32 $0x1  }
0x2: {  	[smem:$0x3F92] =	sst lr;
	_ =	strace $0xD0000000  }
0x3: {  	_ = 	snop  }
0x4: {  	_ = 	snop  }
0x5: {  	_ = 	snop  }
0x6: {  	_ = 	snop  }
0x7: {  	_ = 	snop  }
__scs_overlays_trampoline_lowered:
0x8: {  	[smem:$0x3FA1] =	sst s0  }
0x9: {  	[smem:$0x3FA2] =	sst s1  }
0xa: {  	[smem:$0x3FA3] =	sst s2  }
0xb: {  	[smem:$0x3FA4] =	sst s3  }
0xc: {  	[smem:$0x3FA5] =	sst s4  }
0xd: {  	[smem:$0x3FA6] =	sst s5  }
0xe: {  	[smem:$0x3FA7] =	sst s6  }
0xf: {  	[smem:$0x3FA8] =	sst s7  }
0x10: {  	[smem:$0x3FA9] =	sst s8  }
0x11: {  	[smem:$0x3FAA] =	sst s9;
	s0 =	simm.s32 @!p0 $0x0  }
0x12: {  	s1 =	sld [smem:$0x3F90];
	s0 =	simm.s32 @p0 $0x1  }
0x13: {  	[smem:$0x3FAB] =	sst s0;
	s0 =	simm.s32 @!p1 $0x0  }
0x14: {  	s2 =	sld [smem:$0x3F8F];
	s0 =	simm.s32 @p1 $0x1  }
0x15: {  	[smem:$0x3FAC] =	sst s0;
	s0 =	simm.s32 @!p2 $0x0  }
0x16: {  	s3 =	sld [smem:$0x3FDB];
	s0 =	simm.s32 @p2 $0x1  }
0x17: {  	s4 =	simm.s32 $0x1BF5;
	[smem:$0x3FAE] =	sst s0  }
0x18: {  	s0 =	sld [smem:$0x3F91];
	_ =	swait.ge [sflag:s4], $0x0  }
0x19: {  	s7 =	sld [smem:$0x3F92]  }
0x1a: {  	s8 =	sadd.s32 $0xFFFFE003, lr  }
0x1b: {  	s9 =	sadd.s32 $0xFFFFFEF7, lr;
	s5 =	simm.s32 $0xFFFFFFFF;
	p2 =	slt.u32 s8, $0xFFFFF086  }
0x1c: {  	p1 =	slt.u32 s9, $0xF7A;
	s5 =	simm.s32 @!p2 $0x0  }
0x1d: {  	s5 =	simm.s32 @p1 $0x1;
	p0 =	seq.s32 s7, s2  }
0x1e: {  	s7 =	smul.u32 @!p0 $0xF7A, s2;
	p2 =	seq.s32 @!p0 s5, $0x0  }
0x1f: {  	s9 =	smul.u32 $0xF7A, s1;
	s8 =	simm.s32 @!p0 $0x1BF5;
	p2 =	por !p2, p0  }
0x20: {  	[sflag:s8] =	ssyncset.s32 @!p0 $0xFFFFF086;
	s6 =	sadd.s32 @!p0 s3, s7;
	s7 =	simm.s32 @!p0 $0x108  }
0x21: {  	s3 =	sadd.s32 s3, s9;
	s6 =	sadd.s32 @!p0 $0x88, s6;
	s7 =	simm.s32 @p2 $0x1082  }
0x22: {  	[simem:s7], [sflag:s8] =	dma.local @!p0 [hbm:s6], $0xF7A  }
0x23: {  	s9 =	sor.u32 $0xD0000000, s2;
	s6 =	simm.s32 $0x108;
	_ =	swait.ge @!p0 [sflag:s8], $0x0  }
0x24: {  	s3 =	sadd.s32 $0x88, s3;
	s6 =	simm.s32 @!p1 $0x1082;
	[sflag:s4] =	ssyncset.s32 $0xFFFFF086  }
0x25: {  	[simem:s6], [sflag:s4] =	dma.local [hbm:s3], $0xF7A  }
0x26: {  	[smem:$0x3F92] =	sst s1;
	(tag) =	ssettag s2;
	_ =	strace s9  }
0x27: {  	s1 =	sld [smem:$0x3FA2]  }
0x28: {  	s2 =	sld [smem:$0x3FA3]  }
0x29: {  	s4 =	sld [smem:$0x3FA5]  }
0x2a: {  	p0 =	seq.s32 s5, $0x0;
	s5 =	sld [smem:$0x3FA6]  }
0x2b: {  	s6 =	sld [smem:$0x3FA7]  }
0x2c: {  	s7 =	sld [smem:$0x3FA8]  }
0x2d: {  	s3 =	simm.s32 $0x108;
	s8 =	sld [smem:$0x3FA9]  }
0x2e: {  	s3 =	simm.s32 @!p0 $0x1082;
	s9 =	sld [smem:$0x3FAA]  }
0x2f: {  	lr =	sadd.s32 s0, s3;
	s0 =	sld [smem:$0x3FA1]  }
0x30: {  	s3 =	sld [smem:$0x3FA4]  }
0x31: {  	[smem:$0x3FAD] =	sst s10  }
0x32: {  	s10 =	sld [smem:$0x3FAB];
	_ =	sdelay $0x3  }
0x33: {  	p0 =	seq.s32 s10, $0x1;
	s10 =	sld [smem:$0x3FAD];
	_ =	sdelay $0x3  }
0x34: {  	[smem:$0x3FAD] =	sst s10  }
0x35: {  	s10 =	sld [smem:$0x3FAC];
	_ =	sdelay $0x3  }
0x36: {  	p1 =	seq.s32 s10, $0x1;
	s10 =	sld [smem:$0x3FAD];
	_ =	sdelay $0x3  }
0x37: {  	[smem:$0x3FAD] =	sst s10  }
0x38: {  	s10 =	sld [smem:$0x3FAE]  }
0x39: {  	_ = 	snop;
	(pc) =	sbr.ind lr, $3  }
0x3a: {  	_ = 	snop  }
0x3b: {  	_ = 	snop  }
0x3c: {  	p2 =	seq.s32 s10, $0x1;
	s10 =	sld [smem:$0x3FAD]  }
0x3d: {  	_ =	shalt  }
0x3e: {  	_ =	shalt  }
0x3f: {  	_ =	shalt  }
0x40: {  	_ =	shalt  }
0x41: {  	_ =	shalt  }
0x42: {  	_ =	shalt  }
0x43: {  	_ =	shalt  }
0x44: {  	_ =	shalt  }
0x45: {  	_ =	shalt  }
0x46: {  	_ =	shalt  }
0x47: {  	_ =	shalt  }
0x48: {  	_ =	shalt  }
0x49: {  	_ =	shalt  }
0x4a: {  	_ =	shalt  }
0x4b: {  	_ =	shalt  }
0x4c: {  	_ =	shalt  }
0x4d: {  	_ =	shalt  }
0x4e: {  	_ =	shalt  }
0x4f: {  	_ =	shalt  }
0x50: {  	_ =	shalt  }
0x51: {  	_ =	shalt  }
0x52: {  	_ =	shalt  }
0x53: {  	_ =	shalt  }
0x54: {  	_ =	shalt  }
0x55: {  	_ =	shalt  }
0x56: {  	_ =	shalt  }
0x57: {  	_ =	shalt  }
0x58: {  	_ =	shalt  }
0x59: {  	_ =	shalt  }
0x5a: {  	_ =	shalt  }
0x5b: {  	_ =	shalt  }
0x5c: {  	_ =	shalt  }
0x5d: {  	_ =	shalt  }
0x5e: {  	_ =	shalt  }
0x5f: {  	_ =	shalt  }
0x60: {  	_ =	shalt  }
0x61: {  	_ =	shalt  }
0x62: {  	_ =	shalt  }
0x63: {  	_ =	shalt  }
0x64: {  	_ =	shalt  }
0x65: {  	_ =	shalt  }
0x66: {  	_ =	shalt  }
0x67: {  	_ =	shalt  }
0x68: {  	_ =	shalt  }
0x69: {  	_ =	shalt  }
0x6a: {  	_ =	shalt  }
0x6b: {  	_ =	shalt  }
0x6c: {  	_ =	shalt  }
0x6d: {  	_ =	shalt  }
0x6e: {  	_ =	shalt  }
0x6f: {  	_ =	shalt  }
0x70: {  	_ =	shalt  }
0x71: {  	_ =	shalt  }
0x72: {  	_ =	shalt  }
0x73: {  	_ =	shalt  }
0x74: {  	_ =	shalt  }
0x75: {  	_ =	shalt  }
0x76: {  	_ =	shalt  }
0x77: {  	_ =	shalt  }
0x78: {  	_ =	shalt  }
0x79: {  	_ =	shalt  }
0x7a: {  	_ =	shalt  }
0x7b: {  	_ =	shalt  }
0x7c: {  	_ =	shalt  }
0x7d: {  	_ =	shalt  }
0x7e: {  	_ =	shalt  }
0x7f: {  	_ =	shalt  }
0x80: {  	_ =	shalt  }
0x81: {  	_ =	shalt  }
0x82: {  	_ =	shalt  }
0x83: {  	_ =	shalt  }
0x84: {  	_ =	shalt  }
0x85: {  	_ =	shalt  }
0x86: {  	_ =	shalt  }
0x87: {  	_ =	shalt  }
.Lfunc_end0:
.L_simem_size_0:
called_computation.1_lowered:
.L_overlay_start_0:
0x88: {  	s2 =	sld [smem:$0x3FD9]  }
0x89: {  	s3 =	sld [smem:$0x3FFE];
	_ =	sdelay $0x1  }
0x8a: {  	s1 =	srdreg.scid  }
0x8b: {  	s0 =	sand.u32 $0x1, s1  }
0x8c: {  	s17 =	sshll.u32 s0, $0xA;
	s2 =	sadd.s32 s3, s2  }
0x8d: {  	s2 =	sadd.s32 s2, s17  }
0x8e: {  	[smem:$0x3FB9] =	sst s2  }
0x8f: {  	_ = 	snop  }
0x90: {  	(tm) =	ssettm $0x1  }
0x91: {  	s18 =	sld [smem:$0x3FFB];
	_ =	sdelay $0x3  }
0x92: {  	_ =	strace s18  }
0x93: {  	s2 =	sld [smem:$0x3FFC];
	_ =	sdelay $0x3  }
0x94: {  	_ =	strace s2  }
0x95: {  	s2 =	sld [smem:$0x3FFD];
	_ =	sdelay $0x3  }
0x96: {  	_ =	strace s2  }
0x97: {  	_ =	strace $0x8FFFFFFF  }
0x98: {  	s19 =	sld [smem:$0x3FDB];
	_ =	sdelay $0x1  }
0x99: {  	s20 =	simm.s32 $_scs_section_size  }
0x9a: {  	s4 =	simm.s32 $_size__tile_overlayer_lowered;
	s5 =	simm.s32 $_tile_overlayer_lowered  }
0x9b: {  	s6 =	simm.s32 $0x1BFF;
	s21 =	sshll.u32 s5, $0x1;
	s3 =	sadd.s32 s20, s19  }
0x9c: {  	s22 =	simm.s32 $0x0;
	s4 =	sshll.u32 s4, $0x1;
	s5 =	sadd.s32 s21, s3  }
0x9d: {  	[timem:s22], [sflag:s6] =	dma.local [hbm:s5], s4  }
0x9e: {  	_ =	swait.ge [sflag:s6], s4  }
0x9f: {  	s4 =	ssub.s32 $0x0, s4;
	[sflag:s6] =	ssyncset.done $0x0  }
0xa0: {  	[sflag:s6] =	ssyncadd.s32 s4;
	_ =	sdelay $0x1  }
0xa1: {  	s23 =	simm.s32 $0x1B8B  }
0xa2: {  	_ =	swait.ge [sflag:s23], $0x1  }
0xa3: {  	[sflag:s23] =	ssyncset.done $0x0  }
0xa4: {  	[sflag:s23] =	ssyncadd.s32 $0xFFFFFFFF  }
0xa5: {  	s4 =	sld [smem:$0x0]  }
0xa6: {  	s5 =	sand.u32 $0xFFFFFFFE, s1  }
0xa7: {  	p0 =	sne.s32 s1, s5  }
0xa8: {  	s5 =	sshll.u32 @p0 s5, $0xE  }
0xa9: {  	s5 =	sadd.s32 @p0 $0x11B8D, s5;
	s6 =	sshll.u32 @p0 s4, $0x11  }
0xaa: {  	s5 =	sor.u32 @p0 s6, s5  }
0xab: {  	[sflag:s5] =	ssyncadd.remote.s32 @p0 $0x1;
	_ =	sdelay $0x1  }
0xac: {  	s5 =	simm.s32 @p0 $0x1B8D  }
0xad: {  	_ =	swait.eq @p0 [sflag:s5], $0x1  }
0xae: {  	[sflag:s5] =	ssyncadd.s32 @p0 $0xFFFFFFFF  }
0xaf: {  	s6 =	sshll.u32 @!p0 s1, $0xE  }
0xb0: {  	s6 =	sor.u32 @!p0 $0x4000, s6;
	s5 =	simm.s32 @!p0 $0x1B8D  }
0xb1: {  	s4 =	sshll.u32 @!p0 s4, $0x11;
	s6 =	sadd.s32 @!p0 $0x11B8D, s6;
	_ =	swait.eq @!p0 [sflag:s5], $0x1  }
0xb2: {  	s4 =	sor.u32 @!p0 s4, s6;
	[sflag:s5] =	ssyncadd.s32 @!p0 $0xFFFFFFFF  }
0xb3: {  	s25 =	simm.s32 $0x1B8E;
	s24 =	sld [smem:$0x3FFE];
	[sflag:s4] =	ssyncadd.remote.s32 @!p0 $0x1  }
0xb4: {  	s26 =	simm.s32 $execute0_lowered;
	[smem:$0x3FD2] =	sst s25  }
0xb5: {  	s5 =	sshll.u32 s26, $0x1;
	_ =	strace $0x8000004C;
	[dreg:$0x1] =	wrdreg $0xFFFFFFFF  }
0xb6: {  	s28 =	simm.s32 $_size_execute0_lowered;
	s3 =	sadd.s32 s3, s5;
	[dreg:$0x0] =	wrdreg $0x0  }
0xb7: {  	s5 =	sshll.u32 s28, $0x1;
	[dreg:$0x2] =	wrdreg s3  }
0xb8: {  	[dreg:$0x3] =	wrdreg s5  }
0xb9: {  	[dreg:$0x4] =	wrdreg $0xC0  }
0xba: {  	_ =	task [dreg:s22], $0x5FFFF  }
0xbb: {  	[dreg:$0x1] =	wrdreg $0xFFFFFFFF  }
0xbc: {  	[dreg:$0x0] =	wrdreg $0x60  }
0xbd: {  	[dreg:$0x2] =	wrdreg s24  }
0xbe: {  	[dreg:$0x3] =	wrdreg $0x70000  }
0xbf: {  	[dreg:$0x4] =	wrdreg $0x9  }
0xc0: {  	_ =	task.clear_ibuf [dreg:s22], $0x5FFFF;
	_ =	strace $0x9000004C  }
0xc1: {  	s29 =	simm.s32 $0x9;
	_ =	strace $0x8000004E  }
0xc2: {  	_ =	swait.ge [sflag:s29], $0x1  }
0xc3: {  	[sflag:s29] =	ssyncadd.s32 $0xFFFFFFFF  }
0xc4: {  	_ =	strace $0x9000004E  }
0xc5: {  	_ =	sfence  }
0xc6: {  	s30 =	sld [smem:$0x0];
	_ =	sdelay $0x2  }
0xc7: {  	s31 =	sshll.u32 s1, $0xD;
	s1 =	sshrl.u32 s1, $0x2  }
0xc8: {  	s4 =	sand.u32 $0x4000, s31;
	s1 =	sadd.s32 s1, s30  }
0xc9: {  	s0 =	sor.u32 s4, s0;
	s1 =	sshll.u32 s1, $0x11  }
0xca: {  	s0 =	sor.u32 s1, s0  }
0xcb: {  	s0 =	sadd.s32 $0x8F2B, s0  }
0xcc: {  	[sflag:s0] =	ssyncadd.remote.s32 $0x1  }
0xcd: {  	_ =	sfence.sel $0xFFFF  }
0xce: {  	[dreg:$0x0] =	wrdreg $0xFFFFFFFF;
	(pc) =	sbr.abs _section_cstart, $3  }
0xcf: {  	[dreg:$0x1] =	wrdreg $0xFFFFFFFF  }
0xd0: {  	_ =	task.clear_ibuf [dreg:s22], $0x2FFFF;
	_ =	strace $0x9FFFFFFF  }
0xd1: {  	(tm) =	ssettm $0x7FFFFFFF  }
tec
execute0_lowered:
.L_overlay_start_1:
0x0: {  	(tag) =	ssettag $0x1  }
0x1: {  	s4 =	rddreg [dreg:$0x0]  }
0x2: {  	s2 =	rddreg [dreg:$0x1]  }
0x3: {  	s0 =	rddreg [dreg:$0x2];
	s3 =	simm.s32 $0x0;
	s5 =	srdreg.scid  }
0x4: {  	s1 =	stileid.u32;
	s16 =	simm.s32 $0x1;
	s17 =	simm.s32 $0x50  }
0x5: {  	s18 =	simm.s32 $0x1F00;
	s19 =	simm.s32 $0x3;
	s20 =	simm.s32 $0x0  }
0x6: {  	s5 =	sand.u32 $0x1, s5;
	s6 =	sshll.u32 s1, $0x1;
	s7 =	smul.u32 $0x13C00, s1  }
0x7: {  	[smem:$0x7FF] =	sst s3;
	s10 =	sadd.s32 $0x77A600, s4;
	s11 =	smul.u32 $0x4F000, s1  }
0x8: {  	s29 =	smul.u32 $0x27600, s1;
	s30 =	sshll.u32 s1, $0x6;
	s6 =	sor.u32 s5, s6  }
0x9: {  	s8 =	smul.u32 $0x13C000, s5;
	_ =	strace $0x8000004D;
	s28 =	ssub.s32 $0x2, s5  }
0xa: {  	s15 =	smul.u32 $0x13B00, s5;
	s5 =	sor.u32 $0x1C05, s30;
	s9 =	sshll.u32 s6, $0xA  }
0xb: {  	s12 =	sshrl.u32 s28, $0x1;
	s11 =	sshrl.u32 s11, $0x2;
	s13 =	smul.u32 $0x13B00, s6  }
0xc: {  	s31 =	sadd.s32 s29, s10;
	s9 =	sadd.s32 s9, s4;
	s8 =	sadd.s32 s7, s8  }
0xd: {  	s7 =	sshrl.u32 s7, $0x3;
	s12 =	ssub.s32 s28, s12;
	s14 =	sadd.s32 s11, s2  }
0xe: {  	s11 =	sadd.s32 s15, s31;
	s15 =	simm.s32 $0x4800;
	s8 =	sshrl.u32 s8, $0x3  }
0xf: {  	s7 =	sadd.s32 s7, s4;
	s6 =	sadd.s32 $0xA600, s9;
	s9 =	smax.u32 s12, $0x1  }
0x10: {  	s11 =	sadd.s32 $0xA00, s11;
	s12 =	sshrl.u32 s14, $0x3;
	s14 =	simm.s32 $0x2000  }
0x11: {  	s8 =	sadd.s32 s8, s4;
	s4 =	sadd.s32 $0x12600, s7;
	s7 =	sadd.s32 s10, s13  }
0x12: {  	s13 =	simm.s32 $0x5;
	s8 =	sadd.s32 $0x39E00, s8;
	s10 =	sadd.s32 $0x500, s7  }
.LBB2_1:
0x13: {  	[spmem:s12], [sflag:s5] =	dma.local [hbm:s4], $0x2780  }
0x14: {  	_ =	swait.ge [sflag:s13], $0x2780  }
0x15: {  	[sflag:s13] =	ssyncset.done $0x0  }
0x16: {  	[sflag:s13] =	ssyncadd.s32 $0xFFFFD880  }
0x17: {  	[tilespmem:s3], [sflag:$0x5] =	stream.linear.gather [hbm4b:s6+s3], $0x1F80, $0x38;
	[tilespmem:$0x1AC00] =	vst v63  }
0x18: {  	_ =	swait.ge [sflag:s13], $0x1F80  }
0x19: {  	[sflag:s13] =	ssyncset.done $0x0  }
0x1a: {  	[sflag:s13] =	ssyncadd.s32 $0xFFFFE080  }
0x1b: {  	[bflag:$0x0] =	sbarrier.arrive $0xFFFF  }
0x1c: {  	[tilespmem:s14], [sflag:$0x1] =	stream.linear.gather [hbm4b:s7+s3], $0x2800, $0x38;
	[tilespmem:$0x1AC00] =	vst v63  }
0x1d: {  	s21 =	simm.s32 $0x2;
	s24 =	simm.s32 $0x1  }
0x1e: {  	[tilespmem:s15], [sflag:$0x2] =	stream.linear.gather [hbm4b:s10+s3], $0x2800, $0x38;
	[tilespmem:$0x1AC00] =	vst v63  }
0x1f: {  	s21 =	sand.u32 $0x1, s21;
	s24 =	sand.u32 $0x1, s24;
	_ =	swait.ge [sflag:s16], $0x2800  }
0x20: {  	s22 =	sadd.s32 $0x3, s21;
	s23 =	smul.u32 $0xA000, s21;
	[sflag:s16] =	ssyncset.done $0x0  }
0x21: {  	s21 =	sadd.s32 $0x1, s21;
	s31 =	smul.u32 $0xA000, s24;
	[sflag:s16] =	ssyncadd.s32 $0xFFFFD800  }
0x22: {  	[spmem:s2] =	stream.indirect.scatter.add.f32 [tilespmem:s14], [sflag:$0x3], $0x80, s3, s17, $0xb8;
	[tilespmem:$0x1AC00] =	vst v63  }
0x23: {  	s25 =	sadd.s32 $0x1, s24;
	s28 =	sadd.s32 $0x3, s24;
	_ =	swait.ge [sflag:s22], $0x2800  }
0x24: {  	s24 =	simm.s32 $0x80;
	s23 =	sshrl.u32 s23, $0x2;
	[sflag:s22] =	ssyncset.done $0x0  }
0x25: {  	s30 =	sadd.s32 $0x2000, s23;
	s23 =	sshrl.u32 s31, $0x2;
	[sflag:s22] =	ssyncadd.s32 $0xFFFFD800  }
0x26: {  	[tilespmem:s30], [sflag:s21] =	stream.linear.gather [hbm4b:s11+s3], $0x2800, $0x38;
	[tilespmem:$0x1AC00] =	vst v63  }
0x27: {  	s26 =	sadd.s32 $0x2000, s23;
	s23 =	smov.u32 s11;
	_ =	swait.ge [sflag:s25], $0x2800  }
0x28: {  	s22 =	simm.s32 $0x3;
	s21 =	simm.s32 $0x80;
	[sflag:s25] =	ssyncset.done $0x0  }
.LBB2_2:
0x29: {  	[sflag:s25] =	ssyncadd.s32 $0xFFFFD800  }
0x2a: {  	s21 =	sadd.s32 $0x80, s21;
	s23 =	sadd.s32 $0x500, s23;
	s25 =	smov.u32 s22  }
0x2b: {  	[spmem:s2] =	stream.indirect.scatter.add.f32 [tilespmem:s26], [sflag:s28], $0x80, s24, s17, $0xb8;
	[tilespmem:$0x1AC00] =	vst v63  }
0x2c: {  	p0 =	sne.s32 s22, $0x3E;
	s22 =	sadd.s32 $0x1, s22;
	s26 =	sand.u32 $0x1, s25  }
0x2d: {  	s24 =	smov.u32 s21;
	s28 =	sadd.s32 $0x3, s26;
	s29 =	smul.u32 $0xA000, s26  }
0x2e: {  	s25 =	sadd.s32 $0xFFFFFFFF, s25;
	_ =	swait.ge [sflag:s28], $0x2800  }
0x2f: {  	s30 =	sand.u32 $0x1, s25;
	s29 =	sshrl.u32 s29, $0x2;
	[sflag:s28] =	ssyncset.done $0x0  }
.Ltmp0:
0x30: {  	[sflag:s28] =	ssyncadd.s32 $0xFFFFD800;
	s28 =	sadd.s32 $0x2000, s29;
	(pc) =	sbr.rel @p0 .LBB2_2-.Ltmp0, $4  }
0x31: {  	s26 =	sadd.s32 $0x1, s26;
	s25 =	sadd.s32 $0x1, s30;
	s29 =	smul.u32 $0xA000, s30  }
0x32: {  	[tilespmem:s28], [sflag:s26] =	stream.linear.gather [hbm4b:s23+s3], $0x2800, $0x38;
	[tilespmem:$0x1AC00] =	vst v63  }
0x33: {  	s26 =	sshrl.u32 s29, $0x2;
	_ =	swait.ge [sflag:s25], $0x2800  }
0x34: {  	s28 =	sadd.s32 $0x3, s30;
	s26 =	sadd.s32 $0x2000, s26;
	[sflag:s25] =	ssyncset.done $0x0  }
0x35: {  	[sflag:s25] =	ssyncadd.s32 $0xFFFFD800  }
0x36: {  	[spmem:s2] =	stream.indirect.scatter.add.f32 [tilespmem:s26], [sflag:s28], $0x80, s24, s17, $0xb8;
	[tilespmem:$0x1AC00] =	vst v63  }
0x37: {  	_ =	swait.ge [sflag:s28], $0x2800  }
0x38: {  	[sflag:s28] =	ssyncset.done $0x0  }
0x39: {  	[sflag:s28] =	ssyncadd.s32 $0xFFFFD800  }
0x3a: {  	_ =	swait.ge [sflag:s16], $0x2800  }
0x3b: {  	[sflag:s16] =	ssyncset.done $0x0  }
0x3c: {  	[sflag:s16] =	ssyncadd.s32 $0xFFFFD800  }
0x3d: {  	[spmem:s2] =	stream.indirect.scatter.add.f32 [tilespmem:s14], [sflag:$0x3], $0x80, s18, s17, $0xb8;
	[tilespmem:$0x1AC00] =	vst v63  }
0x3e: {  	_ =	swait.ge [sflag:s19], $0x2800  }
0x3f: {  	s20 =	sadd.s32 $0x1, s20;
	[sflag:s19] =	ssyncset.done $0x0  }
0x40: {  	p0 =	sne.s32 s20, s9;
	[sflag:s19] =	ssyncadd.s32 $0xFFFFD800  }
.Ltmp1:
0x41: {  	[bflag:$0x0] =	sbarrier.arrive $0xFFFF;
	(pc) =	sbr.rel @p0 .LBB2_1-.Ltmp1, $4  }
0x42: {  	[hbm:s8], [sflag:s5] =	dma.local [spmem:s12], $0x2780  }
0x43: {  	_ =	swait.ge [sflag:s13], $0x2780  }
0x44: {  	[sflag:s13] =	ssyncset.done $0x0  }
0x45: {  	[sflag:s13] =	ssyncadd.s32 $0xFFFFD880  }
0x46: {  	_ =	sfence.sel $0x180000  }
0x47: {  	[bflag:$0x0] =	sbarrier.arrive $0xFFFF  }
0x48: {  	p0 =	sne.s32 s1, $0x0;
	_ =	strace $0x9000004D  }
0x49: {  	s0 =	sadd.s32 @!p0 $0x100000, s0;
	[bflag:$0x2] =	sbarrier.arrive $0xFFFF  }
0x4a: {  	[sflag:s0] =	ssyncadd.tile.s32 @!p0 $0x1;
	_ =	shalt  }
.Lfunc_end2:
_tile_overlayer_lowered:
.L_overlay_start_2:
0x4b: {  	(tag) =	ssettag $0x2  }
0x4c: {  	s0 =	rddreg [dreg:$0x0];
	s2 =	stileid.u32  }
0x4d: {  	s1 =	rddreg [dreg:$0x1];
	p0 =	sne.s32 s2, $0x0  }
0x4e: {  	s3 =	rddreg [dreg:$0x2];
	[bflag:$0x3] =	sbarrier.arrive $0xFFFF;
	s2 =	simm.s32 @!p0 $0x1C05  }
0x4f: {  	[timem:s3], [sflag:s2] =	dma.local @!p0 [hbm:s0], s1  }
0x50: {  	s0 =	simm.s32 @!p0 $0x5  }
0x51: {  	_ =	swait.ge @!p0 [sflag:s0], s1  }
0x52: {  	s1 =	ssub.s32 @!p0 $0x0, s1;
	[sflag:s0] =	ssyncset.done @!p0 $0x0  }
0x53: {  	[sflag:s0] =	ssyncadd.s32 @!p0 s1  }
0x54: {  	[bflag:$0x3] =	sbarrier.arrive $0xFFFF  }
0x55: {  	_ =	shalt  }

// kernel: kernel.15.cloned.1.call-start
scs
__scs_entry_jumppad:
0x0: {  	(pc) =	sbr.rel $0x88, $3  }
0x1: {  	(tag) =	ssettag $0x0;
	lr =	simm.s32 $0x1  }
0x2: {  	[smem:$0x3F92] =	sst lr;
	_ =	strace $0xD0000000  }
0x3: {  	_ = 	snop  }
0x4: {  	_ = 	snop  }
0x5: {  	_ = 	snop  }
0x6: {  	_ = 	snop  }
0x7: {  	_ = 	snop  }
__scs_overlays_trampoline_lowered:
0x8: {  	[smem:$0x3FA1] =	sst s0  }
0x9: {  	[smem:$0x3FA2] =	sst s1  }
0xa: {  	[smem:$0x3FA3] =	sst s2  }
0xb: {  	[smem:$0x3FA4] =	sst s3  }
0xc: {  	[smem:$0x3FA5] =	sst s4  }
0xd: {  	[smem:$0x3FA6] =	sst s5  }
0xe: {  	[smem:$0x3FA7] =	sst s6  }
0xf: {  	[smem:$0x3FA8] =	sst s7  }
0x10: {  	[smem:$0x3FA9] =	sst s8  }
0x11: {  	[smem:$0x3FAA] =	sst s9;
	s0 =	simm.s32 @!p0 $0x0  }
0x12: {  	s1 =	sld [smem:$0x3F90];
	s0 =	simm.s32 @p0 $0x1  }
0x13: {  	[smem:$0x3FAB] =	sst s0;
	s0 =	simm.s32 @!p1 $0x0  }
0x14: {  	s2 =	sld [smem:$0x3F8F];
	s0 =	simm.s32 @p1 $0x1  }
0x15: {  	[smem:$0x3FAC] =	sst s0;
	s0 =	simm.s32 @!p2 $0x0  }
0x16: {  	s3 =	sld [smem:$0x3FDB];
	s0 =	simm.s32 @p2 $0x1  }
0x17: {  	s4 =	simm.s32 $0x1BF5;
	[smem:$0x3FAE] =	sst s0  }
0x18: {  	s0 =	sld [smem:$0x3F91];
	_ =	swait.ge [sflag:s4], $0x0  }
0x19: {  	s7 =	sld [smem:$0x3F92]  }
0x1a: {  	s8 =	sadd.s32 $0xFFFFE003, lr  }
0x1b: {  	s9 =	sadd.s32 $0xFFFFFEF7, lr;
	s5 =	simm.s32 $0xFFFFFFFF;
	p2 =	slt.u32 s8, $0xFFFFF086  }
0x1c: {  	p1 =	slt.u32 s9, $0xF7A;
	s5 =	simm.s32 @!p2 $0x0  }
0x1d: {  	s5 =	simm.s32 @p1 $0x1;
	p0 =	seq.s32 s7, s2  }
0x1e: {  	s7 =	smul.u32 @!p0 $0xF7A, s2;
	p2 =	seq.s32 @!p0 s5, $0x0  }
0x1f: {  	s9 =	smul.u32 $0xF7A, s1;
	s8 =	simm.s32 @!p0 $0x1BF5;
	p2 =	por !p2, p0  }
0x20: {  	[sflag:s8] =	ssyncset.s32 @!p0 $0xFFFFF086;
	s6 =	sadd.s32 @!p0 s3, s7;
	s7 =	simm.s32 @!p0 $0x108  }
0x21: {  	s3 =	sadd.s32 s3, s9;
	s6 =	sadd.s32 @!p0 $0x88, s6;
	s7 =	simm.s32 @p2 $0x1082  }
0x22: {  	[simem:s7], [sflag:s8] =	dma.local @!p0 [hbm:s6], $0xF7A  }
0x23: {  	s9 =	sor.u32 $0xD0000000, s2;
	s6 =	simm.s32 $0x108;
	_ =	swait.ge @!p0 [sflag:s8], $0x0  }
0x24: {  	s3 =	sadd.s32 $0x88, s3;
	s6 =	simm.s32 @!p1 $0x1082;
	[sflag:s4] =	ssyncset.s32 $0xFFFFF086  }
0x25: {  	[simem:s6], [sflag:s4] =	dma.local [hbm:s3], $0xF7A  }
0x26: {  	[smem:$0x3F92] =	sst s1;
	(tag) =	ssettag s2;
	_ =	strace s9  }
0x27: {  	s1 =	sld [smem:$0x3FA2]  }
0x28: {  	s2 =	sld [smem:$0x3FA3]  }
0x29: {  	s4 =	sld [smem:$0x3FA5]  }
0x2a: {  	p0 =	seq.s32 s5, $0x0;
	s5 =	sld [smem:$0x3FA6]  }
0x2b: {  	s6 =	sld [smem:$0x3FA7]  }
0x2c: {  	s7 =	sld [smem:$0x3FA8]  }
0x2d: {  	s3 =	simm.s32 $0x108;
	s8 =	sld [smem:$0x3FA9]  }
0x2e: {  	s3 =	simm.s32 @!p0 $0x1082;
	s9 =	sld [smem:$0x3FAA]  }
0x2f: {  	lr =	sadd.s32 s0, s3;
	s0 =	sld [smem:$0x3FA1]  }
0x30: {  	s3 =	sld [smem:$0x3FA4]  }
0x31: {  	[smem:$0x3FAD] =	sst s10  }
0x32: {  	s10 =	sld [smem:$0x3FAB];
	_ =	sdelay $0x3  }
0x33: {  	p0 =	seq.s32 s10, $0x1;
	s10 =	sld [smem:$0x3FAD];
	_ =	sdelay $0x3  }
0x34: {  	[smem:$0x3FAD] =	sst s10  }
0x35: {  	s10 =	sld [smem:$0x3FAC];
	_ =	sdelay $0x3  }
0x36: {  	p1 =	seq.s32 s10, $0x1;
	s10 =	sld [smem:$0x3FAD];
	_ =	sdelay $0x3  }
0x37: {  	[smem:$0x3FAD] =	sst s10  }
0x38: {  	s10 =	sld [smem:$0x3FAE]  }
0x39: {  	_ = 	snop;
	(pc) =	sbr.ind lr, $3  }
0x3a: {  	_ = 	snop  }
0x3b: {  	_ = 	snop  }
0x3c: {  	p2 =	seq.s32 s10, $0x1;
	s10 =	sld [smem:$0x3FAD]  }
0x3d: {  	_ =	shalt  }
0x3e: {  	_ =	shalt  }
0x3f: {  	_ =	shalt  }
0x40: {  	_ =	shalt  }
0x41: {  	_ =	shalt  }
0x42: {  	_ =	shalt  }
0x43: {  	_ =	shalt  }
0x44: {  	_ =	shalt  }
0x45: {  	_ =	shalt  }
0x46: {  	_ =	shalt  }
0x47: {  	_ =	shalt  }
0x48: {  	_ =	shalt  }
0x49: {  	_ =	shalt  }
0x4a: {  	_ =	shalt  }
0x4b: {  	_ =	shalt  }
0x4c: {  	_ =	shalt  }
0x4d: {  	_ =	shalt  }
0x4e: {  	_ =	shalt  }
0x4f: {  	_ =	shalt  }
0x50: {  	_ =	shalt  }
0x51: {  	_ =	shalt  }
0x52: {  	_ =	shalt  }
0x53: {  	_ =	shalt  }
0x54: {  	_ =	shalt  }
0x55: {  	_ =	shalt  }
0x56: {  	_ =	shalt  }
0x57: {  	_ =	shalt  }
0x58: {  	_ =	shalt  }
0x59: {  	_ =	shalt  }
0x5a: {  	_ =	shalt  }
0x5b: {  	_ =	shalt  }
0x5c: {  	_ =	shalt  }
0x5d: {  	_ =	shalt  }
0x5e: {  	_ =	shalt  }
0x5f: {  	_ =	shalt  }
0x60: {  	_ =	shalt  }
0x61: {  	_ =	shalt  }
0x62: {  	_ =	shalt  }
0x63: {  	_ =	shalt  }
0x64: {  	_ =	shalt  }
0x65: {  	_ =	shalt  }
0x66: {  	_ =	shalt  }
0x67: {  	_ =	shalt  }
0x68: {  	_ =	shalt  }
0x69: {  	_ =	shalt  }
0x6a: {  	_ =	shalt  }
0x6b: {  	_ =	shalt  }
0x6c: {  	_ =	shalt  }
0x6d: {  	_ =	shalt  }
0x6e: {  	_ =	shalt  }
0x6f: {  	_ =	shalt  }
0x70: {  	_ =	shalt  }
0x71: {  	_ =	shalt  }
0x72: {  	_ =	shalt  }
0x73: {  	_ =	shalt  }
0x74: {  	_ =	shalt  }
0x75: {  	_ =	shalt  }
0x76: {  	_ =	shalt  }
0x77: {  	_ =	shalt  }
0x78: {  	_ =	shalt  }
0x79: {  	_ =	shalt  }
0x7a: {  	_ =	shalt  }
0x7b: {  	_ =	shalt  }
0x7c: {  	_ =	shalt  }
0x7d: {  	_ =	shalt  }
0x7e: {  	_ =	shalt  }
0x7f: {  	_ =	shalt  }
0x80: {  	_ =	shalt  }
0x81: {  	_ =	shalt  }
0x82: {  	_ =	shalt  }
0x83: {  	_ =	shalt  }
0x84: {  	_ =	shalt  }
0x85: {  	_ =	shalt  }
0x86: {  	_ =	shalt  }
0x87: {  	_ =	shalt  }
.Lfunc_end0:
.L_simem_size_0:
called_computation.2_lowered:
.L_overlay_start_0:
0x88: {  	s2 =	sld [smem:$0x3FD9]  }
0x89: {  	s3 =	sld [smem:$0x3FFE];
	_ =	sdelay $0x1  }
0x8a: {  	s1 =	srdreg.scid  }
0x8b: {  	s0 =	sand.u32 $0x1, s1  }
0x8c: {  	s17 =	sshll.u32 s0, $0xA;
	s2 =	sadd.s32 s3, s2  }
0x8d: {  	s2 =	sadd.s32 s2, s17  }
0x8e: {  	[smem:$0x3FB9] =	sst s2  }
0x8f: {  	_ = 	snop  }
0x90: {  	s18 =	sld [smem:$0x3FC9]  }
0x91: {  	s4 =	sld [smem:$0x3FD0];
	(tm) =	ssettm $0x1  }
0x92: {  	s19 =	sld [smem:$0x3FFB];
	_ =	sdelay $0x3  }
0x93: {  	_ =	strace s19  }
0x94: {  	s2 =	sld [smem:$0x3FFC];
	_ =	sdelay $0x3  }
0x95: {  	_ =	strace s2  }
0x96: {  	s2 =	sld [smem:$0x3FFD];
	_ =	sdelay $0x3  }
0x97: {  	_ =	strace s2  }
0x98: {  	_ =	strace $0x8FFFFFFF  }
0x99: {  	s20 =	sld [smem:$0x3FDB];
	_ =	sdelay $0x1  }
0x9a: {  	s5 =	simm.s32 $_scs_section_size  }
0x9b: {  	s6 =	simm.s32 $_size__tile_overlayer_lowered;
	s7 =	simm.s32 $_tile_overlayer_lowered  }
0x9c: {  	s8 =	simm.s32 $0x1BFF;
	s21 =	sshll.u32 s7, $0x1;
	s5 =	sadd.s32 s5, s20  }
0x9d: {  	s22 =	simm.s32 $0x0;
	s6 =	sshll.u32 s6, $0x1;
	s7 =	sadd.s32 s21, s5  }
0x9e: {  	[timem:s22], [sflag:s8] =	dma.local [hbm:s7], s6  }
0x9f: {  	_ =	swait.ge [sflag:s8], s6  }
0xa0: {  	s6 =	ssub.s32 $0x0, s6;
	[sflag:s8] =	ssyncset.done $0x0  }
0xa1: {  	[sflag:s8] =	ssyncadd.s32 s6;
	_ =	sdelay $0x1  }
0xa2: {  	s23 =	simm.s32 $0x1B8B  }
0xa3: {  	_ =	swait.ge [sflag:s23], $0x1  }
0xa4: {  	[sflag:s23] =	ssyncset.done $0x0  }
0xa5: {  	[sflag:s23] =	ssyncadd.s32 $0xFFFFFFFF  }
0xa6: {  	s6 =	sld [smem:$0x0]  }
0xa7: {  	s7 =	sand.u32 $0xFFFFFFFE, s1  }
0xa8: {  	p0 =	sne.s32 s1, s7  }
0xa9: {  	s7 =	sshll.u32 @p0 s7, $0xE  }
0xaa: {  	s7 =	sadd.s32 @p0 $0x11B8D, s7;
	s8 =	sshll.u32 @p0 s6, $0x11  }
0xab: {  	s7 =	sor.u32 @p0 s8, s7  }
0xac: {  	[sflag:s7] =	ssyncadd.remote.s32 @p0 $0x1;
	_ =	sdelay $0x1  }
0xad: {  	s7 =	simm.s32 @p0 $0x1B8D  }
0xae: {  	_ =	swait.eq @p0 [sflag:s7], $0x1  }
0xaf: {  	[sflag:s7] =	ssyncadd.s32 @p0 $0xFFFFFFFF  }
0xb0: {  	s8 =	sshll.u32 @!p0 s1, $0xE  }
0xb1: {  	s8 =	sor.u32 @!p0 $0x4000, s8;
	s7 =	simm.s32 @!p0 $0x1B8D  }
0xb2: {  	s6 =	sshll.u32 @!p0 s6, $0x11;
	s8 =	sadd.s32 @!p0 $0x11B8D, s8;
	_ =	swait.eq @!p0 [sflag:s7], $0x1  }
0xb3: {  	s6 =	sor.u32 @!p0 s6, s8;
	[sflag:s7] =	ssyncadd.s32 @!p0 $0xFFFFFFFF  }
0xb4: {  	s25 =	simm.s32 $0x1B8E;
	s24 =	sld [smem:$0x3FFE];
	[sflag:s6] =	ssyncadd.remote.s32 @!p0 $0x1  }
0xb5: {  	s26 =	simm.s32 $execute0_lowered;
	[smem:$0x3FD2] =	sst s25  }
0xb6: {  	s7 =	sshll.u32 s26, $0x1;
	_ =	strace $0x80000049;
	[dreg:$0x1] =	wrdreg $0xFFFFFFFF  }
0xb7: {  	s28 =	simm.s32 $_size_execute0_lowered;
	s5 =	sadd.s32 s5, s7;
	[dreg:$0x0] =	wrdreg $0x0  }
0xb8: {  	s7 =	sshll.u32 s28, $0x1;
	[dreg:$0x2] =	wrdreg s5  }
0xb9: {  	[dreg:$0x3] =	wrdreg s7  }
0xba: {  	[dreg:$0x4] =	wrdreg $0xC0  }
0xbb: {  	_ =	task [dreg:s22], $0x5FFFF  }
0xbc: {  	[dreg:$0x1] =	wrdreg $0xFFFFFFFF  }
0xbd: {  	[dreg:$0x0] =	wrdreg $0x60  }
0xbe: {  	[dreg:$0x2] =	wrdreg s24  }
0xbf: {  	[dreg:$0x3] =	wrdreg s18  }
0xc0: {  	[dreg:$0x4] =	wrdreg s4  }
0xc1: {  	[dreg:$0x5] =	wrdreg $0xA  }
0xc2: {  	_ =	task.clear_ibuf [dreg:s22], $0x6FFFF;
	_ =	strace $0x90000049  }
0xc3: {  	s29 =	simm.s32 $0xA;
	_ =	strace $0x8000004B  }
0xc4: {  	_ =	swait.ge [sflag:s29], $0x1  }
0xc5: {  	[sflag:s29] =	ssyncadd.s32 $0xFFFFFFFF  }
0xc6: {  	_ =	strace $0x9000004B  }
0xc7: {  	_ =	sfence  }
0xc8: {  	s30 =	sld [smem:$0x0];
	_ =	sdelay $0x2  }
0xc9: {  	s31 =	sshll.u32 s1, $0xD;
	s1 =	sshrl.u32 s1, $0x2  }
0xca: {  	s4 =	sand.u32 $0x4000, s31;
	s1 =	sadd.s32 s1, s30  }
0xcb: {  	s0 =	sor.u32 s4, s0;
	s1 =	sshll.u32 s1, $0x11  }
0xcc: {  	s0 =	sor.u32 s1, s0  }
0xcd: {  	s0 =	sadd.s32 $0x8F2B, s0  }
0xce: {  	[sflag:s0] =	ssyncadd.remote.s32 $0x1  }
0xcf: {  	_ =	sfence.sel $0xFFFF  }
0xd0: {  	[dreg:$0x0] =	wrdreg $0xFFFFFFFF;
	(pc) =	sbr.abs _section_cstart, $3  }
0xd1: {  	[dreg:$0x1] =	wrdreg $0xFFFFFFFF  }
0xd2: {  	_ =	task.clear_ibuf [dreg:s22], $0x2FFFF;
	_ =	strace $0x9FFFFFFF  }
0xd3: {  	(tm) =	ssettm $0x7FFFFFFF  }
tec
execute0_lowered:
.L_overlay_start_1:
0x0: {  	(tag) =	ssettag $0x1  }
0x1: {  	s0 =	rddreg [dreg:$0x0]  }
0x2: {  	s2 =	rddreg [dreg:$0x1];
	s1 =	srdreg.scid  }
0x3: {  	s9 =	stileid.u32;
	s3 =	rddreg [dreg:$0x2]  }
0x4: {  	s4 =	simm.s32 $0x0;
	s12 =	simm.s32 $0xD;
	s14 =	simm.s32 $0x50  }
0x5: {  	s15 =	simm.s32 $0x4000;
	s17 =	simm.s32 $0x6800;
	s18 =	simm.s32 $0x1  }
0x6: {  	s20 =	simm.s32 $0x9000;
	s21 =	simm.s32 $0x2;
	s23 =	simm.s32 $0x5  }
0x7: {  	s29 =	simm.s32 $0x6;
	s30 =	simm.s32 $0x9;
	s31 =	simm.s32 $0xA  }
0x8: {  	s1 =	sand.u32 $0x1, s1;
	s5 =	sshll.u32 s9, $0x1;
	[smem:$0x7FF] =	sst s4  }
0x9: {  	s9 =	smul.u32 $0x26C00, s9;
	s5 =	sor.u32 s1, s5;
	_ =	strace $0x8000004A  }
0xa: {  	s7 =	ssub.s32 $0x2, s1;
	s1 =	smul.u32 $0x13600, s1;
	s6 =	sshll.u32 s5, $0xA  }
0xb: {  	s5 =	smul.u32 $0x13600, s5;
	s8 =	sshrl.u32 s7, $0x1;
	s6 =	sadd.s32 s6, s0  }
0xc: {  	s0 =	sadd.s32 $0x298600, s0;
	s7 =	ssub.s32 s7, s8;
	s10 =	sadd.s32 $0x288600, s6  }
0xd: {  	s6 =	sadd.s32 $0x290600, s6;
	s26 =	smax.u32 s7, $0x1;
	[dreg:$0x4] =	wrdreg s10  }
0xe: {  	s8 =	sadd.s32 s0, s5;
	s0 =	sadd.s32 s9, s0;
	[dreg:$0x5] =	wrdreg s6  }
0xf: {  	[dreg:$0x6] =	wrdreg s26;
	s5 =	sadd.s32 $0x500, s8;
	s28 =	sadd.s32 $0x13100, s8  }
0x10: {  	s0 =	sadd.s32 s1, s0;
	s26 =	simm.s32 $0x3;
	[dreg:$0x7] =	wrdreg s5  }
0x11: {  	s1 =	simm.s32 $0x0;
	[dreg:$0x8] =	wrdreg s28;
	s24 =	sadd.s32 $0xA00, s0  }
.LBB2_1:
0x12: {  	s0 =	rddreg [dreg:$0x4]  }
0x13: {  	[tilespmem:s4], [sflag:$0xD] =	stream.linear.gather [hbm4b:s0+s4], $0x1F00, $0x38;
	[tilespmem:$0xE000] =	vst v63  }
0x14: {  	_ =	swait.ge [sflag:s12], $0x1F00  }
0x15: {  	[sflag:s12] =	ssyncset.done $0x0  }
0x16: {  	s5 =	simm.s32 $0x2000;
	s11 =	rddreg [dreg:$0x5];
	[sflag:s12] =	ssyncadd.s32 $0xFFFFE100  }
0x17: {  	[tilespmem:s5], [sflag:$0xD] =	stream.linear.gather [hbm4b:s11+s4], $0x1F00, $0x38;
	[tilespmem:$0xE000] =	vst v63  }
0x18: {  	_ =	swait.ge [sflag:s12], $0x1F00  }
0x19: {  	[sflag:s12] =	ssyncset.done $0x0  }
0x1a: {  	[sflag:s12] =	ssyncadd.s32 $0xFFFFE100  }
0x1b: {  	[tilespmem:s15], [sflag:$0x1] =	stream.indirect.gather [hbm4b:s2+s14], $0x80, s4, s14, $0xb8;
	[tilespmem:$0xE000] =	vst v63  }
0x1c: {  	s13 =	simm.s32 $0x80  }
0x1d: {  	[tilespmem:s17], [sflag:$0x2] =	stream.indirect.gather [hbm4b:s2+s14], $0x80, s13, s14, $0xb8;
	[tilespmem:$0xE000] =	vst v63  }
0x1e: {  	_ =	swait.ge [sflag:s18], $0x2800  }
0x1f: {  	[sflag:s18] =	ssyncset.done $0x0  }
0x20: {  	[sflag:s18] =	ssyncadd.s32 $0xFFFFD800  }
0x21: {  	[tilespmem:s15], [sflag:$0x5] =	stream.indirect.gather.add.f32 [hbm:s3], $0x80, s5, s14, $0xb8;
	[tilespmem:$0xE000] =	vst v63  }
0x22: {  	s16 =	simm.s32 $0x100  }
0x23: {  	[tilespmem:s20], [sflag:$0x3] =	stream.indirect.gather [hbm4b:s2+s14], $0x80, s16, s14, $0xb8;
	[tilespmem:$0xE000] =	vst v63  }
0x24: {  	_ =	swait.ge [sflag:s21], $0x2800  }
0x25: {  	[sflag:s21] =	ssyncset.done $0x0  }
0x26: {  	s19 =	simm.s32 $0x2080;
	[sflag:s21] =	ssyncadd.s32 $0xFFFFD800  }
0x27: {  	[tilespmem:s17], [sflag:$0x6] =	stream.indirect.gather.add.f32 [hbm:s3], $0x80, s19, s14, $0xb8;
	[tilespmem:$0xE000] =	vst v63  }
0x28: {  	_ =	swait.ge [sflag:s23], $0x2800  }
0x29: {  	s22 =	simm.s32 $0x180;
	[sflag:s23] =	ssyncset.done $0x0  }
0x2a: {  	s25 =	simm.s32 $0xB800;
	s7 =	simm.s32 $0x4;
	[sflag:s23] =	ssyncadd.s32 $0xFFFFD800  }
0x2b: {  	[hbm4b:s8+s4] =	stream.linear.scatter [tilespmem:s15], [sflag:$0x9], $0x2800, $0x38;
	[tilespmem:$0xE000] =	vst v63  }
0x2c: {  	p0 =	por $0x0, $0x0;
	s0 =	sand.u32 $0x3, s7;
	s19 =	simm.s32 $0x2  }
0x2d: {  	[tilespmem:s25], [sflag:$0x4] =	stream.indirect.gather [hbm4b:s2+s14], $0x80, s22, s14, $0xb8;
	[tilespmem:$0xE000] =	vst v63  }
0x2e: {  	s11 =	simm.s32 $0x2180;
	s9 =	sand.u32 $0x3, s19;
	_ =	swait.ge [sflag:s26], $0x2800  }
0x2f: {  	s5 =	simm.s32 $0x2100;
	s19 =	smul.u32 $0xA000, s9;
	[sflag:s26] =	ssyncset.done $0x0  }
0x30: {  	s16 =	sadd.s32 $0x9, s0;
	s22 =	smul.u32 @!p0 $0xA000, s0;
	[sflag:s26] =	ssyncadd.s32 $0xFFFFD800  }
0x31: {  	[tilespmem:s20], [sflag:$0x7] =	stream.indirect.gather.add.f32 [hbm:s3], $0x80, s5, s14, $0xb8;
	[tilespmem:$0xE000] =	vst v63  }
0x32: {  	s0 =	sadd.s32 @!p0 $0x1, s0;
	s25 =	simm.s32 $0x3;
	_ =	swait.ge [sflag:s29], $0x2800  }
0x33: {  	s25 =	sand.u32 $0x3, s25;
	s22 =	sshrl.u32 @!p0 s22, $0x2;
	[sflag:s29] =	ssyncset.done $0x0  }
0x34: {  	s28 =	smul.u32 $0xA000, s25;
	s6 =	rddreg [dreg:$0x7];
	[sflag:s29] =	ssyncadd.s32 $0xFFFFD800  }
0x35: {  	[hbm4b:s6+s4] =	stream.linear.scatter [tilespmem:s17], [sflag:$0xA], $0x2800, $0x38;
	[tilespmem:$0xE000] =	vst v63  }
0x36: {  	s10 =	sadd.s32 $0x1, s25;
	s5 =	simm.s32 $0x200;
	_ =	swait.ge [sflag:s16], $0x2800  }
0x37: {  	s13 =	sshrl.u32 s28, $0x2;
	s28 =	sadd.s32 $0x5, s25;
	[sflag:s16] =	ssyncset.done $0x0  }
0x38: {  	[sflag:s16] =	ssyncadd.s32 $0xFFFFD800;
	s16 =	sadd.s32 @!p0 $0x4000, s22;
	s22 =	simm.s32 @!p0 $0x50  }
0x39: {  	[tilespmem:s16], [sflag:s0] =	stream.indirect.gather @!p0 [hbm4b:s2+s22], $0x80, s5, s22, $0xb8;
	[tilespmem:$0xE000] =	vst v63  }
0x3a: {  	s25 =	sadd.s32 $0x5, s9;
	s6 =	sshrl.u32 s19, $0x2;
	_ =	swait.ge [sflag:s10], $0x2800  }
0x3b: {  	s19 =	simm.s32 $0x2200;
	s0 =	simm.s32 $0x5;
	[sflag:s10] =	ssyncset.done $0x0  }
0x3c: {  	s22 =	sadd.s32 $0x4000, s13;
	s16 =	simm.s32 $0x280;
	[sflag:s10] =	ssyncadd.s32 $0xFFFFD800  }
0x3d: {  	[tilespmem:s22], [sflag:s28] =	stream.indirect.gather.add.f32 [hbm:s3], $0x80, s11, s14, $0xb8;
	[tilespmem:$0xE000] =	vst v63  }
0x3e: {  	s5 =	sadd.s32 $0x4000, s6;
	s28 =	sadd.s32 $0x9, s9;
	_ =	swait.ge [sflag:s25], $0x2800  }
0x3f: {  	s11 =	smov.u32 s24;
	s22 =	smov.u32 s24;
	[sflag:s25] =	ssyncset.done $0x0  }
.LBB2_2:
0x40: {  	[sflag:s25] =	ssyncadd.s32 $0xFFFFD800  }
0x41: {  	s11 =	sadd.s32 $0x500, s11;
	s6 =	smov.u32 s0;
	s0 =	sadd.s32 $0x1, s0  }
0x42: {  	[hbm4b:s22+s4] =	stream.linear.scatter [tilespmem:s5], [sflag:s28], $0x2800, $0x38;
	[tilespmem:$0xE000] =	vst v63  }
0x43: {  	s5 =	sadd.s32 $0xFFFFFFFE, s6;
	p0 =	sne.s32 s0, $0x3F;
	s22 =	smov.u32 s11  }
0x44: {  	s25 =	sand.u32 $0x3, s6;
	s28 =	sand.u32 $0x3, s5;
	p1 =	sgt.u32 s5, $0x3B  }
0x45: {  	s5 =	sadd.s32 $0x9, s25;
	s7 =	smul.u32 @!p1 $0xA000, s25;
	s25 =	sadd.s32 @!p1 $0x1, s25  }
0x46: {  	s9 =	smul.u32 $0xA000, s28;
	_ =	swait.ge [sflag:s5], $0x2800  }
0x47: {  	s6 =	sadd.s32 $0xFFFFFFFF, s6;
	s7 =	sshrl.u32 @!p1 s7, $0x2;
	[sflag:s5] =	ssyncset.done $0x0  }
0x48: {  	s6 =	sand.u32 $0x3, s6;
	[sflag:s5] =	ssyncadd.s32 $0xFFFFD800;
	s5 =	sadd.s32 @!p1 $0x4000, s7  }
0x49: {  	s10 =	smul.u32 $0xA000, s6;
	s13 =	sadd.s32 $0x1, s6;
	s7 =	simm.s32 @!p1 $0x50  }
0x4a: {  	[tilespmem:s5], [sflag:s25] =	stream.indirect.gather @!p1 [hbm4b:s2+s7], $0x80, s16, s7, $0xb8;
	[tilespmem:$0xE000] =	vst v63  }
0x4b: {  	s6 =	sadd.s32 $0x5, s6;
	s5 =	sshrl.u32 s10, $0x2;
	_ =	swait.ge [sflag:s13], $0x2800  }
.Ltmp0:
0x4c: {  	s5 =	sadd.s32 $0x4000, s5;
	[sflag:s13] =	ssyncset.done $0x0;
	(pc) =	sbr.rel @p0 .LBB2_2-.Ltmp0, $4  }
0x4d: {  	s25 =	sadd.s32 $0x5, s28;
	s7 =	sshrl.u32 s9, $0x2;
	[sflag:s13] =	ssyncadd.s32 $0xFFFFD800  }
0x4e: {  	[tilespmem:s5], [sflag:s6] =	stream.indirect.gather.add.f32 [hbm:s3], $0x80, s19, s14, $0xb8;
	[tilespmem:$0xE000] =	vst v63  }
0x4f: {  	s16 =	sadd.s32 $0x80, s16;
	s19 =	sadd.s32 $0x80, s19;
	_ =	swait.ge [sflag:s25], $0x2800  }
0x50: {  	s28 =	sadd.s32 $0x9, s28;
	s5 =	sadd.s32 $0x4000, s7;
	[sflag:s25] =	ssyncset.done $0x0  }
0x51: {  	[sflag:s25] =	ssyncadd.s32 $0xFFFFD800;
	s0 =	sand.u32 $0x3, s0  }
0x52: {  	[hbm4b:s22+s4] =	stream.linear.scatter [tilespmem:s5], [sflag:s28], $0x2800, $0x38;
	[tilespmem:$0xE000] =	vst v63  }
0x53: {  	s0 =	sadd.s32 $0x9, s0  }
0x54: {  	_ =	swait.ge [sflag:s0], $0x2800  }
0x55: {  	[sflag:s0] =	ssyncset.done $0x0  }
0x56: {  	[sflag:s0] =	ssyncadd.s32 $0xFFFFD800  }
0x57: {  	_ =	swait.ge [sflag:s29], $0x2800  }
0x58: {  	[sflag:s29] =	ssyncset.done $0x0  }
0x59: {  	s25 =	rddreg [dreg:$0x8];
	[sflag:s29] =	ssyncadd.s32 $0xFFFFD800  }
0x5a: {  	[hbm4b:s25+s4] =	stream.linear.scatter [tilespmem:s17], [sflag:$0xA], $0x2800, $0x38;
	[tilespmem:$0xE000] =	vst v63  }
0x5b: {  	_ =	swait.ge [sflag:s30], $0x2800  }
0x5c: {  	[sflag:s30] =	ssyncset.done $0x0  }
0x5d: {  	[sflag:s30] =	ssyncadd.s32 $0xFFFFD800  }
0x5e: {  	_ =	swait.ge [sflag:s31], $0x2800  }
0x5f: {  	s1 =	sadd.s32 $0x1, s1;
	s28 =	rddreg [dreg:$0x6]  }
0x60: {  	p0 =	sne.s32 s1, s28  }
.Ltmp1:
0x61: {  	_ = 	snop;
	(pc) =	sbr.rel @p0 .LBB2_1-.Ltmp1, $3  }
0x62: {  	_ =	sdelay $0x1  }
0x63: {  	[sflag:s31] =	ssyncset.done $0x0  }
0x64: {  	[sflag:s31] =	ssyncadd.s32 $0xFFFFD800  }
0x65: {  	_ =	sfence.sel $0x180000  }
0x66: {  	[bflag:$0x0] =	sbarrier.arrive $0xFFFF  }
0x67: {  	_ =	strace $0x9000004A  }
0x68: {  	s0 =	stileid.u32;
	[bflag:$0x2] =	sbarrier.arrive $0xFFFF  }
0x69: {  	p0 =	sne.s32 s0, $0x0;
	s0 =	rddreg [dreg:$0x3]  }
0x6a: {  	s0 =	sadd.s32 @!p0 $0x100000, s0  }
0x6b: {  	[sflag:s0] =	ssyncadd.tile.s32 @!p0 $0x1;
	_ =	shalt  }
.Lfunc_end2:
_tile_overlayer_lowered:
.L_overlay_start_2:
0x6c: {  	(tag) =	ssettag $0x2  }
0x6d: {  	s0 =	rddreg [dreg:$0x0];
	s2 =	stileid.u32  }
0x6e: {  	s1 =	rddreg [dreg:$0x1];
	p0 =	sne.s32 s2, $0x0  }
0x6f: {  	s3 =	rddreg [dreg:$0x2];
	[bflag:$0x3] =	sbarrier.arrive $0xFFFF;
	s2 =	simm.s32 @!p0 $0x1C0D  }
0x70: {  	[timem:s3], [sflag:s2] =	dma.local @!p0 [hbm:s0], s1  }
0x71: {  	s0 =	simm.s32 @!p0 $0xD  }
0x72: {  	_ =	swait.ge @!p0 [sflag:s0], s1  }
0x73: {  	s1 =	ssub.s32 @!p0 $0x0, s1;
	[sflag:s0] =	ssyncset.done @!p0 $0x0  }
0x74: {  	[sflag:s0] =	ssyncadd.s32 @!p0 s1  }
0x75: {  	[bflag:$0x3] =	sbarrier.arrive $0xFFFF  }
0x76: {  	_ =	shalt  }

// kernel: kernel.18.cloned.1.call-start
scs
__scs_entry_jumppad:
0x0: {  	(pc) =	sbr.rel $0x88, $3  }
0x1: {  	(tag) =	ssettag $0x0;
	lr =	simm.s32 $0x1  }
0x2: {  	[smem:$0x3F92] =	sst lr;
	_ =	strace $0xD0000000  }
0x3: {  	_ = 	snop  }
0x4: {  	_ = 	snop  }
0x5: {  	_ = 	snop  }
0x6: {  	_ = 	snop  }
0x7: {  	_ = 	snop  }
__scs_overlays_trampoline_lowered:
0x8: {  	[smem:$0x3FA1] =	sst s0  }
0x9: {  	[smem:$0x3FA2] =	sst s1  }
0xa: {  	[smem:$0x3FA3] =	sst s2  }
0xb: {  	[smem:$0x3FA4] =	sst s3  }
0xc: {  	[smem:$0x3FA5] =	sst s4  }
0xd: {  	[smem:$0x3FA6] =	sst s5  }
0xe: {  	[smem:$0x3FA7] =	sst s6  }
0xf: {  	[smem:$0x3FA8] =	sst s7  }
0x10: {  	[smem:$0x3FA9] =	sst s8  }
0x11: {  	[smem:$0x3FAA] =	sst s9;
	s0 =	simm.s32 @!p0 $0x0  }
0x12: {  	s1 =	sld [smem:$0x3F90];
	s0 =	simm.s32 @p0 $0x1  }
0x13: {  	[smem:$0x3FAB] =	sst s0;
	s0 =	simm.s32 @!p1 $0x0  }
0x14: {  	s2 =	sld [smem:$0x3F8F];
	s0 =	simm.s32 @p1 $0x1  }
0x15: {  	[smem:$0x3FAC] =	sst s0;
	s0 =	simm.s32 @!p2 $0x0  }
0x16: {  	s3 =	sld [smem:$0x3FDB];
	s0 =	simm.s32 @p2 $0x1  }
0x17: {  	s4 =	simm.s32 $0x1BF5;
	[smem:$0x3FAE] =	sst s0  }
0x18: {  	s0 =	sld [smem:$0x3F91];
	_ =	swait.ge [sflag:s4], $0x0  }
0x19: {  	s7 =	sld [smem:$0x3F92]  }
0x1a: {  	s8 =	sadd.s32 $0xFFFFE003, lr  }
0x1b: {  	s9 =	sadd.s32 $0xFFFFFEF7, lr;
	s5 =	simm.s32 $0xFFFFFFFF;
	p2 =	slt.u32 s8, $0xFFFFF086  }
0x1c: {  	p1 =	slt.u32 s9, $0xF7A;
	s5 =	simm.s32 @!p2 $0x0  }
0x1d: {  	s5 =	simm.s32 @p1 $0x1;
	p0 =	seq.s32 s7, s2  }
0x1e: {  	s7 =	smul.u32 @!p0 $0xF7A, s2;
	p2 =	seq.s32 @!p0 s5, $0x0  }
0x1f: {  	s9 =	smul.u32 $0xF7A, s1;
	s8 =	simm.s32 @!p0 $0x1BF5;
	p2 =	por !p2, p0  }
0x20: {  	[sflag:s8] =	ssyncset.s32 @!p0 $0xFFFFF086;
	s6 =	sadd.s32 @!p0 s3, s7;
	s7 =	simm.s32 @!p0 $0x108  }
0x21: {  	s3 =	sadd.s32 s3, s9;
	s6 =	sadd.s32 @!p0 $0x88, s6;
	s7 =	simm.s32 @p2 $0x1082  }
0x22: {  	[simem:s7], [sflag:s8] =	dma.local @!p0 [hbm:s6], $0xF7A  }
0x23: {  	s9 =	sor.u32 $0xD0000000, s2;
	s6 =	simm.s32 $0x108;
	_ =	swait.ge @!p0 [sflag:s8], $0x0  }
0x24: {  	s3 =	sadd.s32 $0x88, s3;
	s6 =	simm.s32 @!p1 $0x1082;
	[sflag:s4] =	ssyncset.s32 $0xFFFFF086  }
0x25: {  	[simem:s6], [sflag:s4] =	dma.local [hbm:s3], $0xF7A  }
0x26: {  	[smem:$0x3F92] =	sst s1;
	(tag) =	ssettag s2;
	_ =	strace s9  }
0x27: {  	s1 =	sld [smem:$0x3FA2]  }
0x28: {  	s2 =	sld [smem:$0x3FA3]  }
0x29: {  	s4 =	sld [smem:$0x3FA5]  }
0x2a: {  	p0 =	seq.s32 s5, $0x0;
	s5 =	sld [smem:$0x3FA6]  }
0x2b: {  	s6 =	sld [smem:$0x3FA7]  }
0x2c: {  	s7 =	sld [smem:$0x3FA8]  }
0x2d: {  	s3 =	simm.s32 $0x108;
	s8 =	sld [smem:$0x3FA9]  }
0x2e: {  	s3 =	simm.s32 @!p0 $0x1082;
	s9 =	sld [smem:$0x3FAA]  }
0x2f: {  	lr =	sadd.s32 s0, s3;
	s0 =	sld [smem:$0x3FA1]  }
0x30: {  	s3 =	sld [smem:$0x3FA4]  }
0x31: {  	[smem:$0x3FAD] =	sst s10  }
0x32: {  	s10 =	sld [smem:$0x3FAB];
	_ =	sdelay $0x3  }
0x33: {  	p0 =	seq.s32 s10, $0x1;
	s10 =	sld [smem:$0x3FAD];
	_ =	sdelay $0x3  }
0x34: {  	[smem:$0x3FAD] =	sst s10  }
0x35: {  	s10 =	sld [smem:$0x3FAC];
	_ =	sdelay $0x3  }
0x36: {  	p1 =	seq.s32 s10, $0x1;
	s10 =	sld [smem:$0x3FAD];
	_ =	sdelay $0x3  }
0x37: {  	[smem:$0x3FAD] =	sst s10  }
0x38: {  	s10 =	sld [smem:$0x3FAE]  }
0x39: {  	_ = 	snop;
	(pc) =	sbr.ind lr, $3  }
0x3a: {  	_ = 	snop  }
0x3b: {  	_ = 	snop  }
0x3c: {  	p2 =	seq.s32 s10, $0x1;
	s10 =	sld [smem:$0x3FAD]  }
0x3d: {  	_ =	shalt  }
0x3e: {  	_ =	shalt  }
0x3f: {  	_ =	shalt  }
0x40: {  	_ =	shalt  }
0x41: {  	_ =	shalt  }
0x42: {  	_ =	shalt  }
0x43: {  	_ =	shalt  }
0x44: {  	_ =	shalt  }
0x45: {  	_ =	shalt  }
0x46: {  	_ =	shalt  }
0x47: {  	_ =	shalt  }
0x48: {  	_ =	shalt  }
0x49: {  	_ =	shalt  }
0x4a: {  	_ =	shalt  }
0x4b: {  	_ =	shalt  }
0x4c: {  	_ =	shalt  }
0x4d: {  	_ =	shalt  }
0x4e: {  	_ =	shalt  }
0x4f: {  	_ =	shalt  }
0x50: {  	_ =	shalt  }
0x51: {  	_ =	shalt  }
0x52: {  	_ =	shalt  }
0x53: {  	_ =	shalt  }
0x54: {  	_ =	shalt  }
0x55: {  	_ =	shalt  }
0x56: {  	_ =	shalt  }
0x57: {  	_ =	shalt  }
0x58: {  	_ =	shalt  }
0x59: {  	_ =	shalt  }
0x5a: {  	_ =	shalt  }
0x5b: {  	_ =	shalt  }
0x5c: {  	_ =	shalt  }
0x5d: {  	_ =	shalt  }
0x5e: {  	_ =	shalt  }
0x5f: {  	_ =	shalt  }
0x60: {  	_ =	shalt  }
0x61: {  	_ =	shalt  }
0x62: {  	_ =	shalt  }
0x63: {  	_ =	shalt  }
0x64: {  	_ =	shalt  }
0x65: {  	_ =	shalt  }
0x66: {  	_ =	shalt  }
0x67: {  	_ =	shalt  }
0x68: {  	_ =	shalt  }
0x69: {  	_ =	shalt  }
0x6a: {  	_ =	shalt  }
0x6b: {  	_ =	shalt  }
0x6c: {  	_ =	shalt  }
0x6d: {  	_ =	shalt  }
0x6e: {  	_ =	shalt  }
0x6f: {  	_ =	shalt  }
0x70: {  	_ =	shalt  }
0x71: {  	_ =	shalt  }
0x72: {  	_ =	shalt  }
0x73: {  	_ =	shalt  }
0x74: {  	_ =	shalt  }
0x75: {  	_ =	shalt  }
0x76: {  	_ =	shalt  }
0x77: {  	_ =	shalt  }
0x78: {  	_ =	shalt  }
0x79: {  	_ =	shalt  }
0x7a: {  	_ =	shalt  }
0x7b: {  	_ =	shalt  }
0x7c: {  	_ =	shalt  }
0x7d: {  	_ =	shalt  }
0x7e: {  	_ =	shalt  }
0x7f: {  	_ =	shalt  }
0x80: {  	_ =	shalt  }
0x81: {  	_ =	shalt  }
0x82: {  	_ =	shalt  }
0x83: {  	_ =	shalt  }
0x84: {  	_ =	shalt  }
0x85: {  	_ =	shalt  }
0x86: {  	_ =	shalt  }
0x87: {  	_ =	shalt  }
.Lfunc_end0:
.L_simem_size_0:
called_computation.3_lowered:
.L_overlay_start_0:
0x88: {  	s2 =	sld [smem:$0x3FD9]  }
0x89: {  	s3 =	sld [smem:$0x3FFE];
	_ =	sdelay $0x1  }
0x8a: {  	s1 =	srdreg.scid  }
0x8b: {  	s0 =	sand.u32 $0x1, s1  }
0x8c: {  	s17 =	sshll.u32 s0, $0xA;
	s2 =	sadd.s32 s3, s2  }
0x8d: {  	s2 =	sadd.s32 s2, s17  }
0x8e: {  	[smem:$0x3FB9] =	sst s2  }
0x8f: {  	_ = 	snop  }
0x90: {  	(tm) =	ssettm $0x1  }
0x91: {  	s18 =	sld [smem:$0x3FFB];
	_ =	sdelay $0x3  }
0x92: {  	_ =	strace s18  }
0x93: {  	s2 =	sld [smem:$0x3FFC];
	_ =	sdelay $0x3  }
0x94: {  	_ =	strace s2  }
0x95: {  	s2 =	sld [smem:$0x3FFD];
	_ =	sdelay $0x3  }
0x96: {  	_ =	strace s2  }
0x97: {  	_ =	strace $0x8FFFFFFF  }
0x98: {  	s19 =	sld [smem:$0x3FDB];
	_ =	sdelay $0x1  }
0x99: {  	s20 =	simm.s32 $_scs_section_size  }
0x9a: {  	s4 =	simm.s32 $_size__tile_overlayer_lowered;
	s5 =	simm.s32 $_tile_overlayer_lowered  }
0x9b: {  	s6 =	simm.s32 $0x1BFF;
	s21 =	sshll.u32 s5, $0x1;
	s3 =	sadd.s32 s20, s19  }
0x9c: {  	s22 =	simm.s32 $0x0;
	s4 =	sshll.u32 s4, $0x1;
	s5 =	sadd.s32 s21, s3  }
0x9d: {  	[timem:s22], [sflag:s6] =	dma.local [hbm:s5], s4  }
0x9e: {  	_ =	swait.ge [sflag:s6], s4  }
0x9f: {  	s4 =	ssub.s32 $0x0, s4;
	[sflag:s6] =	ssyncset.done $0x0  }
0xa0: {  	[sflag:s6] =	ssyncadd.s32 s4;
	_ =	sdelay $0x1  }
0xa1: {  	s23 =	simm.s32 $0x1B8B  }
0xa2: {  	_ =	swait.ge [sflag:s23], $0x1  }
0xa3: {  	[sflag:s23] =	ssyncset.done $0x0  }
0xa4: {  	[sflag:s23] =	ssyncadd.s32 $0xFFFFFFFF  }
0xa5: {  	s4 =	sld [smem:$0x0]  }
0xa6: {  	s5 =	sand.u32 $0xFFFFFFFE, s1  }
0xa7: {  	p0 =	sne.s32 s1, s5  }
0xa8: {  	s5 =	sshll.u32 @p0 s5, $0xE  }
0xa9: {  	s5 =	sadd.s32 @p0 $0x11B8D, s5;
	s6 =	sshll.u32 @p0 s4, $0x11  }
0xaa: {  	s5 =	sor.u32 @p0 s6, s5  }
0xab: {  	[sflag:s5] =	ssyncadd.remote.s32 @p0 $0x1;
	_ =	sdelay $0x1  }
0xac: {  	s5 =	simm.s32 @p0 $0x1B8D  }
0xad: {  	_ =	swait.eq @p0 [sflag:s5], $0x1  }
0xae: {  	[sflag:s5] =	ssyncadd.s32 @p0 $0xFFFFFFFF  }
0xaf: {  	s6 =	sshll.u32 @!p0 s1, $0xE  }
0xb0: {  	s6 =	sor.u32 @!p0 $0x4000, s6;
	s5 =	simm.s32 @!p0 $0x1B8D  }
0xb1: {  	s4 =	sshll.u32 @!p0 s4, $0x11;
	s6 =	sadd.s32 @!p0 $0x11B8D, s6;
	_ =	swait.eq @!p0 [sflag:s5], $0x1  }
0xb2: {  	s4 =	sor.u32 @!p0 s4, s6;
	[sflag:s5] =	ssyncadd.s32 @!p0 $0xFFFFFFFF  }
0xb3: {  	s25 =	simm.s32 $0x1B8E;
	s24 =	sld [smem:$0x3FFE];
	[sflag:s4] =	ssyncadd.remote.s32 @!p0 $0x1  }
0xb4: {  	s26 =	simm.s32 $execute0_lowered;
	[smem:$0x3FD2] =	sst s25  }
0xb5: {  	s5 =	sshll.u32 s26, $0x1;
	_ =	strace $0x8000004F;
	[dreg:$0x1] =	wrdreg $0xFFFFFFFF  }
0xb6: {  	s28 =	simm.s32 $_size_execute0_lowered;
	s3 =	sadd.s32 s3, s5;
	[dreg:$0x0] =	wrdreg $0x0  }
0xb7: {  	s5 =	sshll.u32 s28, $0x1;
	[dreg:$0x2] =	wrdreg s3  }
0xb8: {  	[dreg:$0x3] =	wrdreg s5  }
0xb9: {  	[dreg:$0x4] =	wrdreg $0xC0  }
0xba: {  	_ =	task [dreg:s22], $0x5FFFF  }
0xbb: {  	[dreg:$0x1] =	wrdreg $0xFFFFFFFF  }
0xbc: {  	[dreg:$0x0] =	wrdreg $0x60  }
0xbd: {  	[dreg:$0x2] =	wrdreg s24  }
0xbe: {  	[dreg:$0x3] =	wrdreg $0x70000  }
0xbf: {  	[dreg:$0x4] =	wrdreg $0xA  }
0xc0: {  	_ =	task.clear_ibuf [dreg:s22], $0x5FFFF;
	_ =	strace $0x9000004F  }
0xc1: {  	s29 =	simm.s32 $0xA;
	_ =	strace $0x80000051  }
0xc2: {  	_ =	swait.ge [sflag:s29], $0x1  }
0xc3: {  	[sflag:s29] =	ssyncadd.s32 $0xFFFFFFFF  }
0xc4: {  	_ =	strace $0x90000051  }
0xc5: {  	_ =	sfence  }
0xc6: {  	s30 =	sld [smem:$0x0];
	_ =	sdelay $0x2  }
0xc7: {  	s31 =	sshll.u32 s1, $0xD;
	s1 =	sshrl.u32 s1, $0x2  }
0xc8: {  	s4 =	sand.u32 $0x4000, s31;
	s1 =	sadd.s32 s1, s30  }
0xc9: {  	s0 =	sor.u32 s4, s0;
	s1 =	sshll.u32 s1, $0x11  }
0xca: {  	s0 =	sor.u32 s1, s0  }
0xcb: {  	s0 =	sadd.s32 $0x8F2B, s0  }
0xcc: {  	[sflag:s0] =	ssyncadd.remote.s32 $0x1  }
0xcd: {  	_ =	sfence.sel $0xFFFF  }
0xce: {  	[dreg:$0x0] =	wrdreg $0xFFFFFFFF;
	(pc) =	sbr.abs _section_cstart, $3  }
0xcf: {  	[dreg:$0x1] =	wrdreg $0xFFFFFFFF  }
0xd0: {  	_ =	task.clear_ibuf [dreg:s22], $0x2FFFF;
	_ =	strace $0x9FFFFFFF  }
0xd1: {  	(tm) =	ssettm $0x7FFFFFFF  }
tec
execute0_lowered:
.L_overlay_start_1:
0x0: {  	(tag) =	ssettag $0x1  }
0x1: {  	s4 =	rddreg [dreg:$0x0]  }
0x2: {  	s1 =	rddreg [dreg:$0x1]  }
0x3: {  	s0 =	rddreg [dreg:$0x2]  }
0x4: {  	s3 =	simm.s32 $0x0;
	s5 =	srdreg.scid;
	s2 =	stileid.u32  }
0x5: {  	s15 =	simm.s32 $0x4800;
	s16 =	simm.s32 $0x1;
	s17 =	simm.s32 $0x50  }
0x6: {  	s18 =	simm.s32 $0x2;
	s19 =	simm.s32 $0x1E80;
	s20 =	simm.s32 $0x4  }
0x7: {  	s21 =	simm.s32 $0x0;
	[smem:$0x7FF] =	sst s3;
	s7 =	smul.u32 $0x13C00, s2  }
0x8: {  	s6 =	sand.u32 $0x1, s5;
	s22 =	sshll.u32 s2, $0x1;
	s12 =	smul.u32 $0x4F000, s2  }
0x9: {  	s9 =	sadd.s32 $0x9F0600, s4;
	s28 =	sshll.u32 s2, $0x6;
	s29 =	smul.u32 $0x26C00, s2  }
0xa: {  	_ =	strace $0x80000050;
	s5 =	sor.u32 s6, s22;
	s8 =	smul.u32 $0x13C000, s6  }
0xb: {  	s23 =	ssub.s32 $0x2, s6;
	s30 =	smul.u32 $0x13600, s6;
	s10 =	sshll.u32 s5, $0xA  }
0xc: {  	s11 =	sshrl.u32 s7, $0x3;
	s24 =	sshrl.u32 s23, $0x1;
	s25 =	sshrl.u32 s12, $0x2  }
0xd: {  	s26 =	smul.u32 $0x13600, s5;
	s5 =	sor.u32 $0x1C05, s28;
	s31 =	sadd.s32 s29, s9  }
0xe: {  	s10 =	sadd.s32 s10, s4;
	s7 =	sadd.s32 s7, s8;
	s11 =	sadd.s32 s11, s4  }
0xf: {  	s14 =	ssub.s32 s23, s24;
	s12 =	sadd.s32 s25, s1;
	s7 =	sshrl.u32 s7, $0x3  }
0x10: {  	s6 =	sadd.s32 $0x290600, s10;
	s12 =	sshrl.u32 s12, $0x3;
	s13 =	sadd.s32 s7, s4  }
0x11: {  	s4 =	sadd.s32 $0x12600, s11;
	s7 =	sadd.s32 s9, s26;
	s9 =	smax.u32 s14, $0x1  }
0x12: {  	s11 =	sadd.s32 s30, s31;
	s14 =	simm.s32 $0x2000;
	s8 =	sadd.s32 $0x88E00, s13  }
0x13: {  	s10 =	sadd.s32 $0x500, s7;
	s11 =	sadd.s32 $0xA00, s11;
	s13 =	simm.s32 $0x5  }
.LBB2_1:
0x14: {  	[spmem:s12], [sflag:s5] =	dma.local [hbm:s4], $0x2780  }
0x15: {  	_ =	swait.ge [sflag:s13], $0x2780  }
0x16: {  	[sflag:s13] =	ssyncset.done $0x0  }
0x17: {  	[sflag:s13] =	ssyncadd.s32 $0xFFFFD880  }
0x18: {  	[tilespmem:s3], [sflag:$0x5] =	stream.linear.gather [hbm4b:s6+s3], $0x1F00, $0x38;
	[tilespmem:$0x1AC00] =	vst v63  }
0x19: {  	_ =	swait.ge [sflag:s13], $0x1F00  }
0x1a: {  	[sflag:s13] =	ssyncset.done $0x0  }
0x1b: {  	[sflag:s13] =	ssyncadd.s32 $0xFFFFE100  }
0x1c: {  	[bflag:$0x0] =	sbarrier.arrive $0xFFFF  }
0x1d: {  	[tilespmem:s14], [sflag:$0x1] =	stream.linear.gather [hbm4b:s7+s3], $0x2800, $0x38;
	[tilespmem:$0x1AC00] =	vst v63  }
0x1e: {  	s22 =	sand.u32 $0x1, s18  }
0x1f: {  	[tilespmem:s15], [sflag:$0x2] =	stream.linear.gather [hbm4b:s10+s3], $0x2800, $0x38;
	[tilespmem:$0x1AC00] =	vst v63  }
0x20: {  	s25 =	simm.s32 $0x1;
	s23 =	sadd.s32 $0x3, s22;
	_ =	swait.ge [sflag:s16], $0x2800  }
0x21: {  	s24 =	smul.u32 $0xA000, s22;
	s25 =	sand.u32 $0x1, s25;
	[sflag:s16] =	ssyncset.done $0x0  }
0x22: {  	s22 =	sadd.s32 $0x1, s22;
	s31 =	smul.u32 $0xA000, s25;
	[sflag:s16] =	ssyncadd.s32 $0xFFFFD800  }
0x23: {  	[spmem:s1] =	stream.indirect.scatter.add.f32 [tilespmem:s14], [sflag:$0x3], $0x80, s3, s17, $0xb8;
	[tilespmem:$0x1AC00] =	vst v63  }
0x24: {  	s26 =	sadd.s32 $0x1, s25;
	s29 =	sadd.s32 $0x3, s25;
	_ =	swait.ge [sflag:s23], $0x2800  }
0x25: {  	s25 =	simm.s32 $0x80;
	s24 =	sshrl.u32 s24, $0x2;
	[sflag:s23] =	ssyncset.done $0x0  }
0x26: {  	s30 =	sadd.s32 $0x2000, s24;
	s24 =	sshrl.u32 s31, $0x2;
	[sflag:s23] =	ssyncadd.s32 $0xFFFFD800  }
0x27: {  	[tilespmem:s30], [sflag:s22] =	stream.linear.gather [hbm4b:s11+s3], $0x2800, $0x38;
	[tilespmem:$0x1AC00] =	vst v63  }
0x28: {  	s28 =	sadd.s32 $0x2000, s24;
	s24 =	smov.u32 s11;
	_ =	swait.ge [sflag:s26], $0x2800  }
0x29: {  	s23 =	simm.s32 $0x3;
	s22 =	simm.s32 $0x80;
	[sflag:s26] =	ssyncset.done $0x0  }
.LBB2_2:
0x2a: {  	[sflag:s26] =	ssyncadd.s32 $0xFFFFD800  }
0x2b: {  	s22 =	sadd.s32 $0x80, s22;
	s24 =	sadd.s32 $0x500, s24;
	s26 =	smov.u32 s23  }
0x2c: {  	[spmem:s1] =	stream.indirect.scatter.add.f32 [tilespmem:s28], [sflag:s29], $0x80, s25, s17, $0xb8;
	[tilespmem:$0x1AC00] =	vst v63  }
0x2d: {  	p0 =	sne.s32 s23, $0x3D;
	s23 =	sadd.s32 $0x1, s23;
	s28 =	sand.u32 $0x1, s26  }
0x2e: {  	s25 =	smov.u32 s22;
	s29 =	sadd.s32 $0x3, s28;
	s30 =	smul.u32 $0xA000, s28  }
0x2f: {  	s26 =	sadd.s32 $0xFFFFFFFF, s26;
	_ =	swait.ge [sflag:s29], $0x2800  }
0x30: {  	s31 =	sand.u32 $0x1, s26;
	s30 =	sshrl.u32 s30, $0x2;
	[sflag:s29] =	ssyncset.done $0x0  }
.Ltmp0:
0x31: {  	[sflag:s29] =	ssyncadd.s32 $0xFFFFD800;
	s29 =	sadd.s32 $0x2000, s30;
	(pc) =	sbr.rel @p0 .LBB2_2-.Ltmp0, $4  }
0x32: {  	s28 =	sadd.s32 $0x1, s28;
	s26 =	sadd.s32 $0x1, s31;
	s30 =	smul.u32 $0xA000, s31  }
0x33: {  	[tilespmem:s29], [sflag:s28] =	stream.linear.gather [hbm4b:s24+s3], $0x2800, $0x38;
	[tilespmem:$0x1AC00] =	vst v63  }
0x34: {  	s28 =	sshrl.u32 s30, $0x2;
	_ =	swait.ge [sflag:s26], $0x2800  }
0x35: {  	s29 =	sadd.s32 $0x3, s31;
	s28 =	sadd.s32 $0x2000, s28;
	[sflag:s26] =	ssyncset.done $0x0  }
0x36: {  	[sflag:s26] =	ssyncadd.s32 $0xFFFFD800  }
0x37: {  	[spmem:s1] =	stream.indirect.scatter.add.f32 [tilespmem:s28], [sflag:s29], $0x80, s25, s17, $0xb8;
	[tilespmem:$0x1AC00] =	vst v63  }
0x38: {  	_ =	swait.ge [sflag:s29], $0x2800  }
0x39: {  	[sflag:s29] =	ssyncset.done $0x0  }
0x3a: {  	[sflag:s29] =	ssyncadd.s32 $0xFFFFD800  }
0x3b: {  	_ =	swait.ge [sflag:s18], $0x2800  }
0x3c: {  	[sflag:s18] =	ssyncset.done $0x0  }
0x3d: {  	[sflag:s18] =	ssyncadd.s32 $0xFFFFD800  }
0x3e: {  	[spmem:s1] =	stream.indirect.scatter.add.f32 [tilespmem:s15], [sflag:$0x4], $0x80, s19, s17, $0xb8;
	[tilespmem:$0x1AC00] =	vst v63  }
0x3f: {  	_ =	swait.ge [sflag:s20], $0x2800  }
0x40: {  	s21 =	sadd.s32 $0x1, s21;
	[sflag:s20] =	ssyncset.done $0x0  }
0x41: {  	p0 =	sne.s32 s21, s9;
	[sflag:s20] =	ssyncadd.s32 $0xFFFFD800  }
.Ltmp1:
0x42: {  	[bflag:$0x0] =	sbarrier.arrive $0xFFFF;
	(pc) =	sbr.rel @p0 .LBB2_1-.Ltmp1, $4  }
0x43: {  	[hbm:s8], [sflag:s5] =	dma.local [spmem:s12], $0x2780  }
0x44: {  	_ =	swait.ge [sflag:s13], $0x2780  }
0x45: {  	[sflag:s13] =	ssyncset.done $0x0  }
0x46: {  	[sflag:s13] =	ssyncadd.s32 $0xFFFFD880  }
0x47: {  	_ =	sfence.sel $0x180000  }
0x48: {  	[bflag:$0x0] =	sbarrier.arrive $0xFFFF  }
0x49: {  	p0 =	sne.s32 s2, $0x0;
	_ =	strace $0x90000050  }
0x4a: {  	s0 =	sadd.s32 @!p0 $0x100000, s0;
	[bflag:$0x2] =	sbarrier.arrive $0xFFFF  }
0x4b: {  	[sflag:s0] =	ssyncadd.tile.s32 @!p0 $0x1;
	_ =	shalt  }
.Lfunc_end2:
_tile_overlayer_lowered:
.L_overlay_start_2:
0x4c: {  	(tag) =	ssettag $0x2  }
0x4d: {  	s0 =	rddreg [dreg:$0x0];
	s2 =	stileid.u32  }
0x4e: {  	s1 =	rddreg [dreg:$0x1];
	p0 =	sne.s32 s2, $0x0  }
0x4f: {  	s3 =	rddreg [dreg:$0x2];
	[bflag:$0x3] =	sbarrier.arrive $0xFFFF;
	s2 =	simm.s32 @!p0 $0x1C05  }
0x50: {  	[timem:s3], [sflag:s2] =	dma.local @!p0 [hbm:s0], s1  }
0x51: {  	s0 =	simm.s32 @!p0 $0x5  }
0x52: {  	_ =	swait.ge @!p0 [sflag:s0], s1  }
0x53: {  	s1 =	ssub.s32 @!p0 $0x0, s1;
	[sflag:s0] =	ssyncset.done @!p0 $0x0  }
0x54: {  	[sflag:s0] =	ssyncadd.s32 @!p0 s1  }
0x55: {  	[bflag:$0x3] =	sbarrier.arrive $0xFFFF  }
0x56: {  	_ =	shalt  }

// kernel: kernel.9.cloned.1.call-start
scs
__scs_entry_jumppad:
0x0: {  	(pc) =	sbr.rel $0x88, $3  }
0x1: {  	(tag) =	ssettag $0x0;
	lr =	simm.s32 $0x1  }
0x2: {  	[smem:$0x3F92] =	sst lr;
	_ =	strace $0xD0000000  }
0x3: {  	_ = 	snop  }
0x4: {  	_ = 	snop  }
0x5: {  	_ = 	snop  }
0x6: {  	_ = 	snop  }
0x7: {  	_ = 	snop  }
__scs_overlays_trampoline_lowered:
0x8: {  	[smem:$0x3FA1] =	sst s0  }
0x9: {  	[smem:$0x3FA2] =	sst s1  }
0xa: {  	[smem:$0x3FA3] =	sst s2  }
0xb: {  	[smem:$0x3FA4] =	sst s3  }
0xc: {  	[smem:$0x3FA5] =	sst s4  }
0xd: {  	[smem:$0x3FA6] =	sst s5  }
0xe: {  	[smem:$0x3FA7] =	sst s6  }
0xf: {  	[smem:$0x3FA8] =	sst s7  }
0x10: {  	[smem:$0x3FA9] =	sst s8  }
0x11: {  	[smem:$0x3FAA] =	sst s9;
	s0 =	simm.s32 @!p0 $0x0  }
0x12: {  	s1 =	sld [smem:$0x3F90];
	s0 =	simm.s32 @p0 $0x1  }
0x13: {  	[smem:$0x3FAB] =	sst s0;
	s0 =	simm.s32 @!p1 $0x0  }
0x14: {  	s2 =	sld [smem:$0x3F8F];
	s0 =	simm.s32 @p1 $0x1  }
0x15: {  	[smem:$0x3FAC] =	sst s0;
	s0 =	simm.s32 @!p2 $0x0  }
0x16: {  	s3 =	sld [smem:$0x3FDB];
	s0 =	simm.s32 @p2 $0x1  }
0x17: {  	s4 =	simm.s32 $0x1BF5;
	[smem:$0x3FAE] =	sst s0  }
0x18: {  	s0 =	sld [smem:$0x3F91];
	_ =	swait.ge [sflag:s4], $0x0  }
0x19: {  	s7 =	sld [smem:$0x3F92]  }
0x1a: {  	s8 =	sadd.s32 $0xFFFFE003, lr  }
0x1b: {  	s9 =	sadd.s32 $0xFFFFFEF7, lr;
	s5 =	simm.s32 $0xFFFFFFFF;
	p2 =	slt.u32 s8, $0xFFFFF086  }
0x1c: {  	p1 =	slt.u32 s9, $0xF7A;
	s5 =	simm.s32 @!p2 $0x0  }
0x1d: {  	s5 =	simm.s32 @p1 $0x1;
	p0 =	seq.s32 s7, s2  }
0x1e: {  	s7 =	smul.u32 @!p0 $0xF7A, s2;
	p2 =	seq.s32 @!p0 s5, $0x0  }
0x1f: {  	s9 =	smul.u32 $0xF7A, s1;
	s8 =	simm.s32 @!p0 $0x1BF5;
	p2 =	por !p2, p0  }
0x20: {  	[sflag:s8] =	ssyncset.s32 @!p0 $0xFFFFF086;
	s6 =	sadd.s32 @!p0 s3, s7;
	s7 =	simm.s32 @!p0 $0x108  }
0x21: {  	s3 =	sadd.s32 s3, s9;
	s6 =	sadd.s32 @!p0 $0x88, s6;
	s7 =	simm.s32 @p2 $0x1082  }
0x22: {  	[simem:s7], [sflag:s8] =	dma.local @!p0 [hbm:s6], $0xF7A  }
0x23: {  	s9 =	sor.u32 $0xD0000000, s2;
	s6 =	simm.s32 $0x108;
	_ =	swait.ge @!p0 [sflag:s8], $0x0  }
0x24: {  	s3 =	sadd.s32 $0x88, s3;
	s6 =	simm.s32 @!p1 $0x1082;
	[sflag:s4] =	ssyncset.s32 $0xFFFFF086  }
0x25: {  	[simem:s6], [sflag:s4] =	dma.local [hbm:s3], $0xF7A  }
0x26: {  	[smem:$0x3F92] =	sst s1;
	(tag) =	ssettag s2;
	_ =	strace s9  }
0x27: {  	s1 =	sld [smem:$0x3FA2]  }
0x28: {  	s2 =	sld [smem:$0x3FA3]  }
0x29: {  	s4 =	sld [smem:$0x3FA5]  }
0x2a: {  	p0 =	seq.s32 s5, $0x0;
	s5 =	sld [smem:$0x3FA6]  }
0x2b: {  	s6 =	sld [smem:$0x3FA7]  }
0x2c: {  	s7 =	sld [smem:$0x3FA8]  }
0x2d: {  	s3 =	simm.s32 $0x108;
	s8 =	sld [smem:$0x3FA9]  }
0x2e: {  	s3 =	simm.s32 @!p0 $0x1082;
	s9 =	sld [smem:$0x3FAA]  }
0x2f: {  	lr =	sadd.s32 s0, s3;
	s0 =	sld [smem:$0x3FA1]  }
0x30: {  	s3 =	sld [smem:$0x3FA4]  }
0x31: {  	[smem:$0x3FAD] =	sst s10  }
0x32: {  	s10 =	sld [smem:$0x3FAB];
	_ =	sdelay $0x3  }
0x33: {  	p0 =	seq.s32 s10, $0x1;
	s10 =	sld [smem:$0x3FAD];
	_ =	sdelay $0x3  }
0x34: {  	[smem:$0x3FAD] =	sst s10  }
0x35: {  	s10 =	sld [smem:$0x3FAC];
	_ =	sdelay $0x3  }
0x36: {  	p1 =	seq.s32 s10, $0x1;
	s10 =	sld [smem:$0x3FAD];
	_ =	sdelay $0x3  }
0x37: {  	[smem:$0x3FAD] =	sst s10  }
0x38: {  	s10 =	sld [smem:$0x3FAE]  }
0x39: {  	_ = 	snop;
	(pc) =	sbr.ind lr, $3  }
0x3a: {  	_ = 	snop  }
0x3b: {  	_ = 	snop  }
0x3c: {  	p2 =	seq.s32 s10, $0x1;
	s10 =	sld [smem:$0x3FAD]  }
0x3d: {  	_ =	shalt  }
0x3e: {  	_ =	shalt  }
0x3f: {  	_ =	shalt  }
0x40: {  	_ =	shalt  }
0x41: {  	_ =	shalt  }
0x42: {  	_ =	shalt  }
0x43: {  	_ =	shalt  }
0x44: {  	_ =	shalt  }
0x45: {  	_ =	shalt  }
0x46: {  	_ =	shalt  }
0x47: {  	_ =	shalt  }
0x48: {  	_ =	shalt  }
0x49: {  	_ =	shalt  }
0x4a: {  	_ =	shalt  }
0x4b: {  	_ =	shalt  }
0x4c: {  	_ =	shalt  }
0x4d: {  	_ =	shalt  }
0x4e: {  	_ =	shalt  }
0x4f: {  	_ =	shalt  }
0x50: {  	_ =	shalt  }
0x51: {  	_ =	shalt  }
0x52: {  	_ =	shalt  }
0x53: {  	_ =	shalt  }
0x54: {  	_ =	shalt  }
0x55: {  	_ =	shalt  }
0x56: {  	_ =	shalt  }
0x57: {  	_ =	shalt  }
0x58: {  	_ =	shalt  }
0x59: {  	_ =	shalt  }
0x5a: {  	_ =	shalt  }
0x5b: {  	_ =	shalt  }
0x5c: {  	_ =	shalt  }
0x5d: {  	_ =	shalt  }
0x5e: {  	_ =	shalt  }
0x5f: {  	_ =	shalt  }
0x60: {  	_ =	shalt  }
0x61: {  	_ =	shalt  }
0x62: {  	_ =	shalt  }
0x63: {  	_ =	shalt  }
0x64: {  	_ =	shalt  }
0x65: {  	_ =	shalt  }
0x66: {  	_ =	shalt  }
0x67: {  	_ =	shalt  }
0x68: {  	_ =	shalt  }
0x69: {  	_ =	shalt  }
0x6a: {  	_ =	shalt  }
0x6b: {  	_ =	shalt  }
0x6c: {  	_ =	shalt  }
0x6d: {  	_ =	shalt  }
0x6e: {  	_ =	shalt  }
0x6f: {  	_ =	shalt  }
0x70: {  	_ =	shalt  }
0x71: {  	_ =	shalt  }
0x72: {  	_ =	shalt  }
0x73: {  	_ =	shalt  }
0x74: {  	_ =	shalt  }
0x75: {  	_ =	shalt  }
0x76: {  	_ =	shalt  }
0x77: {  	_ =	shalt  }
0x78: {  	_ =	shalt  }
0x79: {  	_ =	shalt  }
0x7a: {  	_ =	shalt  }
0x7b: {  	_ =	shalt  }
0x7c: {  	_ =	shalt  }
0x7d: {  	_ =	shalt  }
0x7e: {  	_ =	shalt  }
0x7f: {  	_ =	shalt  }
0x80: {  	_ =	shalt  }
0x81: {  	_ =	shalt  }
0x82: {  	_ =	shalt  }
0x83: {  	_ =	shalt  }
0x84: {  	_ =	shalt  }
0x85: {  	_ =	shalt  }
0x86: {  	_ =	shalt  }
0x87: {  	_ =	shalt  }
.Lfunc_end0:
.L_simem_size_0:
called_computation_lowered:
.L_overlay_start_0:
0x88: {  	s2 =	sld [smem:$0x3FD9]  }
0x89: {  	s3 =	sld [smem:$0x3FFE];
	_ =	sdelay $0x1  }
0x8a: {  	s1 =	srdreg.scid  }
0x8b: {  	s0 =	sand.u32 $0x1, s1  }
0x8c: {  	s17 =	sshll.u32 s0, $0xA;
	s2 =	sadd.s32 s3, s2  }
0x8d: {  	s2 =	sadd.s32 s2, s17  }
0x8e: {  	[smem:$0x3FB9] =	sst s2  }
0x8f: {  	_ = 	snop  }
0x90: {  	s2 =	sld [smem:$0x3FC9]  }
0x91: {  	s18 =	sld [smem:$0x3FD0];
	(tm) =	ssettm $0x1  }
0x92: {  	s4 =	sld [smem:$0x3FFB];
	_ =	sdelay $0x3  }
0x93: {  	_ =	strace s4  }
0x94: {  	s4 =	sld [smem:$0x3FFC];
	_ =	sdelay $0x3  }
0x95: {  	_ =	strace s4  }
0x96: {  	s4 =	sld [smem:$0x3FFD];
	_ =	sdelay $0x3  }
0x97: {  	_ =	strace s4  }
0x98: {  	_ =	strace $0x8FFFFFFF  }
0x99: {  	s19 =	sld [smem:$0x3FDB];
	_ =	sdelay $0x1  }
0x9a: {  	s5 =	simm.s32 $_scs_section_size  }
0x9b: {  	s6 =	simm.s32 $_size__tile_overlayer_lowered;
	s7 =	simm.s32 $_tile_overlayer_lowered  }
0x9c: {  	s22 =	simm.s32 $0x1BFF;
	s21 =	sshll.u32 s7, $0x1;
	s4 =	sadd.s32 s5, s19  }
0x9d: {  	s8 =	simm.s32 $0x0;
	s20 =	sshll.u32 s6, $0x1;
	s6 =	sadd.s32 s21, s4  }
0x9e: {  	[timem:s8], [sflag:s22] =	dma.local [hbm:s6], s20  }
0x9f: {  	_ =	swait.ge [sflag:s22], s20  }
0xa0: {  	s5 =	ssub.s32 $0x0, s20;
	[sflag:s22] =	ssyncset.done $0x0  }
0xa1: {  	[sflag:s22] =	ssyncadd.s32 s5;
	_ =	sdelay $0x1  }
0xa2: {  	s23 =	simm.s32 $0x1B8B  }
0xa3: {  	_ =	swait.ge [sflag:s23], $0x1  }
0xa4: {  	[sflag:s23] =	ssyncset.done $0x0  }
0xa5: {  	s25 =	simm.s32 $0x1B8E;
	s24 =	sld [smem:$0x3FFE];
	[sflag:s23] =	ssyncadd.s32 $0xFFFFFFFF  }
0xa6: {  	s26 =	simm.s32 $execute0_lowered;
	[smem:$0x3FD2] =	sst s25  }
0xa7: {  	s6 =	sshll.u32 s26, $0x1;
	_ =	strace $0x80000046;
	[dreg:$0x1] =	wrdreg $0xFFFFFFFF  }
0xa8: {  	s28 =	simm.s32 $_size_execute0_lowered;
	s4 =	sadd.s32 s4, s6;
	[dreg:$0x0] =	wrdreg $0x0  }
0xa9: {  	s6 =	sshll.u32 s28, $0x1;
	[dreg:$0x2] =	wrdreg s4  }
0xaa: {  	[dreg:$0x3] =	wrdreg s6  }
0xab: {  	[dreg:$0x4] =	wrdreg $0xC0  }
0xac: {  	_ =	task [dreg:s8], $0x5FFFF  }
0xad: {  	[dreg:$0x1] =	wrdreg $0xFFFFFFFF  }
0xae: {  	[dreg:$0x0] =	wrdreg $0x60  }
0xaf: {  	[dreg:$0x2] =	wrdreg s24  }
0xb0: {  	[dreg:$0x3] =	wrdreg s2  }
0xb1: {  	[dreg:$0x4] =	wrdreg s18  }
0xb2: {  	[dreg:$0x5] =	wrdreg $0x9  }
0xb3: {  	_ =	task.clear_ibuf [dreg:s8], $0x6FFFF;
	_ =	strace $0x90000046  }
0xb4: {  	s29 =	simm.s32 $0x9;
	_ =	strace $0x80000048  }
0xb5: {  	_ =	swait.ge [sflag:s29], $0x1  }
0xb6: {  	[sflag:s29] =	ssyncadd.s32 $0xFFFFFFFF  }
0xb7: {  	_ =	strace $0x90000048  }
0xb8: {  	_ =	sfence  }
0xb9: {  	s30 =	sld [smem:$0x0];
	_ =	sdelay $0x2  }
0xba: {  	s31 =	sshll.u32 s1, $0xD;
	s1 =	sshrl.u32 s1, $0x2  }
0xbb: {  	s3 =	sand.u32 $0x4000, s31;
	s1 =	sadd.s32 s1, s30  }
0xbc: {  	s0 =	sor.u32 s3, s0;
	s1 =	sshll.u32 s1, $0x11  }
0xbd: {  	s0 =	sor.u32 s1, s0  }
0xbe: {  	s0 =	sadd.s32 $0x8F2B, s0  }
0xbf: {  	[sflag:s0] =	ssyncadd.remote.s32 $0x1  }
0xc0: {  	_ =	sfence.sel $0xFFFF  }
0xc1: {  	[dreg:$0x0] =	wrdreg $0xFFFFFFFF;
	(pc) =	sbr.abs _section_cstart, $3  }
0xc2: {  	[dreg:$0x1] =	wrdreg $0xFFFFFFFF  }
0xc3: {  	_ =	task.clear_ibuf [dreg:s8], $0x2FFFF;
	_ =	strace $0x9FFFFFFF  }
0xc4: {  	(tm) =	ssettm $0x7FFFFFFF  }
0xc5: {  	_ =	shalt  }
tec
execute0_lowered:
.L_overlay_start_1:
0x0: {  	(tag) =	ssettag $0x1  }
0x1: {  	s0 =	rddreg [dreg:$0x0]  }
0x2: {  	s1 =	rddreg [dreg:$0x1]  }
0x3: {  	s3 =	rddreg [dreg:$0x2];
	s4 =	simm.s32 $0x0  }
0x4: {  	s2 =	srdreg.scid;
	s9 =	stileid.u32;
	s12 =	simm.s32 $0xD  }
0x5: {  	s14 =	simm.s32 $0x50;
	s15 =	simm.s32 $0x4000;
	s17 =	simm.s32 $0x6800  }
0x6: {  	s18 =	simm.s32 $0x1;
	s20 =	simm.s32 $0x9000;
	s21 =	simm.s32 $0x2  }
0x7: {  	s29 =	simm.s32 $0x6;
	s30 =	simm.s32 $0x7;
	s31 =	simm.s32 $0xA  }
0x8: {  	[smem:$0x7FF] =	sst s4;
	s2 =	sand.u32 $0x1, s2;
	s5 =	sshll.u32 s9, $0x1  }
0x9: {  	s9 =	smul.u32 $0x27600, s9;
	_ =	strace $0x80000047;
	s5 =	sor.u32 s2, s5  }
0xa: {  	s7 =	ssub.s32 $0x2, s2;
	s2 =	smul.u32 $0x13B00, s2;
	s6 =	sshll.u32 s5, $0xA  }
0xb: {  	s5 =	smul.u32 $0x13B00, s5;
	s8 =	sshrl.u32 s7, $0x1;
	s6 =	sadd.s32 s6, s0  }
0xc: {  	s0 =	sadd.s32 $0x12600, s0;
	s7 =	ssub.s32 s7, s8;
	s23 =	sadd.s32 $0x2600, s6  }
0xd: {  	s6 =	sadd.s32 $0xA600, s6;
	s24 =	sadd.s32 s9, s0;
	[dreg:$0x4] =	wrdreg s23  }
0xe: {  	s7 =	smax.u32 s7, $0x1;
	s5 =	sadd.s32 s0, s5;
	[dreg:$0x5] =	wrdreg s6  }
0xf: {  	s0 =	simm.s32 $0xB;
	[dreg:$0x6] =	wrdreg s7;
	s25 =	sadd.s32 s2, s24  }
0x10: {  	s26 =	sadd.s32 $0x500, s5;
	[dreg:$0x7] =	wrdreg s5;
	s28 =	sadd.s32 $0x13600, s5  }
0x11: {  	s23 =	simm.s32 $0x5;
	s2 =	simm.s32 $0x0;
	[dreg:$0x8] =	wrdreg s26  }
0x12: {  	[dreg:$0x9] =	wrdreg s28;
	s25 =	sadd.s32 $0xA00, s25;
	s26 =	simm.s32 $0x3  }
.LBB2_1:
0x13: {  	s5 =	rddreg [dreg:$0x4]  }
0x14: {  	[tilespmem:s4], [sflag:$0xD] =	stream.linear.gather [hbm4b:s5+s4], $0x1F80, $0x38;
	[tilespmem:$0xE000] =	vst v63  }
0x15: {  	_ =	swait.ge [sflag:s12], $0x1F80  }
0x16: {  	[sflag:s12] =	ssyncset.done $0x0  }
0x17: {  	s6 =	simm.s32 $0x2000;
	s9 =	rddreg [dreg:$0x5];
	[sflag:s12] =	ssyncadd.s32 $0xFFFFE080  }
0x18: {  	[tilespmem:s6], [sflag:$0xD] =	stream.linear.gather [hbm4b:s9+s4], $0x1F80, $0x38;
	[tilespmem:$0xE000] =	vst v63  }
0x19: {  	_ =	swait.ge [sflag:s12], $0x1F80  }
0x1a: {  	[sflag:s12] =	ssyncset.done $0x0  }
0x1b: {  	[sflag:s12] =	ssyncadd.s32 $0xFFFFE080  }
0x1c: {  	[tilespmem:s15], [sflag:$0x1] =	stream.indirect.gather [hbm4b:s1+s14], $0x80, s4, s14, $0xb8;
	[tilespmem:$0xE000] =	vst v63  }
0x1d: {  	s10 =	simm.s32 $0x80  }
0x1e: {  	[tilespmem:s17], [sflag:$0x2] =	stream.indirect.gather [hbm4b:s1+s14], $0x80, s10, s14, $0xb8;
	[tilespmem:$0xE000] =	vst v63  }
0x1f: {  	_ =	swait.ge [sflag:s18], $0x2800  }
0x20: {  	[sflag:s18] =	ssyncset.done $0x0  }
0x21: {  	[sflag:s18] =	ssyncadd.s32 $0xFFFFD800  }
0x22: {  	[tilespmem:s15], [sflag:$0x5] =	stream.indirect.gather.add.f32 [hbm:s3], $0x80, s6, s14, $0xb8;
	[tilespmem:$0xE000] =	vst v63  }
0x23: {  	s11 =	simm.s32 $0x100  }
0x24: {  	[tilespmem:s20], [sflag:$0x3] =	stream.indirect.gather [hbm4b:s1+s14], $0x80, s11, s14, $0xb8;
	[tilespmem:$0xE000] =	vst v63  }
0x25: {  	_ =	swait.ge [sflag:s21], $0x2800  }
0x26: {  	[sflag:s21] =	ssyncset.done $0x0  }
0x27: {  	s13 =	simm.s32 $0x2080;
	[sflag:s21] =	ssyncadd.s32 $0xFFFFD800  }
0x28: {  	[tilespmem:s17], [sflag:$0x6] =	stream.indirect.gather.add.f32 [hbm:s3], $0x80, s13, s14, $0xb8;
	[tilespmem:$0xE000] =	vst v63  }
0x29: {  	_ =	swait.ge [sflag:s23], $0x2800  }
0x2a: {  	s19 =	simm.s32 $0x180;
	s22 =	simm.s32 $0xB800;
	[sflag:s23] =	ssyncset.done $0x0  }
0x2b: {  	s7 =	simm.s32 $0x4;
	s16 =	rddreg [dreg:$0x7];
	[sflag:s23] =	ssyncadd.s32 $0xFFFFD800  }
0x2c: {  	[hbm4b:s16+s4] =	stream.linear.scatter [tilespmem:s15], [sflag:$0x9], $0x2800, $0x38;
	[tilespmem:$0xE000] =	vst v63  }
0x2d: {  	s24 =	simm.s32 $0x2100;
	p0 =	por $0x0, $0x0;
	s5 =	sand.u32 $0x3, s7  }
0x2e: {  	[tilespmem:s22], [sflag:$0x4] =	stream.indirect.gather [hbm4b:s1+s14], $0x80, s19, s14, $0xb8;
	[tilespmem:$0xE000] =	vst v63  }
0x2f: {  	s11 =	simm.s32 $0x2180;
	s19 =	simm.s32 $0x2;
	_ =	swait.ge [sflag:s26], $0x2800  }
0x30: {  	s22 =	smul.u32 @!p0 $0xA000, s5;
	s8 =	sand.u32 $0x3, s19;
	[sflag:s26] =	ssyncset.done $0x0  }
0x31: {  	s16 =	sadd.s32 $0x9, s5;
	s19 =	smul.u32 $0xA000, s8;
	[sflag:s26] =	ssyncadd.s32 $0xFFFFD800  }
0x32: {  	[tilespmem:s20], [sflag:$0x7] =	stream.indirect.gather.add.f32 [hbm:s3], $0x80, s24, s14, $0xb8;
	[tilespmem:$0xE000] =	vst v63  }
0x33: {  	s5 =	sadd.s32 @!p0 $0x1, s5;
	s22 =	sshrl.u32 @!p0 s22, $0x2;
	_ =	swait.ge [sflag:s29], $0x2800  }
0x34: {  	s24 =	simm.s32 $0x3;
	s13 =	sshrl.u32 s19, $0x2;
	[sflag:s29] =	ssyncset.done $0x0  }
0x35: {  	s24 =	sand.u32 $0x3, s24;
	s6 =	rddreg [dreg:$0x8];
	[sflag:s29] =	ssyncadd.s32 $0xFFFFD800  }
0x36: {  	[hbm4b:s6+s4] =	stream.linear.scatter [tilespmem:s17], [sflag:$0xA], $0x2800, $0x38;
	[tilespmem:$0xE000] =	vst v63  }
0x37: {  	s19 =	simm.s32 $0x280;
	s28 =	smul.u32 $0xA000, s24;
	_ =	swait.ge [sflag:s16], $0x2800  }
0x38: {  	s9 =	sadd.s32 $0x1, s24;
	s6 =	simm.s32 $0x200;
	[sflag:s16] =	ssyncset.done $0x0  }
0x39: {  	[sflag:s16] =	ssyncadd.s32 $0xFFFFD800;
	s16 =	sadd.s32 @!p0 $0x4000, s22;
	s22 =	simm.s32 @!p0 $0x50  }
0x3a: {  	[tilespmem:s16], [sflag:s5] =	stream.indirect.gather @!p0 [hbm4b:s1+s22], $0x80, s6, s22, $0xb8;
	[tilespmem:$0xE000] =	vst v63  }
0x3b: {  	s24 =	sadd.s32 $0x5, s24;
	s10 =	sshrl.u32 s28, $0x2;
	_ =	swait.ge [sflag:s9], $0x2800  }
0x3c: {  	s28 =	sadd.s32 $0x5, s8;
	s16 =	simm.s32 $0x5;
	[sflag:s9] =	ssyncset.done $0x0  }
0x3d: {  	s22 =	sadd.s32 $0x4000, s10;
	s5 =	sadd.s32 $0x9, s8;
	[sflag:s9] =	ssyncadd.s32 $0xFFFFD800  }
0x3e: {  	[tilespmem:s22], [sflag:s24] =	stream.indirect.gather.add.f32 [hbm:s3], $0x80, s11, s14, $0xb8;
	[tilespmem:$0xE000] =	vst v63  }
0x3f: {  	s6 =	sadd.s32 $0x4000, s13;
	s22 =	simm.s32 $0x2200;
	_ =	swait.ge [sflag:s28], $0x2800  }
0x40: {  	s11 =	smov.u32 s25;
	s24 =	smov.u32 s25;
	[sflag:s28] =	ssyncset.done $0x0  }
.LBB2_2:
0x41: {  	[sflag:s28] =	ssyncadd.s32 $0xFFFFD800  }
0x42: {  	s11 =	sadd.s32 $0x500, s11;
	s28 =	smov.u32 s16;
	s16 =	sadd.s32 $0x1, s16  }
0x43: {  	[hbm4b:s24+s4] =	stream.linear.scatter [tilespmem:s6], [sflag:s5], $0x2800, $0x38;
	[tilespmem:$0xE000] =	vst v63  }
0x44: {  	s5 =	sadd.s32 $0xFFFFFFFE, s28;
	p0 =	sne.s32 s16, $0x40;
	s24 =	smov.u32 s11  }
0x45: {  	s7 =	sand.u32 $0x3, s28;
	s6 =	sand.u32 $0x3, s5;
	p1 =	sgt.u32 s5, $0x3C  }
0x46: {  	s5 =	sadd.s32 $0x9, s7;
	s9 =	smul.u32 @!p1 $0xA000, s7;
	s7 =	sadd.s32 @!p1 $0x1, s7  }
0x47: {  	s13 =	smul.u32 $0xA000, s6;
	_ =	swait.ge [sflag:s5], $0x2800  }
0x48: {  	s28 =	sadd.s32 $0xFFFFFFFF, s28;
	s9 =	sshrl.u32 @!p1 s9, $0x2;
	[sflag:s5] =	ssyncset.done $0x0  }
0x49: {  	s28 =	sand.u32 $0x3, s28;
	[sflag:s5] =	ssyncadd.s32 $0xFFFFD800;
	s5 =	sadd.s32 @!p1 $0x4000, s9  }
0x4a: {  	s10 =	smul.u32 $0xA000, s28;
	s8 =	sadd.s32 $0x1, s28;
	s9 =	simm.s32 @!p1 $0x50  }
0x4b: {  	[tilespmem:s5], [sflag:s7] =	stream.indirect.gather @!p1 [hbm4b:s1+s9], $0x80, s19, s9, $0xb8;
	[tilespmem:$0xE000] =	vst v63  }
0x4c: {  	s5 =	sshrl.u32 s10, $0x2;
	s7 =	sadd.s32 $0x5, s28;
	_ =	swait.ge [sflag:s8], $0x2800  }
.Ltmp0:
0x4d: {  	s5 =	sadd.s32 $0x4000, s5;
	[sflag:s8] =	ssyncset.done $0x0;
	(pc) =	sbr.rel @p0 .LBB2_2-.Ltmp0, $4  }
0x4e: {  	s28 =	sadd.s32 $0x5, s6;
	[sflag:s8] =	ssyncadd.s32 $0xFFFFD800;
	s8 =	sshrl.u32 s13, $0x2  }
0x4f: {  	[tilespmem:s5], [sflag:s7] =	stream.indirect.gather.add.f32 [hbm:s3], $0x80, s22, s14, $0xb8;
	[tilespmem:$0xE000] =	vst v63  }
0x50: {  	s19 =	sadd.s32 $0x80, s19;
	s22 =	sadd.s32 $0x80, s22;
	_ =	swait.ge [sflag:s28], $0x2800  }
0x51: {  	s5 =	sadd.s32 $0x9, s6;
	s6 =	sadd.s32 $0x4000, s8;
	[sflag:s28] =	ssyncset.done $0x0  }
0x52: {  	[sflag:s28] =	ssyncadd.s32 $0xFFFFD800;
	s22 =	sand.u32 $0x3, s16  }
0x53: {  	[hbm4b:s24+s4] =	stream.linear.scatter [tilespmem:s6], [sflag:s5], $0x2800, $0x38;
	[tilespmem:$0xE000] =	vst v63  }
0x54: {  	s5 =	sadd.s32 $0x9, s22  }
0x55: {  	_ =	swait.ge [sflag:s5], $0x2800  }
0x56: {  	[sflag:s5] =	ssyncset.done $0x0  }
0x57: {  	[sflag:s5] =	ssyncadd.s32 $0xFFFFD800  }
0x58: {  	_ =	swait.ge [sflag:s30], $0x2800  }
0x59: {  	[sflag:s30] =	ssyncset.done $0x0  }
0x5a: {  	s24 =	rddreg [dreg:$0x9];
	[sflag:s30] =	ssyncadd.s32 $0xFFFFD800  }
0x5b: {  	[hbm4b:s24+s4] =	stream.linear.scatter [tilespmem:s20], [sflag:$0xB], $0x2800, $0x38;
	[tilespmem:$0xE000] =	vst v63  }
0x5c: {  	_ =	swait.ge [sflag:s31], $0x2800  }
0x5d: {  	[sflag:s31] =	ssyncset.done $0x0  }
0x5e: {  	[sflag:s31] =	ssyncadd.s32 $0xFFFFD800  }
0x5f: {  	_ =	swait.ge [sflag:s0], $0x2800  }
0x60: {  	s2 =	sadd.s32 $0x1, s2;
	s28 =	rddreg [dreg:$0x6]  }
0x61: {  	p0 =	sne.s32 s2, s28  }
.Ltmp1:
0x62: {  	_ = 	snop;
	(pc) =	sbr.rel @p0 .LBB2_1-.Ltmp1, $3  }
0x63: {  	_ =	sdelay $0x1  }
0x64: {  	[sflag:s0] =	ssyncset.done $0x0  }
0x65: {  	[sflag:s0] =	ssyncadd.s32 $0xFFFFD800  }
0x66: {  	_ =	sfence.sel $0x180000  }
0x67: {  	[bflag:$0x0] =	sbarrier.arrive $0xFFFF  }
0x68: {  	_ =	strace $0x90000047  }
0x69: {  	s0 =	stileid.u32;
	[bflag:$0x2] =	sbarrier.arrive $0xFFFF  }
0x6a: {  	p0 =	sne.s32 s0, $0x0;
	s0 =	rddreg [dreg:$0x3]  }
0x6b: {  	s0 =	sadd.s32 @!p0 $0x100000, s0  }
0x6c: {  	[sflag:s0] =	ssyncadd.tile.s32 @!p0 $0x1;
	_ =	shalt  }
.Lfunc_end2:
_tile_overlayer_lowered:
.L_overlay_start_2:
0x6d: {  	(tag) =	ssettag $0x2  }
0x6e: {  	s0 =	rddreg [dreg:$0x0];
	s2 =	stileid.u32  }
0x6f: {  	s1 =	rddreg [dreg:$0x1];
	p0 =	sne.s32 s2, $0x0  }
0x70: {  	s3 =	rddreg [dreg:$0x2];
	[bflag:$0x3] =	sbarrier.arrive $0xFFFF;
	s2 =	simm.s32 @!p0 $0x1C0D  }
0x71: {  	[timem:s3], [sflag:s2] =	dma.local @!p0 [hbm:s0], s1  }
0x72: {  	s0 =	simm.s32 @!p0 $0xD  }
0x73: {  	_ =	swait.ge @!p0 [sflag:s0], s1  }
0x74: {  	s1 =	ssub.s32 @!p0 $0x0, s1;
	[sflag:s0] =	ssyncset.done @!p0 $0x0  }
0x75: {  	[sflag:s0] =	ssyncadd.s32 @!p0 s1  }
0x76: {  	[bflag:$0x3] =	sbarrier.arrive $0xFFFF  }
0x77: {  	_ =	shalt  }

</sc_bundles>
